<compile_context>
chip_gen: v7x
topology: tpu7x:2x2x1
jax: 0.10.2.dev20260603
libtpu: 0.0.44.dev20260713+nightly
codegen_flags: <defaults>
</compile_context>

<pallas_src>
import functools

import jax
import jax.numpy as jnp
from jax import lax
from jax.experimental import pallas as pl
from jax.experimental.pallas import tpu as pltpu
from jax.experimental.pallas import tpu_sc as plsc

N = 100000
E = 3200000
NTILES = 32
W = 2048
CH0 = 100352
NF0 = CH0 // W
NF31 = (E - 31 * CH0) // W
TAIL31 = (E - 31 * CH0 - NF31 * W) // 128
BLK = 3200
NPAD = NTILES * BLK
ROWS = NPAD // 16
EB = E + NTILES * 16 + W
ACC = BLK * 5
MAXWIN = EB // W + 1

_mesh = plsc.VectorSubcoreMesh(core_axis_name="c", subcore_axis_name="s")


def _iota16():
    return lax.iota(jnp.int32, 16)


def _owner_local(cv):
    owner = lax.shift_right_logical(
        lax.shift_right_logical(cv, 7) * 164, 12)
    local = cv - owner * BLK
    return owner, local


def _fill_f32(ref, nelem, val):
    def b(i, _):
        ref[pl.ds(i * 16, 16)] = jnp.full((16,), val, jnp.float32)
        return 0
    lax.fori_loop(0, nelem // 16, b, 0)


def _fill_i32(ref, nelem, val):
    def b(i, _):
        ref[pl.ds(i * 16, 16)] = jnp.full((16,), val, jnp.int32)
        return 0
    lax.fori_loop(0, nelem // 16, b, 0)


def _k1_body(col2_hbm, attr_hbm, z8_hbm, o8_hbm,
             sums_hbm, hist_hbm,
             colbuf, abuf8, histbuf, acc8):
    c = lax.axis_index("c")
    s = lax.axis_index("s")
    w = c * 16 + s
    it16 = _iota16()
    onei = jnp.full((16,), 1, jnp.int32)

    _fill_i32(histbuf, 512, 0)
    pltpu.sync_copy(o8_hbm, abuf8)

    r0 = s * ROWS
    pltpu.sync_copy(z8_hbm.at[pl.ds(r0, ROWS), :], acc8.at[pl.ds(r0, ROWS), :])
    plsc.subcore_barrier()

    def window(row0, nsub):
        pltpu.sync_copy(col2_hbm.at[pl.ds(row0, nsub), :],
                        colbuf.at[pl.ds(0, nsub), :])
        pltpu.sync_copy(attr_hbm.at[pl.ds(row0 * 128, nsub * 128), :],
                        abuf8.at[pl.ds(0, nsub * 128), pl.ds(0, 7)])

        def fire(i, _):
            pltpu.sync_copy(abuf8.at[pl.ds(i * 128, 128), :],
                            acc8.at[colbuf.at[i]], add=True)
            return 0
        lax.fori_loop(0, nsub, fire, 0)

        def hist(k, _):
            cv = colbuf[k // 8, pl.ds((k % 8) * 16, 16)]
            owner, _ = _owner_local(cv)
            plsc.addupdate_scatter(histbuf, [owner * 16 + it16], onei)
            return 0
        lax.fori_loop(0, nsub * 8, hist, 0)

    def wloop(j, _):
        window(w * (CH0 // 128) + j * (W // 128), 16)
        return 0
    nfull = jnp.where(w == 31, NF31, NF0)
    lax.fori_loop(0, nfull, wloop, 0)

    @pl.when(w == 31)
    def _tail():
        window(31 * (CH0 // 128) + NF31 * (W // 128), TAIL31)

    plsc.subcore_barrier()
    pltpu.sync_copy(histbuf, hist_hbm.at[w])
    pltpu.sync_copy(acc8.at[pl.ds(r0, ROWS), :],
                    sums_hbm.at[c, pl.ds(r0, ROWS), :])


_k1 = functools.partial(
    pl.kernel,
    out_type=(
        jax.ShapeDtypeStruct((2, NPAD, 8), jnp.float32),
        jax.ShapeDtypeStruct((NTILES, 512), jnp.int32),
    ),
    mesh=_mesh,
    compiler_params=pltpu.CompilerParams(needs_layout_passes=False, use_tc_tiling_on_sc=False),
    scratch_types=[
        pltpu.VMEM((16, 128), jnp.int32),
        pltpu.VMEM((W, 8), jnp.float32),
        pltpu.VMEM((512,), jnp.int32),
        pltpu.VMEM_SHARED((NPAD, 8), jnp.float32),
    ],
)(_k1_body)


def _k2_body(col2_hbm, attr_hbm, base_hbm, loc_out, att_out,
             colbuf, attrbuf, posbuf, locbuf, cntbuf, semL, semA):
    c = lax.axis_index("c")
    s = lax.axis_index("s")
    w = c * 16 + s
    it16 = _iota16()

    pltpu.sync_copy(base_hbm.at[w], cntbuf)

    def window(row0, nsub):
        pltpu.sync_copy(col2_hbm.at[pl.ds(row0, nsub), :],
                        colbuf.at[pl.ds(0, nsub), :])
        pltpu.sync_copy(attr_hbm.at[pl.ds(row0 * 128, nsub * 128), :],
                        attrbuf.at[pl.ds(0, nsub * 128), pl.ds(0, 7)])

        def place(k, _):
            cv = colbuf[k // 8, pl.ds((k % 8) * 16, 16)]
            owner, local = _owner_local(cv)
            addr = owner * 16 + it16
            pos = plsc.load_gather(cntbuf, [addr])
            plsc.store_scatter(cntbuf, [addr], pos + 1)
            posbuf[k // 8, pl.ds((k % 8) * 16, 16)] = pos
            locbuf[k // 8, pl.ds((k % 8) * 16, 16)] = local
            return 0
        lax.fori_loop(0, nsub * 8, place, 0)

        def fire(i, _):
            d1 = pltpu.async_copy(locbuf.at[i], loc_out.at[posbuf.at[i]],
                                  semL)
            d2 = pltpu.async_copy(attrbuf.at[pl.ds(i * 128, 128), :],
                                  att_out.at[posbuf.at[i]], semA)
            d1.wait()
            d2.wait()
            return 0
        lax.fori_loop(0, nsub, fire, 0)

    def wloop(j, _):
        window(w * (CH0 // 128) + j * (W // 128), 16)
        return 0
    nfull = jnp.where(w == 31, NF31, NF0)
    lax.fori_loop(0, nfull, wloop, 0)

    @pl.when(w == 31)
    def _tail():
        window(31 * (CH0 // 128) + NF31 * (W // 128), TAIL31)


_k2 = functools.partial(
    pl.kernel,
    out_type=(
        jax.ShapeDtypeStruct((EB,), jnp.int32),
        jax.ShapeDtypeStruct((EB, 8), jnp.float32),
    ),
    mesh=_mesh,
    compiler_params=pltpu.CompilerParams(needs_layout_passes=False, use_tc_tiling_on_sc=False),
    scratch_types=[
        pltpu.VMEM((16, 128), jnp.int32),
        pltpu.VMEM((W, 8), jnp.float32),
        pltpu.VMEM((16, 128), jnp.int32),
        pltpu.VMEM((16, 128), jnp.int32),
        pltpu.VMEM((512,), jnp.int32),
        pltpu.SemaphoreType.DMA,
        pltpu.SemaphoreType.DMA,
    ],
)(_k2_body)


def _k3_body(loc_hbm, att_hbm, segs_hbm, segc_hbm, min_out, max_out,
             locw, attw, accmin, accmax, segbuf):
    c = lax.axis_index("c")
    s = lax.axis_index("s")
    o = c * 16 + s
    it16 = _iota16()

    _fill_f32(accmin, ACC, jnp.inf)
    _fill_f32(accmax, ACC, -jnp.inf)

    pltpu.sync_copy(segs_hbm, segbuf.at[pl.ds(0, 32)])
    pltpu.sync_copy(segc_hbm, segbuf.at[pl.ds(32, 32)])
    sub = c * 16
    sv = segbuf[pl.ds(sub, 16)]
    nv = segbuf[pl.ds(32 + sub, 16)]
    pick = jnp.where(it16 == s, jnp.int32(1), jnp.int32(0))
    seg0 = pl.multiple_of(jnp.sum(sv * pick), 16)
    segn = jnp.sum(nv * pick)

    def vreg(k, joff):
        rem = segn - (joff + k * 16)
        lanemask = it16 < rem
        loc = locw[pl.ds(k * 16, 16)]
        loc5 = loc * 5
        rowi = k * 16 + it16
        vals = [plsc.load_gather(attw, [rowi, jnp.full((16,), cc + 2,
                                                       jnp.int32)])
                for cc in range(5)]

        def cond(m):
            return jnp.sum(jnp.where(m, jnp.int32(1), jnp.int32(0))) > 0

        def body(m):
            _, last = plsc.scan_count(loc, mask=m)
            for cc in range(5):
                a = loc5 + cc
                cur = plsc.load_gather(accmin, [a], mask=last)
                plsc.store_scatter(accmin, [a],
                                   jnp.minimum(cur, vals[cc]), mask=last)
                cur2 = plsc.load_gather(accmax, [a], mask=last)
                plsc.store_scatter(accmax, [a],
                                   jnp.maximum(cur2, vals[cc]), mask=last)
            return m & jnp.logical_not(last)

        lax.while_loop(cond, body, lanemask)
        return joff

    def wloop(j, _):
        @pl.when(j * W < segn)
        def _go():
            base = seg0 + j * W
            pltpu.sync_copy(loc_hbm.at[pl.ds(base, W)], locw)
            pltpu.sync_copy(att_hbm.at[pl.ds(base, W), :], attw)
            lax.fori_loop(0, W // 16, vreg, j * W)
        return 0
    lax.fori_loop(0, MAXWIN, wloop, 0)

    pltpu.sync_copy(accmin, min_out.at[o])
    pltpu.sync_copy(accmax, max_out.at[o])


_k3 = functools.partial(
    pl.kernel,
    out_type=(
        jax.ShapeDtypeStruct((NTILES, ACC), jnp.float32),
        jax.ShapeDtypeStruct((NTILES, ACC), jnp.float32),
    ),
    mesh=_mesh,
    compiler_params=pltpu.CompilerParams(needs_layout_passes=False, use_tc_tiling_on_sc=False),
    scratch_types=[
        pltpu.VMEM((W,), jnp.int32),
        pltpu.VMEM((W, 8), jnp.float32),
        pltpu.VMEM((ACC,), jnp.float32),
        pltpu.VMEM((ACC,), jnp.float32),
        pltpu.VMEM((64,), jnp.int32),
    ],
)(_k3_body)


BN = 2048


def _mlp_body(sp, mn, mx, w1, b1, w2, b2, w3, b3, w4, b4, w5, b5, out):
    sboth = sp[0] + sp[1]
    ssum = sboth[:, 0:7]
    ne = sboth[:, 7:8] > 0.0
    mnv = jnp.where(ne, mn[...], 0.0)
    mxv = jnp.where(ne, mx[...], 0.0)
    inp = jnp.concatenate([ssum, mnv, mxv], axis=1)
    h = jnp.maximum(jnp.dot(inp, w1[...], preferred_element_type=jnp.float32)
                    + b1[...], 0.0)
    h = jnp.maximum(jnp.dot(h, w2[...], preferred_element_type=jnp.float32)
                    + b2[...], 0.0)
    h = jnp.maximum(jnp.dot(h, w3[...], preferred_element_type=jnp.float32)
                    + b3[...], 0.0)
    h = jnp.maximum(jnp.dot(h, w4[...], preferred_element_type=jnp.float32)
                    + b4[...], 0.0)
    out[...] = (jnp.dot(h, w5[...], preferred_element_type=jnp.float32)
                + b5[...])


def kernel(x, edge_index, edge_attr, u, batch,
           W1, b1, W2, b2, W3, b3, W4, b4, W5, b5):
    col2 = edge_index[1].reshape(E // 128, 128)
    z8 = jnp.zeros((NPAD, 8), jnp.float32)
    o8 = jnp.ones((W, 8), jnp.float32)
    sums, hist = _k1(col2, edge_attr, z8, o8)

    h = hist.reshape(NTILES, 32, 16)
    tot = h.sum(axis=(0, 2))
    ptot = ((tot + 15) // 16) * 16
    segs = jnp.concatenate([jnp.zeros((1,), jnp.int32),
                            jnp.cumsum(ptot)[:-1].astype(jnp.int32)])
    how = h.transpose(1, 0, 2).reshape(32, NTILES * 16)
    ex = jnp.concatenate(
        [jnp.zeros((32, 1), jnp.int32),
         jnp.cumsum(how, axis=1)[:, :-1].astype(jnp.int32)], axis=1)
    base = (segs[:, None] + ex).reshape(32, NTILES, 16) \
        .transpose(1, 0, 2).reshape(NTILES, 512)

    loc, att = _k2(col2, edge_attr, base)
    mn, mx = _k3(loc, att, segs, tot.astype(jnp.int32))
    mn = mn.reshape(NPAD, 5)
    mx = mx.reshape(NPAD, 5)

    grid = NPAD // BN
    out = pl.pallas_call(
        _mlp_body,
        grid=(grid,),
        in_specs=[
            pl.BlockSpec((2, BN, 8), lambda i: (0, i, 0)),
            pl.BlockSpec((BN, 5), lambda i: (i, 0)),
            pl.BlockSpec((BN, 5), lambda i: (i, 0)),
            pl.BlockSpec((17, 32), lambda i: (0, 0)),
            pl.BlockSpec((1, 32), lambda i: (0, 0)),
            pl.BlockSpec((32, 32), lambda i: (0, 0)),
            pl.BlockSpec((1, 32), lambda i: (0, 0)),
            pl.BlockSpec((32, 32), lambda i: (0, 0)),
            pl.BlockSpec((1, 32), lambda i: (0, 0)),
            pl.BlockSpec((32, 32), lambda i: (0, 0)),
            pl.BlockSpec((1, 32), lambda i: (0, 0)),
            pl.BlockSpec((32, 2), lambda i: (0, 0)),
            pl.BlockSpec((1, 2), lambda i: (0, 0)),
        ],
        out_specs=pl.BlockSpec((BN, 2), lambda i: (i, 0)),
        out_shape=jax.ShapeDtypeStruct((NPAD, 2), jnp.float32),
    )(sums, mn, mx,
      W1, b1.reshape(1, 32), W2, b2.reshape(1, 32), W3, b3.reshape(1, 32),
      W4, b4.reshape(1, 32), W5, b5.reshape(1, 2))
    return out[:N]

# --- scband reference (transcript-rebuilt; emitter-appended) ---
"""Pipeline reference for scband-node-update-57629871177756 (READ-ONLY COPY).

The authoritative reference and input builder live on the scoring server;
editing this copy changes nothing except your own understanding.
"""

import jax, jax.numpy as jnp
import numpy as np

N = 100000
E = 3200000
D = 128


def _glorot(key, shape):
    fan_in, fan_out = shape[0], shape[1]
    lim = np.sqrt(6.0 / (fan_in + fan_out))
    return jax.random.uniform(key, shape, jnp.float32, -lim, lim)


def setup_inputs(seed: int = 0) -> dict:
    key = jax.random.key(seed)
    ks = jax.random.split(key, 16)
    x = jax.random.normal(ks[0], (N, D), jnp.float32)
    edge_index = jax.random.randint(ks[1], (2, E), 0, N, dtype=jnp.int32)
    edge_attr = jax.random.normal(ks[2], (E, 7), jnp.float32)
    u = jax.random.normal(ks[3], (1, 16), jnp.float32)
    batch = jnp.zeros((N,), dtype=jnp.int32)
    dims = [(17, 32), (32, 32), (32, 32), (32, 32), (32, 2)]
    params = {}
    for i, (di, do) in enumerate(dims):
        params[f"W{i+1}"] = _glorot(ks[4 + i], (di, do))
        params[f"b{i+1}"] = jnp.zeros((do,), jnp.float32)
    out = {"x": x, "edge_index": edge_index, "edge_attr": edge_attr, "u": u, "batch": batch}
    out.update(params)
    return out


def reference(x, edge_index, edge_attr, u, batch, W1, b1, W2, b2, W3, b3, W4, b4, W5, b5):
    dds = edge_attr[:, :2]
    hidden = edge_attr[:, 2:]
    col = edge_index[1]
    dd = jax.ops.segment_sum(dds, col, num_segments=N)
    s = jax.ops.segment_sum(hidden, col, num_segments=N)
    mn = jax.ops.segment_min(hidden, col, num_segments=N)
    mx = jax.ops.segment_max(hidden, col, num_segments=N)
    cnt = jax.ops.segment_sum(jnp.ones((E,), jnp.float32), col, num_segments=N)
    nonempty = (cnt > 0)[:, None]
    # torch_scatter leaves empty segments at 0 for min/max
    mn = jnp.where(nonempty, mn, 0.0)
    mx = jnp.where(nonempty, mx, 0.0)
    inputs = jnp.concatenate([dd, s, mn, mx], axis=1)
    h = jax.nn.relu(inputs @ W1 + b1)
    h = jax.nn.relu(h @ W2 + b2)
    h = jax.nn.relu(h @ W3 + b3)
    h = jax.nn.relu(h @ W4 + b4)
    return h @ W5 + b5

if __name__ == "__main__":
    import jax
    _d = setup_inputs()
    print(jax.jit(kernel)(*tuple(_d.values())))

</pallas_src>

<mosaic_0001>
#map = affine_map<(d0, d1) -> (0, 0)>
#map1 = affine_map<(d0, d1) -> (0)>
module attributes {stable_mosaic.version = 14 : i64} {
  func.func @_k2_body(%arg0: i32, %arg1: i32, %arg2: memref<25000x128xi32, #tpu.memory_space<hbm>>, %arg3: memref<3200000x7xf32, #tpu.memory_space<hbm>>, %arg4: memref<32x512xi32, #tpu.memory_space<hbm>>, %arg5: memref<3202560xi32, #tpu.memory_space<hbm>>, %arg6: memref<3202560x8xf32, #tpu.memory_space<hbm>>, %arg7: memref<16x128xi32, #tpu.memory_space<vmem>>, %arg8: memref<2048x8xf32, #tpu.memory_space<vmem>>, %arg9: memref<16x128xi32, #tpu.memory_space<vmem>>, %arg10: memref<16x128xi32, #tpu.memory_space<vmem>>, %arg11: memref<512xi32, #tpu.memory_space<vmem>>, %arg12: memref<!tpu.dma_semaphore, #tpu.memory_space<semaphore_mem>>, %arg13: memref<!tpu.dma_semaphore, #tpu.memory_space<semaphore_mem>>) attributes {dimension_semantics = [#tpu.dimension_semantics<core_parallel>, #tpu.dimension_semantics<subcore_parallel>], iteration_bounds = array<i64: 2, 16>, scalar_prefetch = 0 : i64, scratch_operands = 7 : i64, tpu.core_type = #tpu.core_type<sc_vector_subcore>, window_params = [{transform_indices = #map}, {transform_indices = #map}, {transform_indices = #map}, {transform_indices = #map1}, {transform_indices = #map}]} {
    %mul3A = arith.constant 16 : i32
    %mul3A_0 = arith.muli %arg0, %mul3A : i32
    %add3A = arith.addi %mul3A_0, %arg1 : i32
    %iota3A = tpu.iota {dimensions = array<i32: 0>} : vector<16xi32>
    "tpu.region"() ({
      %run_scoped3A = tpu.sem_alloc : memref<!tpu.dma_semaphore, #tpu.memory_space<semaphore_mem>>
      %dma_start3A = arith.constant 0 : i32
      %dma_start3A_17 = tpu.memref_slice %arg4[%add3A, %dma_start3A] : memref<32x512xi32, #tpu.memory_space<hbm>> -> memref<1x512xi32, #tpu.memory_space<hbm>>
      %dma_start3A_18 = tpu.memref_squeeze %dma_start3A_17 : memref<1x512xi32, #tpu.memory_space<hbm>> -> memref<512xi32, #tpu.memory_space<hbm>>
      %dma_start3A_19 = arith.constant 0 : i32
      %dma_start3A_20 = tpu.memref_slice %arg4[%add3A, %dma_start3A_19] : memref<32x512xi32, #tpu.memory_space<hbm>> -> memref<1x512xi32, #tpu.memory_space<hbm>>
      %dma_start3A_21 = tpu.memref_squeeze %dma_start3A_20 : memref<1x512xi32, #tpu.memory_space<hbm>> -> memref<512xi32, #tpu.memory_space<hbm>>
      tpu.enqueue_dma source(%dma_start3A_21 : memref<512xi32, #tpu.memory_space<hbm>>) target(%arg11 : memref<512xi32, #tpu.memory_space<vmem>>) target_semaphore(%run_scoped3A : memref<!tpu.dma_semaphore, #tpu.memory_space<semaphore_mem>>)
      %dma_wait3A = arith.constant 0 : i32
      %dma_wait3A_22 = tpu.memref_slice %arg4[%add3A, %dma_wait3A] : memref<32x512xi32, #tpu.memory_space<hbm>> -> memref<1x512xi32, #tpu.memory_space<hbm>>
      %dma_wait3A_23 = tpu.memref_squeeze %dma_wait3A_22 : memref<1x512xi32, #tpu.memory_space<hbm>> -> memref<512xi32, #tpu.memory_space<hbm>>
      %dma_wait3A_24 = arith.constant 0 : i32
      %dma_wait3A_25 = tpu.memref_slice %arg4[%add3A, %dma_wait3A_24] : memref<32x512xi32, #tpu.memory_space<hbm>> -> memref<1x512xi32, #tpu.memory_space<hbm>>
      %dma_wait3A_26 = tpu.memref_squeeze %dma_wait3A_25 : memref<1x512xi32, #tpu.memory_space<hbm>> -> memref<512xi32, #tpu.memory_space<hbm>>
      tpu.wait_dma2 semaphore(%run_scoped3A : memref<!tpu.dma_semaphore, #tpu.memory_space<semaphore_mem>>) src(%dma_wait3A_26 : memref<512xi32, #tpu.memory_space<hbm>>) dst(%arg11 : memref<512xi32, #tpu.memory_space<vmem>>)
      tpu.yield
    }) : () -> ()
    %eq3A = arith.constant 31 : i32
    %eq3A_1 = arith.cmpi eq, %add3A, %eq3A : i32
    %jit3A = arith.constant 43 : i32
    %jit3A_2 = arith.constant 49 : i32
    %select_n3A = arith.select %eq3A_1, %jit3A, %jit3A_2 : i32
    %while3A = arith.constant 0 : i32
    %while3A_3 = arith.constant 0 : i32
    %while3A_4 = arith.subi %select_n3A, %while3A : i32
    %while3A_5 = arith.addi %while3A, %while3A_4 : i32
    %while3A_6 = arith.constant 1 : i32
    %while3A_7 = arith.divsi %while3A_4, %while3A_6 : i32
    %while3A_8 = arith.muli %while3A_7, %while3A_6 : i32
    %while3A_9 = arith.addi %while3A, %while3A_8 : i32
    %while3A_10 = arith.constant 1 : i32
    %while3A_11 = scf.for %while3A_17 = %while3A to %while3A_9 step %while3A_10 iter_args(%while3A_18 = %while3A_3) -> (i32)  : i32 {
      %mul3A_19 = arith.constant 784 : i32
      %mul3A_20 = arith.muli %add3A, %mul3A_19 : i32
      %mul3A_21 = arith.constant 16 : i32
      %mul3A_22 = arith.muli %while3A_17, %mul3A_21 : i32
      %add3A_23 = arith.addi %mul3A_20, %mul3A_22 : i32
      "tpu.region"() ({
        %run_scoped3A = tpu.sem_alloc : memref<!tpu.dma_semaphore, #tpu.memory_space<semaphore_mem>>
        %dma_start3A = arith.constant 0 : i32
        %dma_start3A_40 = arith.constant 0 : i32
        %dma_start3A_41 = tpu.memref_slice %arg7[%dma_start3A, %dma_start3A_40] : memref<16x128xi32, #tpu.memory_space<vmem>> -> memref<16x128xi32, #tpu.memory_space<vmem>>
        %dma_start3A_42 = arith.constant 0 : i32
        %dma_start3A_43 = tpu.memref_slice %arg2[%add3A_23, %dma_start3A_42] : memref<25000x128xi32, #tpu.memory_space<hbm>> -> memref<16x128xi32, #tpu.memory_space<hbm>>
        %dma_start3A_44 = arith.constant 0 : i32
        %dma_start3A_45 = arith.constant 0 : i32
        %dma_start3A_46 = tpu.memref_slice %arg7[%dma_start3A_44, %dma_start3A_45] : memref<16x128xi32, #tpu.memory_space<vmem>> -> memref<16x128xi32, #tpu.memory_space<vmem>>
        %dma_start3A_47 = arith.constant 0 : i32
        %dma_start3A_48 = tpu.memref_slice %arg2[%add3A_23, %dma_start3A_47] : memref<25000x128xi32, #tpu.memory_space<hbm>> -> memref<16x128xi32, #tpu.memory_space<hbm>>
        tpu.enqueue_dma source(%dma_start3A_48 : memref<16x128xi32, #tpu.memory_space<hbm>>) target(%dma_start3A_46 : memref<16x128xi32, #tpu.memory_space<vmem>>) target_semaphore(%run_scoped3A : memref<!tpu.dma_semaphore, #tpu.memory_space<semaphore_mem>>)
        %dma_wait3A = arith.constant 0 : i32
        %dma_wait3A_49 = arith.constant 0 : i32
        %dma_wait3A_50 = tpu.memref_slice %arg7[%dma_wait3A, %dma_wait3A_49] : memref<16x128xi32, #tpu.memory_space<vmem>> -> memref<16x128xi32, #tpu.memory_space<vmem>>
        %dma_wait3A_51 = arith.constant 0 : i32
        %dma_wait3A_52 = tpu.memref_slice %arg2[%add3A_23, %dma_wait3A_51] : memref<25000x128xi32, #tpu.memory_space<hbm>> -> memref<16x128xi32, #tpu.memory_space<hbm>>
        %dma_wait3A_53 = arith.constant 0 : i32
        %dma_wait3A_54 = arith.constant 0 : i32
        %dma_wait3A_55 = tpu.memref_slice %arg7[%dma_wait3A_53, %dma_wait3A_54] : memref<16x128xi32, #tpu.memory_space<vmem>> -> memref<16x128xi32, #tpu.memory_space<vmem>>
        %dma_wait3A_56 = arith.constant 0 : i32
        %dma_wait3A_57 = tpu.memref_slice %arg2[%add3A_23, %dma_wait3A_56] : memref<25000x128xi32, #tpu.memory_space<hbm>> -> memref<16x128xi32, #tpu.memory_space<hbm>>
        tpu.wait_dma2 semaphore(%run_scoped3A : memref<!tpu.dma_semaphore, #tpu.memory_space<semaphore_mem>>) src(%dma_wait3A_57 : memref<16x128xi32, #tpu.memory_space<hbm>>) dst(%dma_wait3A_55 : memref<16x128xi32, #tpu.memory_space<vmem>>)
        tpu.yield
      }) : () -> ()
      %mul3A_24 = arith.constant 128 : i32
      %mul3A_25 = arith.muli %add3A_23, %mul3A_24 : i32
      "tpu.region"() ({
        %run_scoped3A = tpu.sem_alloc : memref<!tpu.dma_semaphore, #tpu.memory_space<semaphore_mem>>
        %dma_start3A = arith.constant 0 : i32
        %dma_start3A_40 = arith.constant 0 : i32
        %dma_start3A_41 = tpu.memref_slice %arg8[%dma_start3A, %dma_start3A_40] : memref<2048x8xf32, #tpu.memory_space<vmem>> -> memref<2048x7xf32, #tpu.memory_space<vmem>>
        %dma_start3A_42 = arith.constant 0 : i32
        %dma_start3A_43 = tpu.memref_slice %arg3[%mul3A_25, %dma_start3A_42] : memref<3200000x7xf32, #tpu.memory_space<hbm>> -> memref<2048x7xf32, #tpu.memory_space<hbm>>
        %dma_start3A_44 = arith.constant 0 : i32
        %dma_start3A_45 = arith.constant 0 : i32
        %dma_start3A_46 = tpu.memref_slice %arg8[%dma_start3A_44, %dma_start3A_45] : memref<2048x8xf32, #tpu.memory_space<vmem>> -> memref<2048x7xf32, #tpu.memory_space<vmem>>
        %dma_start3A_47 = arith.constant 0 : i32
        %dma_start3A_48 = tpu.memref_slice %arg3[%mul3A_25, %dma_start3A_47] : memref<3200000x7xf32, #tpu.memory_space<hbm>> -> memref<2048x7xf32, #tpu.memory_space<hbm>>
        tpu.enqueue_dma source(%dma_start3A_48 : memref<2048x7xf32, #tpu.memory_space<hbm>>) target(%dma_start3A_46 : memref<2048x7xf32, #tpu.memory_space<vmem>>) target_semaphore(%run_scoped3A : memref<!tpu.dma_semaphore, #tpu.memory_space<semaphore_mem>>)
        %dma_wait3A = arith.constant 0 : i32
        %dma_wait3A_49 = arith.constant 0 : i32
        %dma_wait3A_50 = tpu.memref_slice %arg8[%dma_wait3A, %dma_wait3A_49] : memref<2048x8xf32, #tpu.memory_space<vmem>> -> memref<2048x7xf32, #tpu.memory_space<vmem>>
        %dma_wait3A_51 = arith.constant 0 : i32
        %dma_wait3A_52 = tpu.memref_slice %arg3[%mul3A_25, %dma_wait3A_51] : memref<3200000x7xf32, #tpu.memory_space<hbm>> -> memref<2048x7xf32, #tpu.memory_space<hbm>>
        %dma_wait3A_53 = arith.constant 0 : i32
        %dma_wait3A_54 = arith.constant 0 : i32
        %dma_wait3A_55 = tpu.memref_slice %arg8[%dma_wait3A_53, %dma_wait3A_54] : memref<2048x8xf32, #tpu.memory_space<vmem>> -> memref<2048x7xf32, #tpu.memory_space<vmem>>
        %dma_wait3A_56 = arith.constant 0 : i32
        %dma_wait3A_57 = tpu.memref_slice %arg3[%mul3A_25, %dma_wait3A_56] : memref<3200000x7xf32, #tpu.memory_space<hbm>> -> memref<2048x7xf32, #tpu.memory_space<hbm>>
        tpu.wait_dma2 semaphore(%run_scoped3A : memref<!tpu.dma_semaphore, #tpu.memory_space<semaphore_mem>>) src(%dma_wait3A_57 : memref<2048x7xf32, #tpu.memory_space<hbm>>) dst(%dma_wait3A_55 : memref<2048x7xf32, #tpu.memory_space<vmem>>)
        tpu.yield
      }) : () -> ()
      %scan3A = arith.constant 0 : i32
      %scan3A_26 = arith.constant 0 : i32
      %scan3A_27 = arith.constant 128 : i32
      %scan3A_28 = arith.addi %scan3A_26, %scan3A_27 : i32
      %scan3A_29 = arith.constant 1 : i32
      %scan3A_30 = scf.for %scan3A_40 = %scan3A_26 to %scan3A_28 step %scan3A_29 iter_args(%scan3A_41 = %scan3A) -> (i32)  : i32 {
        %jit3A_42 = arith.constant 8 : i32
        %div3A = arith.divsi %scan3A_40, %jit3A_42 : i32
        %sign3A = arith.constant 0 : i32
        %sign3A_43 = arith.cmpi sgt, %scan3A_40, %sign3A : i32
        %sign3A_44 = arith.extui %sign3A_43 : i1 to i32
        %sign3A_45 = arith.constant 0 : i32
        %sign3A_46 = arith.cmpi slt, %scan3A_40, %sign3A_45 : i32
        %sign3A_47 = arith.extui %sign3A_46 : i1 to i32
        %sign3A_48 = arith.subi %sign3A_44, %sign3A_47 : i32
        %sign3A_49 = arith.constant 0 : i32
        %sign3A_50 = arith.cmpi sgt, %jit3A_42, %sign3A_49 : i32
        %sign3A_51 = arith.extui %sign3A_50 : i1 to i32
        %sign3A_52 = arith.constant 0 : i32
        %sign3A_53 = arith.cmpi slt, %jit3A_42, %sign3A_52 : i32
        %sign3A_54 = arith.extui %sign3A_53 : i1 to i32
        %sign3A_55 = arith.subi %sign3A_51, %sign3A_54 : i32
        %ne3A = arith.cmpi ne, %sign3A_48, %sign3A_55 : i32
        %rem3A = arith.remsi %scan3A_40, %jit3A_42 : i32
        %ne3A_56 = arith.constant 0 : i32
        %ne3A_57 = arith.cmpi ne, %rem3A, %ne3A_56 : i32
        %and3A = arith.andi %ne3A, %ne3A_57 : i1
        %sub3A = arith.constant 1 : i32
        %sub3A_58 = arith.subi %div3A, %sub3A : i32
        %select_n3A_59 = arith.select %and3A, %sub3A_58, %div3A : i32
        %jit3A_60 = arith.constant 8 : i32
        %eq3A_61 = arith.constant 0 : i32
        %eq3A_62 = arith.cmpi eq, %jit3A_60, %eq3A_61 : i32
        %jit3A_63 = arith.constant 1 : i32
        %select_n3A_64 = arith.select %eq3A_62, %jit3A_63, %jit3A_60 : i32
        %rem3A_65 = arith.remsi %scan3A_40, %select_n3A_64 : i32
        %ne3A_66 = arith.constant 0 : i32
        %ne3A_67 = arith.cmpi ne, %rem3A_65, %ne3A_66 : i32
        %lt3A = arith.constant 0 : i32
        %lt3A_68 = arith.cmpi slt, %rem3A_65, %lt3A : i32
        %lt3A_69 = arith.constant 0 : i32
        %lt3A_70 = arith.cmpi slt, %select_n3A_64, %lt3A_69 : i32
        %ne3A_71 = arith.xori %lt3A_68, %lt3A_70 : i1
        %and3A_72 = arith.andi %ne3A_71, %ne3A_67 : i1
        %add3A_73 = arith.addi %rem3A_65, %select_n3A_64 : i32
        %select_n3A_74 = arith.select %and3A_72, %add3A_73, %rem3A_65 : i32
        %mul3A_75 = arith.constant 16 : i32
        %mul3A_76 = arith.muli %select_n3A_74, %mul3A_75 : i32
        %get3A = arith.index_cast %select_n3A_59 : i32 to index
        %get3A_77 = arith.index_cast %mul3A_76 : i32 to index
        %get3A_78 = tpu.vector_load %arg7[%get3A, %get3A_77] {strides = array<i32>} : memref<16x128xi32, #tpu.memory_space<vmem>>, vector<16xi32>,
        %shift_right_logical3A = arith.constant 7 : i32
        %shift_right_logical3A_79 = vector.broadcast %shift_right_logical3A : i32 to vector<16xi32>
        %shift_right_logical3A_80 = arith.shrui %get3A_78, %shift_right_logical3A_79 : vector<16xi32>
        %mul3A_81 = arith.constant 164 : i32
        %mul3A_82 = vector.broadcast %mul3A_81 : i32 to vector<16xi32>
        %mul3A_83 = arith.muli %shift_right_logical3A_80, %mul3A_82 : vector<16xi32>
        %shift_right_logical3A_84 = arith.constant 12 : i32
        %shift_right_logical3A_85 = vector.broadcast %shift_right_logical3A_84 : i32 to vector<16xi32>
        %shift_right_logical3A_86 = arith.shrui %mul3A_83, %shift_right_logical3A_85 : vector<16xi32>
        %mul3A_87 = arith.constant 3200 : i32
        %mul3A_88 = vector.broadcast %mul3A_87 : i32 to vector<16xi32>
        %mul3A_89 = arith.muli %shift_right_logical3A_86, %mul3A_88 : vector<16xi32>
        %sub3A_90 = arith.subi %get3A_78, %mul3A_89 : vector<16xi32>
        %mul3A_91 = arith.constant 16 : i32
        %mul3A_92 = vector.broadcast %mul3A_91 : i32 to vector<16xi32>
        %mul3A_93 = arith.muli %shift_right_logical3A_86, %mul3A_92 : vector<16xi32>
        %add3A_94 = arith.addi %mul3A_93, %iota3A : vector<16xi32>
        %gather3A = tpu.vector_load_idx %arg11[%add3A_94] : memref<512xi32, #tpu.memory_space<vmem>>[vector<16xi32>], vector<16xi32>,
        %add3A_95 = arith.constant 1 : i32
        %add3A_96 = vector.broadcast %add3A_95 : i32 to vector<16xi32>
        %add3A_97 = arith.addi %gather3A, %add3A_96 : vector<16xi32>
        tpu.vector_store_idx %arg11[%add3A_94], %add3A_97 : memref<512xi32, #tpu.memory_space<vmem>>[vector<16xi32>], vector<16xi32>,
        %jit3A_98 = arith.constant 8 : i32
        %div3A_99 = arith.divsi %scan3A_40, %jit3A_98 : i32
        %sign3A_100 = arith.constant 0 : i32
        %sign3A_101 = arith.cmpi sgt, %scan3A_40, %sign3A_100 : i32
        %sign3A_102 = arith.extui %sign3A_101 : i1 to i32
        %sign3A_103 = arith.constant 0 : i32
        %sign3A_104 = arith.cmpi slt, %scan3A_40, %sign3A_103 : i32
        %sign3A_105 = arith.extui %sign3A_104 : i1 to i32
        %sign3A_106 = arith.subi %sign3A_102, %sign3A_105 : i32
        %sign3A_107 = arith.constant 0 : i32
        %sign3A_108 = arith.cmpi sgt, %jit3A_98, %sign3A_107 : i32
        %sign3A_109 = arith.extui %sign3A_108 : i1 to i32
        %sign3A_110 = arith.constant 0 : i32
        %sign3A_111 = arith.cmpi slt, %jit3A_98, %sign3A_110 : i32
        %sign3A_112 = arith.extui %sign3A_111 : i1 to i32
        %sign3A_113 = arith.subi %sign3A_109, %sign3A_112 : i32
        %ne3A_114 = arith.cmpi ne, %sign3A_106, %sign3A_113 : i32
        %rem3A_115 = arith.remsi %scan3A_40, %jit3A_98 : i32
        %ne3A_116 = arith.constant 0 : i32
        %ne3A_117 = arith.cmpi ne, %rem3A_115, %ne3A_116 : i32
        %and3A_118 = arith.andi %ne3A_114, %ne3A_117 : i1
        %sub3A_119 = arith.constant 1 : i32
        %sub3A_120 = arith.subi %div3A_99, %sub3A_119 : i32
        %select_n3A_121 = arith.select %and3A_118, %sub3A_120, %div3A_99 : i32
        %jit3A_122 = arith.constant 8 : i32
        %eq3A_123 = arith.constant 0 : i32
        %eq3A_124 = arith.cmpi eq, %jit3A_122, %eq3A_123 : i32
        %jit3A_125 = arith.constant 1 : i32
        %select_n3A_126 = arith.select %eq3A_124, %jit3A_125, %jit3A_122 : i32
        %rem3A_127 = arith.remsi %scan3A_40, %select_n3A_126 : i32
        %ne3A_128 = arith.constant 0 : i32
        %ne3A_129 = arith.cmpi ne, %rem3A_127, %ne3A_128 : i32
        %lt3A_130 = arith.constant 0 : i32
        %lt3A_131 = arith.cmpi slt, %rem3A_127, %lt3A_130 : i32
        %lt3A_132 = arith.constant 0 : i32
        %lt3A_133 = arith.cmpi slt, %select_n3A_126, %lt3A_132 : i32
        %ne3A_134 = arith.xori %lt3A_131, %lt3A_133 : i1
        %and3A_135 = arith.andi %ne3A_134, %ne3A_129 : i1
        %add3A_136 = arith.addi %rem3A_127, %select_n3A_126 : i32
        %select_n3A_137 = arith.select %and3A_135, %add3A_136, %rem3A_127 : i32
        %mul3A_138 = arith.constant 16 : i32
        %mul3A_139 = arith.muli %select_n3A_137, %mul3A_138 : i32
        %swap3A = arith.index_cast %select_n3A_121 : i32 to index
        %swap3A_140 = arith.index_cast %mul3A_139 : i32 to index
        %swap3A_141 = tpu.vector_load %arg9[%swap3A, %swap3A_140] {strides = array<i32>} : memref<16x128xi32, #tpu.memory_space<vmem>>, vector<16xi32>,
        tpu.vector_store %arg9[%swap3A, %swap3A_140], %gather3A {strides = array<i32>} : memref<16x128xi32, #tpu.memory_space<vmem>>, vector<16xi32>,
        %jit3A_142 = arith.constant 8 : i32
        %div3A_143 = arith.divsi %scan3A_40, %jit3A_142 : i32
        %sign3A_144 = arith.constant 0 : i32
        %sign3A_145 = arith.cmpi sgt, %scan3A_40, %sign3A_144 : i32
        %sign3A_146 = arith.extui %sign3A_145 : i1 to i32
        %sign3A_147 = arith.constant 0 : i32
        %sign3A_148 = arith.cmpi slt, %scan3A_40, %sign3A_147 : i32
        %sign3A_149 = arith.extui %sign3A_148 : i1 to i32
        %sign3A_150 = arith.subi %sign3A_146, %sign3A_149 : i32
        %sign3A_151 = arith.constant 0 : i32
        %sign3A_152 = arith.cmpi sgt, %jit3A_142, %sign3A_151 : i32
        %sign3A_153 = arith.extui %sign3A_152 : i1 to i32
        %sign3A_154 = arith.constant 0 : i32
        %sign3A_155 = arith.cmpi slt, %jit3A_142, %sign3A_154 : i32
        %sign3A_156 = arith.extui %sign3A_155 : i1 to i32
        %sign3A_157 = arith.subi %sign3A_153, %sign3A_156 : i32
        %ne3A_158 = arith.cmpi ne, %sign3A_150, %sign3A_157 : i32
        %rem3A_159 = arith.remsi %scan3A_40, %jit3A_142 : i32
        %ne3A_160 = arith.constant 0 : i32
        %ne3A_161 = arith.cmpi ne, %rem3A_159, %ne3A_160 : i32
        %and3A_162 = arith.andi %ne3A_158, %ne3A_161 : i1
        %sub3A_163 = arith.constant 1 : i32
        %sub3A_164 = arith.subi %div3A_143, %sub3A_163 : i32
        %select_n3A_165 = arith.select %and3A_162, %sub3A_164, %div3A_143 : i32
        %jit3A_166 = arith.constant 8 : i32
        %eq3A_167 = arith.constant 0 : i32
        %eq3A_168 = arith.cmpi eq, %jit3A_166, %eq3A_167 : i32
        %jit3A_169 = arith.constant 1 : i32
        %select_n3A_170 = arith.select %eq3A_168, %jit3A_169, %jit3A_166 : i32
        %rem3A_171 = arith.remsi %scan3A_40, %select_n3A_170 : i32
        %ne3A_172 = arith.constant 0 : i32
        %ne3A_173 = arith.cmpi ne, %rem3A_171, %ne3A_172 : i32
        %lt3A_174 = arith.constant 0 : i32
        %lt3A_175 = arith.cmpi slt, %rem3A_171, %lt3A_174 : i32
        %lt3A_176 = arith.constant 0 : i32
        %lt3A_177 = arith.cmpi slt, %select_n3A_170, %lt3A_176 : i32
        %ne3A_178 = arith.xori %lt3A_175, %lt3A_177 : i1
        %and3A_179 = arith.andi %ne3A_178, %ne3A_173 : i1
        %add3A_180 = arith.addi %rem3A_171, %select_n3A_170 : i32
        %select_n3A_181 = arith.select %and3A_179, %add3A_180, %rem3A_171 : i32
        %mul3A_182 = arith.constant 16 : i32
        %mul3A_183 = arith.muli %select_n3A_181, %mul3A_182 : i32
        %swap3A_184 = arith.index_cast %select_n3A_165 : i32 to index
        %swap3A_185 = arith.index_cast %mul3A_183 : i32 to index
        %swap3A_186 = tpu.vector_load %arg10[%swap3A_184, %swap3A_185] {strides = array<i32>} : memref<16x128xi32, #tpu.memory_space<vmem>>, vector<16xi32>,
        tpu.vector_store %arg10[%swap3A_184, %swap3A_185], %sub3A_90 {strides = array<i32>} : memref<16x128xi32, #tpu.memory_space<vmem>>, vector<16xi32>,
        %scan3A_187 = arith.constant 0 : i32
        scf.yield %scan3A_187 : i32
      }
      %scan3A_31 = arith.constant 128 : i32
      %scan3A_32 = arith.constant 0 : i32
      %scan3A_33 = arith.constant 0 : i32
      %scan3A_34 = arith.constant 16 : i32
      %scan3A_35 = arith.addi %scan3A_33, %scan3A_34 : i32
      %scan3A_36 = arith.constant 1 : i32
      %scan3A_37 = scf.for %scan3A_40 = %scan3A_33 to %scan3A_35 step %scan3A_36 iter_args(%scan3A_41 = %scan3A_32) -> (i32)  : i32 {
        %dma_start3A = arith.constant 0 : i32
        %dma_start3A_42 = tpu.memref_slice %arg10[%scan3A_40, %dma_start3A] : memref<16x128xi32, #tpu.memory_space<vmem>> -> memref<1x128xi32, #tpu.memory_space<vmem>>
        %dma_start3A_43 = tpu.memref_squeeze %dma_start3A_42 : memref<1x128xi32, #tpu.memory_space<vmem>> -> memref<128xi32, #tpu.memory_space<vmem>>
        %dma_start3A_44 = arith.constant 0 : i32
        %dma_start3A_45 = tpu.memref_slice %arg9[%scan3A_40, %dma_start3A_44] : memref<16x128xi32, #tpu.memory_space<vmem>> -> memref<1x128xi32, #tpu.memory_space<vmem>>
        %dma_start3A_46 = tpu.memref_squeeze %dma_start3A_45 : memref<1x128xi32, #tpu.memory_space<vmem>> -> memref<128xi32, #tpu.memory_space<vmem>>
        %dma_start3A_47 = arith.constant 0 : i32
        %dma_start3A_48 = tpu.memref_slice %arg5[%dma_start3A_47] : memref<3202560xi32, #tpu.memory_space<hbm>> -> memref<3202560xi32, #tpu.memory_space<hbm>>
        tpu.enqueue_indirect_dma source(%dma_start3A_43 : memref<128xi32, #tpu.memory_space<vmem>>) target(%dma_start3A_48 : memref<3202560xi32, #tpu.memory_space<hbm>>) offsets(%dma_start3A_46 : memref<128xi32, #tpu.memory_space<vmem>>) semaphore(%arg12 : memref<!tpu.dma_semaphore, #tpu.memory_space<semaphore_mem>>)
        %mul3A_49 = arith.constant 128 : i32
        %mul3A_50 = arith.muli %scan3A_40, %mul3A_49 : i32
        %dma_start3A_51 = arith.constant 0 : i32
        %dma_start3A_52 = tpu.memref_slice %arg8[%mul3A_50, %dma_start3A_51] : memref<2048x8xf32, #tpu.memory_space<vmem>> -> memref<128x8xf32, #tpu.memory_space<vmem>>
        %dma_start3A_53 = arith.constant 0 : i32
        %dma_start3A_54 = tpu.memref_slice %arg9[%scan3A_40, %dma_start3A_53] : memref<16x128xi32, #tpu.memory_space<vmem>> -> memref<1x128xi32, #tpu.memory_space<vmem>>
        %dma_start3A_55 = tpu.memref_squeeze %dma_start3A_54 : memref<1x128xi32, #tpu.memory_space<vmem>> -> memref<128xi32, #tpu.memory_space<vmem>>
        %dma_start3A_56 = arith.constant 0 : i32
        %dma_start3A_57 = arith.constant 0 : i32
        %dma_start3A_58 = tpu.memref_slice %arg6[%dma_start3A_56, %dma_start3A_57] : memref<3202560x8xf32, #tpu.memory_space<hbm>> -> memref<3202560x8xf32, #tpu.memory_space<hbm>>
        tpu.enqueue_indirect_dma source(%dma_start3A_52 : memref<128x8xf32, #tpu.memory_space<vmem>>) target(%dma_start3A_58 : memref<3202560x8xf32, #tpu.memory_space<hbm>>) offsets(%dma_start3A_55 : memref<128xi32, #tpu.memory_space<vmem>>) semaphore(%arg13 : memref<!tpu.dma_semaphore, #tpu.memory_space<semaphore_mem>>)
        %dma_wait3A = arith.constant 0 : i32
        %dma_wait3A_59 = tpu.memref_slice %arg10[%scan3A_40, %dma_wait3A] : memref<16x128xi32, #tpu.memory_space<vmem>> -> memref<1x128xi32, #tpu.memory_space<vmem>>
        %dma_wait3A_60 = tpu.memref_squeeze %dma_wait3A_59 : memref<1x128xi32, #tpu.memory_space<vmem>> -> memref<128xi32, #tpu.memory_space<vmem>>
        %dma_wait3A_61 = arith.constant 0 : i32
        %dma_wait3A_62 = tpu.memref_slice %arg9[%scan3A_40, %dma_wait3A_61] : memref<16x128xi32, #tpu.memory_space<vmem>> -> memref<1x128xi32, #tpu.memory_space<vmem>>
        %dma_wait3A_63 = tpu.memref_squeeze %dma_wait3A_62 : memref<1x128xi32, #tpu.memory_space<vmem>> -> memref<128xi32, #tpu.memory_space<vmem>>
        %dma_wait3A_64 = arith.constant 0 : i32
        %dma_wait3A_65 = tpu.memref_slice %arg5[%dma_wait3A_64] : memref<3202560xi32, #tpu.memory_space<hbm>> -> memref<3202560xi32, #tpu.memory_space<hbm>>
        tpu.wait_indirect_dma semaphore(%arg12 : memref<!tpu.dma_semaphore, #tpu.memory_space<semaphore_mem>>) src(%dma_wait3A_60 : memref<128xi32, #tpu.memory_space<vmem>>) dst(%dma_wait3A_65 : memref<3202560xi32, #tpu.memory_space<hbm>>)
        %dma_wait3A_66 = arith.constant 0 : i32
        %dma_wait3A_67 = tpu.memref_slice %arg8[%mul3A_50, %dma_wait3A_66] : memref<2048x8xf32, #tpu.memory_space<vmem>> -> memref<128x8xf32, #tpu.memory_space<vmem>>
        %dma_wait3A_68 = arith.constant 0 : i32
        %dma_wait3A_69 = tpu.memref_slice %arg9[%scan3A_40, %dma_wait3A_68] : memref<16x128xi32, #tpu.memory_space<vmem>> -> memref<1x128xi32, #tpu.memory_space<vmem>>
        %dma_wait3A_70 = tpu.memref_squeeze %dma_wait3A_69 : memref<1x128xi32, #tpu.memory_space<vmem>> -> memref<128xi32, #tpu.memory_space<vmem>>
        %dma_wait3A_71 = arith.constant 0 : i32
        %dma_wait3A_72 = arith.constant 0 : i32
        %dma_wait3A_73 = tpu.memref_slice %arg6[%dma_wait3A_71, %dma_wait3A_72] : memref<3202560x8xf32, #tpu.memory_space<hbm>> -> memref<3202560x8xf32, #tpu.memory_space<hbm>>
        tpu.wait_indirect_dma semaphore(%arg13 : memref<!tpu.dma_semaphore, #tpu.memory_space<semaphore_mem>>) src(%dma_wait3A_67 : memref<128x8xf32, #tpu.memory_space<vmem>>) dst(%dma_wait3A_73 : memref<3202560x8xf32, #tpu.memory_space<hbm>>)
        %scan3A_74 = arith.constant 0 : i32
        scf.yield %scan3A_74 : i32
      }
      %scan3A_38 = arith.constant 16 : i32
      %while3A_39 = arith.constant 0 : i32
      scf.yield %while3A_39 : i32
    }
    %while3A_12 = arith.constant 1 : i32
    %while3A_13 = scf.for %while3A_17 = %while3A_9 to %while3A_5 step %while3A_12 iter_args(%while3A_18 = %while3A_11) -> (i32)  : i32 {
      %mul3A_19 = arith.constant 784 : i32
      %mul3A_20 = arith.muli %add3A, %mul3A_19 : i32
      %mul3A_21 = arith.constant 16 : i32
      %mul3A_22 = arith.muli %while3A_17, %mul3A_21 : i32
      %add3A_23 = arith.addi %mul3A_20, %mul3A_22 : i32
      "tpu.region"() ({
        %run_scoped3A = tpu.sem_alloc : memref<!tpu.dma_semaphore, #tpu.memory_space<semaphore_mem>>
        %dma_start3A = arith.constant 0 : i32
        %dma_start3A_40 = arith.constant 0 : i32
        %dma_start3A_41 = tpu.memref_slice %arg7[%dma_start3A, %dma_start3A_40] : memref<16x128xi32, #tpu.memory_space<vmem>> -> memref<16x128xi32, #tpu.memory_space<vmem>>
        %dma_start3A_42 = arith.constant 0 : i32
        %dma_start3A_43 = tpu.memref_slice %arg2[%add3A_23, %dma_start3A_42] : memref<25000x128xi32, #tpu.memory_space<hbm>> -> memref<16x128xi32, #tpu.memory_space<hbm>>
        %dma_start3A_44 = arith.constant 0 : i32
        %dma_start3A_45 = arith.constant 0 : i32
        %dma_start3A_46 = tpu.memref_slice %arg7[%dma_start3A_44, %dma_start3A_45] : memref<16x128xi32, #tpu.memory_space<vmem>> -> memref<16x128xi32, #tpu.memory_space<vmem>>
        %dma_start3A_47 = arith.constant 0 : i32
        %dma_start3A_48 = tpu.memref_slice %arg2[%add3A_23, %dma_start3A_47] : memref<25000x128xi32, #tpu.memory_space<hbm>> -> memref<16x128xi32, #tpu.memory_space<hbm>>
        tpu.enqueue_dma source(%dma_start3A_48 : memref<16x128xi32, #tpu.memory_space<hbm>>) target(%dma_start3A_46 : memref<16x128xi32, #tpu.memory_space<vmem>>) target_semaphore(%run_scoped3A : memref<!tpu.dma_semaphore, #tpu.memory_space<semaphore_mem>>)
        %dma_wait3A = arith.constant 0 : i32
        %dma_wait3A_49 = arith.constant 0 : i32
        %dma_wait3A_50 = tpu.memref_slice %arg7[%dma_wait3A, %dma_wait3A_49] : memref<16x128xi32, #tpu.memory_space<vmem>> -> memref<16x128xi32, #tpu.memory_space<vmem>>
        %dma_wait3A_51 = arith.constant 0 : i32
        %dma_wait3A_52 = tpu.memref_slice %arg2[%add3A_23, %dma_wait3A_51] : memref<25000x128xi32, #tpu.memory_space<hbm>> -> memref<16x128xi32, #tpu.memory_space<hbm>>
        %dma_wait3A_53 = arith.constant 0 : i32
        %dma_wait3A_54 = arith.constant 0 : i32
        %dma_wait3A_55 = tpu.memref_slice %arg7[%dma_wait3A_53, %dma_wait3A_54] : memref<16x128xi32, #tpu.memory_space<vmem>> -> memref<16x128xi32, #tpu.memory_space<vmem>>
        %dma_wait3A_56 = arith.constant 0 : i32
        %dma_wait3A_57 = tpu.memref_slice %arg2[%add3A_23, %dma_wait3A_56] : memref<25000x128xi32, #tpu.memory_space<hbm>> -> memref<16x128xi32, #tpu.memory_space<hbm>>
        tpu.wait_dma2 semaphore(%run_scoped3A : memref<!tpu.dma_semaphore, #tpu.memory_space<semaphore_mem>>) src(%dma_wait3A_57 : memref<16x128xi32, #tpu.memory_space<hbm>>) dst(%dma_wait3A_55 : memref<16x128xi32, #tpu.memory_space<vmem>>)
        tpu.yield
      }) : () -> ()
      %mul3A_24 = arith.constant 128 : i32
      %mul3A_25 = arith.muli %add3A_23, %mul3A_24 : i32
      "tpu.region"() ({
        %run_scoped3A = tpu.sem_alloc : memref<!tpu.dma_semaphore, #tpu.memory_space<semaphore_mem>>
        %dma_start3A = arith.constant 0 : i32
        %dma_start3A_40 = arith.constant 0 : i32
        %dma_start3A_41 = tpu.memref_slice %arg8[%dma_start3A, %dma_start3A_40] : memref<2048x8xf32, #tpu.memory_space<vmem>> -> memref<2048x7xf32, #tpu.memory_space<vmem>>
        %dma_start3A_42 = arith.constant 0 : i32
        %dma_start3A_43 = tpu.memref_slice %arg3[%mul3A_25, %dma_start3A_42] : memref<3200000x7xf32, #tpu.memory_space<hbm>> -> memref<2048x7xf32, #tpu.memory_space<hbm>>
        %dma_start3A_44 = arith.constant 0 : i32
        %dma_start3A_45 = arith.constant 0 : i32
        %dma_start3A_46 = tpu.memref_slice %arg8[%dma_start3A_44, %dma_start3A_45] : memref<2048x8xf32, #tpu.memory_space<vmem>> -> memref<2048x7xf32, #tpu.memory_space<vmem>>
        %dma_start3A_47 = arith.constant 0 : i32
        %dma_start3A_48 = tpu.memref_slice %arg3[%mul3A_25, %dma_start3A_47] : memref<3200000x7xf32, #tpu.memory_space<hbm>> -> memref<2048x7xf32, #tpu.memory_space<hbm>>
        tpu.enqueue_dma source(%dma_start3A_48 : memref<2048x7xf32, #tpu.memory_space<hbm>>) target(%dma_start3A_46 : memref<2048x7xf32, #tpu.memory_space<vmem>>) target_semaphore(%run_scoped3A : memref<!tpu.dma_semaphore, #tpu.memory_space<semaphore_mem>>)
        %dma_wait3A = arith.constant 0 : i32
        %dma_wait3A_49 = arith.constant 0 : i32
        %dma_wait3A_50 = tpu.memref_slice %arg8[%dma_wait3A, %dma_wait3A_49] : memref<2048x8xf32, #tpu.memory_space<vmem>> -> memref<2048x7xf32, #tpu.memory_space<vmem>>
        %dma_wait3A_51 = arith.constant 0 : i32
        %dma_wait3A_52 = tpu.memref_slice %arg3[%mul3A_25, %dma_wait3A_51] : memref<3200000x7xf32, #tpu.memory_space<hbm>> -> memref<2048x7xf32, #tpu.memory_space<hbm>>
        %dma_wait3A_53 = arith.constant 0 : i32
        %dma_wait3A_54 = arith.constant 0 : i32
        %dma_wait3A_55 = tpu.memref_slice %arg8[%dma_wait3A_53, %dma_wait3A_54] : memref<2048x8xf32, #tpu.memory_space<vmem>> -> memref<2048x7xf32, #tpu.memory_space<vmem>>
        %dma_wait3A_56 = arith.constant 0 : i32
        %dma_wait3A_57 = tpu.memref_slice %arg3[%mul3A_25, %dma_wait3A_56] : memref<3200000x7xf32, #tpu.memory_space<hbm>> -> memref<2048x7xf32, #tpu.memory_space<hbm>>
        tpu.wait_dma2 semaphore(%run_scoped3A : memref<!tpu.dma_semaphore, #tpu.memory_space<semaphore_mem>>) src(%dma_wait3A_57 : memref<2048x7xf32, #tpu.memory_space<hbm>>) dst(%dma_wait3A_55 : memref<2048x7xf32, #tpu.memory_space<vmem>>)
        tpu.yield
      }) : () -> ()
      %scan3A = arith.constant 0 : i32
      %scan3A_26 = arith.constant 0 : i32
      %scan3A_27 = arith.constant 128 : i32
      %scan3A_28 = arith.addi %scan3A_26, %scan3A_27 : i32
      %scan3A_29 = arith.constant 1 : i32
      %scan3A_30 = scf.for %scan3A_40 = %scan3A_26 to %scan3A_28 step %scan3A_29 iter_args(%scan3A_41 = %scan3A) -> (i32)  : i32 {
        %jit3A_42 = arith.constant 8 : i32
        %div3A = arith.divsi %scan3A_40, %jit3A_42 : i32
        %sign3A = arith.constant 0 : i32
        %sign3A_43 = arith.cmpi sgt, %scan3A_40, %sign3A : i32
        %sign3A_44 = arith.extui %sign3A_43 : i1 to i32
        %sign3A_45 = arith.constant 0 : i32
        %sign3A_46 = arith.cmpi slt, %scan3A_40, %sign3A_45 : i32
        %sign3A_47 = arith.extui %sign3A_46 : i1 to i32
        %sign3A_48 = arith.subi %sign3A_44, %sign3A_47 : i32
        %sign3A_49 = arith.constant 0 : i32
        %sign3A_50 = arith.cmpi sgt, %jit3A_42, %sign3A_49 : i32
        %sign3A_51 = arith.extui %sign3A_50 : i1 to i32
        %sign3A_52 = arith.constant 0 : i32
        %sign3A_53 = arith.cmpi slt, %jit3A_42, %sign3A_52 : i32
        %sign3A_54 = arith.extui %sign3A_53 : i1 to i32
        %sign3A_55 = arith.subi %sign3A_51, %sign3A_54 : i32
        %ne3A = arith.cmpi ne, %sign3A_48, %sign3A_55 : i32
        %rem3A = arith.remsi %scan3A_40, %jit3A_42 : i32
        %ne3A_56 = arith.constant 0 : i32
        %ne3A_57 = arith.cmpi ne, %rem3A, %ne3A_56 : i32
        %and3A = arith.andi %ne3A, %ne3A_57 : i1
        %sub3A = arith.constant 1 : i32
        %sub3A_58 = arith.subi %div3A, %sub3A : i32
        %select_n3A_59 = arith.select %and3A, %sub3A_58, %div3A : i32
        %jit3A_60 = arith.constant 8 : i32
        %eq3A_61 = arith.constant 0 : i32
        %eq3A_62 = arith.cmpi eq, %jit3A_60, %eq3A_61 : i32
        %jit3A_63 = arith.constant 1 : i32
        %select_n3A_64 = arith.select %eq3A_62, %jit3A_63, %jit3A_60 : i32
        %rem3A_65 = arith.remsi %scan3A_40, %select_n3A_64 : i32
        %ne3A_66 = arith.constant 0 : i32
        %ne3A_67 = arith.cmpi ne, %rem3A_65, %ne3A_66 : i32
        %lt3A = arith.constant 0 : i32
        %lt3A_68 = arith.cmpi slt, %rem3A_65, %lt3A : i32
        %lt3A_69 = arith.constant 0 : i32
        %lt3A_70 = arith.cmpi slt, %select_n3A_64, %lt3A_69 : i32
        %ne3A_71 = arith.xori %lt3A_68, %lt3A_70 : i1
        %and3A_72 = arith.andi %ne3A_71, %ne3A_67 : i1
        %add3A_73 = arith.addi %rem3A_65, %select_n3A_64 : i32
        %select_n3A_74 = arith.select %and3A_72, %add3A_73, %rem3A_65 : i32
        %mul3A_75 = arith.constant 16 : i32
        %mul3A_76 = arith.muli %select_n3A_74, %mul3A_75 : i32
        %get3A = arith.index_cast %select_n3A_59 : i32 to index
        %get3A_77 = arith.index_cast %mul3A_76 : i32 to index
        %get3A_78 = tpu.vector_load %arg7[%get3A, %get3A_77] {strides = array<i32>} : memref<16x128xi32, #tpu.memory_space<vmem>>, vector<16xi32>,
        %shift_right_logical3A = arith.constant 7 : i32
        %shift_right_logical3A_79 = vector.broadcast %shift_right_logical3A : i32 to vector<16xi32>
        %shift_right_logical3A_80 = arith.shrui %get3A_78, %shift_right_logical3A_79 : vector<16xi32>
        %mul3A_81 = arith.constant 164 : i32
        %mul3A_82 = vector.broadcast %mul3A_81 : i32 to vector<16xi32>
        %mul3A_83 = arith.muli %shift_right_logical3A_80, %mul3A_82 : vector<16xi32>
        %shift_right_logical3A_84 = arith.constant 12 : i32
        %shift_right_logical3A_85 = vector.broadcast %shift_right_logical3A_84 : i32 to vector<16xi32>
        %shift_right_logical3A_86 = arith.shrui %mul3A_83, %shift_right_logical3A_85 : vector<16xi32>
        %mul3A_87 = arith.constant 3200 : i32
        %mul3A_88 = vector.broadcast %mul3A_87 : i32 to vector<16xi32>
        %mul3A_89 = arith.muli %shift_right_logical3A_86, %mul3A_88 : vector<16xi32>
        %sub3A_90 = arith.subi %get3A_78, %mul3A_89 : vector<16xi32>
        %mul3A_91 = arith.constant 16 : i32
        %mul3A_92 = vector.broadcast %mul3A_91 : i32 to vector<16xi32>
        %mul3A_93 = arith.muli %shift_right_logical3A_86, %mul3A_92 : vector<16xi32>
        %add3A_94 = arith.addi %mul3A_93, %iota3A : vector<16xi32>
        %gather3A = tpu.vector_load_idx %arg11[%add3A_94] : memref<512xi32, #tpu.memory_space<vmem>>[vector<16xi32>], vector<16xi32>,
        %add3A_95 = arith.constant 1 : i32
        %add3A_96 = vector.broadcast %add3A_95 : i32 to vector<16xi32>
        %add3A_97 = arith.addi %gather3A, %add3A_96 : vector<16xi32>
        tpu.vector_store_idx %arg11[%add3A_94], %add3A_97 : memref<512xi32, #tpu.memory_space<vmem>>[vector<16xi32>], vector<16xi32>,
        %jit3A_98 = arith.constant 8 : i32
        %div3A_99 = arith.divsi %scan3A_40, %jit3A_98 : i32
        %sign3A_100 = arith.constant 0 : i32
        %sign3A_101 = arith.cmpi sgt, %scan3A_40, %sign3A_100 : i32
        %sign3A_102 = arith.extui %sign3A_101 : i1 to i32
        %sign3A_103 = arith.constant 0 : i32
        %sign3A_104 = arith.cmpi slt, %scan3A_40, %sign3A_103 : i32
        %sign3A_105 = arith.extui %sign3A_104 : i1 to i32
        %sign3A_106 = arith.subi %sign3A_102, %sign3A_105 : i32
        %sign3A_107 = arith.constant 0 : i32
        %sign3A_108 = arith.cmpi sgt, %jit3A_98, %sign3A_107 : i32
        %sign3A_109 = arith.extui %sign3A_108 : i1 to i32
        %sign3A_110 = arith.constant 0 : i32
        %sign3A_111 = arith.cmpi slt, %jit3A_98, %sign3A_110 : i32
        %sign3A_112 = arith.extui %sign3A_111 : i1 to i32
        %sign3A_113 = arith.subi %sign3A_109, %sign3A_112 : i32
        %ne3A_114 = arith.cmpi ne, %sign3A_106, %sign3A_113 : i32
        %rem3A_115 = arith.remsi %scan3A_40, %jit3A_98 : i32
        %ne3A_116 = arith.constant 0 : i32
        %ne3A_117 = arith.cmpi ne, %rem3A_115, %ne3A_116 : i32
        %and3A_118 = arith.andi %ne3A_114, %ne3A_117 : i1
        %sub3A_119 = arith.constant 1 : i32
        %sub3A_120 = arith.subi %div3A_99, %sub3A_119 : i32
        %select_n3A_121 = arith.select %and3A_118, %sub3A_120, %div3A_99 : i32
        %jit3A_122 = arith.constant 8 : i32
        %eq3A_123 = arith.constant 0 : i32
        %eq3A_124 = arith.cmpi eq, %jit3A_122, %eq3A_123 : i32
        %jit3A_125 = arith.constant 1 : i32
        %select_n3A_126 = arith.select %eq3A_124, %jit3A_125, %jit3A_122 : i32
        %rem3A_127 = arith.remsi %scan3A_40, %select_n3A_126 : i32
        %ne3A_128 = arith.constant 0 : i32
        %ne3A_129 = arith.cmpi ne, %rem3A_127, %ne3A_128 : i32
        %lt3A_130 = arith.constant 0 : i32
        %lt3A_131 = arith.cmpi slt, %rem3A_127, %lt3A_130 : i32
        %lt3A_132 = arith.constant 0 : i32
        %lt3A_133 = arith.cmpi slt, %select_n3A_126, %lt3A_132 : i32
        %ne3A_134 = arith.xori %lt3A_131, %lt3A_133 : i1
        %and3A_135 = arith.andi %ne3A_134, %ne3A_129 : i1
        %add3A_136 = arith.addi %rem3A_127, %select_n3A_126 : i32
        %select_n3A_137 = arith.select %and3A_135, %add3A_136, %rem3A_127 : i32
        %mul3A_138 = arith.constant 16 : i32
        %mul3A_139 = arith.muli %select_n3A_137, %mul3A_138 : i32
        %swap3A = arith.index_cast %select_n3A_121 : i32 to index
        %swap3A_140 = arith.index_cast %mul3A_139 : i32 to index
        %swap3A_141 = tpu.vector_load %arg9[%swap3A, %swap3A_140] {strides = array<i32>} : memref<16x128xi32, #tpu.memory_space<vmem>>, vector<16xi32>,
        tpu.vector_store %arg9[%swap3A, %swap3A_140], %gather3A {strides = array<i32>} : memref<16x128xi32, #tpu.memory_space<vmem>>, vector<16xi32>,
        %jit3A_142 = arith.constant 8 : i32
        %div3A_143 = arith.divsi %scan3A_40, %jit3A_142 : i32
        %sign3A_144 = arith.constant 0 : i32
        %sign3A_145 = arith.cmpi sgt, %scan3A_40, %sign3A_144 : i32
        %sign3A_146 = arith.extui %sign3A_145 : i1 to i32
        %sign3A_147 = arith.constant 0 : i32
        %sign3A_148 = arith.cmpi slt, %scan3A_40, %sign3A_147 : i32
        %sign3A_149 = arith.extui %sign3A_148 : i1 to i32
        %sign3A_150 = arith.subi %sign3A_146, %sign3A_149 : i32
        %sign3A_151 = arith.constant 0 : i32
        %sign3A_152 = arith.cmpi sgt, %jit3A_142, %sign3A_151 : i32
        %sign3A_153 = arith.extui %sign3A_152 : i1 to i32
        %sign3A_154 = arith.constant 0 : i32
        %sign3A_155 = arith.cmpi slt, %jit3A_142, %sign3A_154 : i32
        %sign3A_156 = arith.extui %sign3A_155 : i1 to i32
        %sign3A_157 = arith.subi %sign3A_153, %sign3A_156 : i32
        %ne3A_158 = arith.cmpi ne, %sign3A_150, %sign3A_157 : i32
        %rem3A_159 = arith.remsi %scan3A_40, %jit3A_142 : i32
        %ne3A_160 = arith.constant 0 : i32
        %ne3A_161 = arith.cmpi ne, %rem3A_159, %ne3A_160 : i32
        %and3A_162 = arith.andi %ne3A_158, %ne3A_161 : i1
        %sub3A_163 = arith.constant 1 : i32
        %sub3A_164 = arith.subi %div3A_143, %sub3A_163 : i32
        %select_n3A_165 = arith.select %and3A_162, %sub3A_164, %div3A_143 : i32
        %jit3A_166 = arith.constant 8 : i32
        %eq3A_167 = arith.constant 0 : i32
        %eq3A_168 = arith.cmpi eq, %jit3A_166, %eq3A_167 : i32
        %jit3A_169 = arith.constant 1 : i32
        %select_n3A_170 = arith.select %eq3A_168, %jit3A_169, %jit3A_166 : i32
        %rem3A_171 = arith.remsi %scan3A_40, %select_n3A_170 : i32
        %ne3A_172 = arith.constant 0 : i32
        %ne3A_173 = arith.cmpi ne, %rem3A_171, %ne3A_172 : i32
        %lt3A_174 = arith.constant 0 : i32
        %lt3A_175 = arith.cmpi slt, %rem3A_171, %lt3A_174 : i32
        %lt3A_176 = arith.constant 0 : i32
        %lt3A_177 = arith.cmpi slt, %select_n3A_170, %lt3A_176 : i32
        %ne3A_178 = arith.xori %lt3A_175, %lt3A_177 : i1
        %and3A_179 = arith.andi %ne3A_178, %ne3A_173 : i1
        %add3A_180 = arith.addi %rem3A_171, %select_n3A_170 : i32
        %select_n3A_181 = arith.select %and3A_179, %add3A_180, %rem3A_171 : i32
        %mul3A_182 = arith.constant 16 : i32
        %mul3A_183 = arith.muli %select_n3A_181, %mul3A_182 : i32
        %swap3A_184 = arith.index_cast %select_n3A_165 : i32 to index
        %swap3A_185 = arith.index_cast %mul3A_183 : i32 to index
        %swap3A_186 = tpu.vector_load %arg10[%swap3A_184, %swap3A_185] {strides = array<i32>} : memref<16x128xi32, #tpu.memory_space<vmem>>, vector<16xi32>,
        tpu.vector_store %arg10[%swap3A_184, %swap3A_185], %sub3A_90 {strides = array<i32>} : memref<16x128xi32, #tpu.memory_space<vmem>>, vector<16xi32>,
        %scan3A_187 = arith.constant 0 : i32
        scf.yield %scan3A_187 : i32
      }
      %scan3A_31 = arith.constant 128 : i32
      %scan3A_32 = arith.constant 0 : i32
      %scan3A_33 = arith.constant 0 : i32
      %scan3A_34 = arith.constant 16 : i32
      %scan3A_35 = arith.addi %scan3A_33, %scan3A_34 : i32
      %scan3A_36 = arith.constant 1 : i32
      %scan3A_37 = scf.for %scan3A_40 = %scan3A_33 to %scan3A_35 step %scan3A_36 iter_args(%scan3A_41 = %scan3A_32) -> (i32)  : i32 {
        %dma_start3A = arith.constant 0 : i32
        %dma_start3A_42 = tpu.memref_slice %arg10[%scan3A_40, %dma_start3A] : memref<16x128xi32, #tpu.memory_space<vmem>> -> memref<1x128xi32, #tpu.memory_space<vmem>>
        %dma_start3A_43 = tpu.memref_squeeze %dma_start3A_42 : memref<1x128xi32, #tpu.memory_space<vmem>> -> memref<128xi32, #tpu.memory_space<vmem>>
        %dma_start3A_44 = arith.constant 0 : i32
        %dma_start3A_45 = tpu.memref_slice %arg9[%scan3A_40, %dma_start3A_44] : memref<16x128xi32, #tpu.memory_space<vmem>> -> memref<1x128xi32, #tpu.memory_space<vmem>>
        %dma_start3A_46 = tpu.memref_squeeze %dma_start3A_45 : memref<1x128xi32, #tpu.memory_space<vmem>> -> memref<128xi32, #tpu.memory_space<vmem>>
        %dma_start3A_47 = arith.constant 0 : i32
        %dma_start3A_48 = tpu.memref_slice %arg5[%dma_start3A_47] : memref<3202560xi32, #tpu.memory_space<hbm>> -> memref<3202560xi32, #tpu.memory_space<hbm>>
        tpu.enqueue_indirect_dma source(%dma_start3A_43 : memref<128xi32, #tpu.memory_space<vmem>>) target(%dma_start3A_48 : memref<3202560xi32, #tpu.memory_space<hbm>>) offsets(%dma_start3A_46 : memref<128xi32, #tpu.memory_space<vmem>>) semaphore(%arg12 : memref<!tpu.dma_semaphore, #tpu.memory_space<semaphore_mem>>)
        %mul3A_49 = arith.constant 128 : i32
        %mul3A_50 = arith.muli %scan3A_40, %mul3A_49 : i32
        %dma_start3A_51 = arith.constant 0 : i32
        %dma_start3A_52 = tpu.memref_slice %arg8[%mul3A_50, %dma_start3A_51] : memref<2048x8xf32, #tpu.memory_space<vmem>> -> memref<128x8xf32, #tpu.memory_space<vmem>>
        %dma_start3A_53 = arith.constant 0 : i32
        %dma_start3A_54 = tpu.memref_slice %arg9[%scan3A_40, %dma_start3A_53] : memref<16x128xi32, #tpu.memory_space<vmem>> -> memref<1x128xi32, #tpu.memory_space<vmem>>
        %dma_start3A_55 = tpu.memref_squeeze %dma_start3A_54 : memref<1x128xi32, #tpu.memory_space<vmem>> -> memref<128xi32, #tpu.memory_space<vmem>>
        %dma_start3A_56 = arith.constant 0 : i32
        %dma_start3A_57 = arith.constant 0 : i32
        %dma_start3A_58 = tpu.memref_slice %arg6[%dma_start3A_56, %dma_start3A_57] : memref<3202560x8xf32, #tpu.memory_space<hbm>> -> memref<3202560x8xf32, #tpu.memory_space<hbm>>
        tpu.enqueue_indirect_dma source(%dma_start3A_52 : memref<128x8xf32, #tpu.memory_space<vmem>>) target(%dma_start3A_58 : memref<3202560x8xf32, #tpu.memory_space<hbm>>) offsets(%dma_start3A_55 : memref<128xi32, #tpu.memory_space<vmem>>) semaphore(%arg13 : memref<!tpu.dma_semaphore, #tpu.memory_space<semaphore_mem>>)
        %dma_wait3A = arith.constant 0 : i32
        %dma_wait3A_59 = tpu.memref_slice %arg10[%scan3A_40, %dma_wait3A] : memref<16x128xi32, #tpu.memory_space<vmem>> -> memref<1x128xi32, #tpu.memory_space<vmem>>
        %dma_wait3A_60 = tpu.memref_squeeze %dma_wait3A_59 : memref<1x128xi32, #tpu.memory_space<vmem>> -> memref<128xi32, #tpu.memory_space<vmem>>
        %dma_wait3A_61 = arith.constant 0 : i32
        %dma_wait3A_62 = tpu.memref_slice %arg9[%scan3A_40, %dma_wait3A_61] : memref<16x128xi32, #tpu.memory_space<vmem>> -> memref<1x128xi32, #tpu.memory_space<vmem>>
        %dma_wait3A_63 = tpu.memref_squeeze %dma_wait3A_62 : memref<1x128xi32, #tpu.memory_space<vmem>> -> memref<128xi32, #tpu.memory_space<vmem>>
        %dma_wait3A_64 = arith.constant 0 : i32
        %dma_wait3A_65 = tpu.memref_slice %arg5[%dma_wait3A_64] : memref<3202560xi32, #tpu.memory_space<hbm>> -> memref<3202560xi32, #tpu.memory_space<hbm>>
        tpu.wait_indirect_dma semaphore(%arg12 : memref<!tpu.dma_semaphore, #tpu.memory_space<semaphore_mem>>) src(%dma_wait3A_60 : memref<128xi32, #tpu.memory_space<vmem>>) dst(%dma_wait3A_65 : memref<3202560xi32, #tpu.memory_space<hbm>>)
        %dma_wait3A_66 = arith.constant 0 : i32
        %dma_wait3A_67 = tpu.memref_slice %arg8[%mul3A_50, %dma_wait3A_66] : memref<2048x8xf32, #tpu.memory_space<vmem>> -> memref<128x8xf32, #tpu.memory_space<vmem>>
        %dma_wait3A_68 = arith.constant 0 : i32
        %dma_wait3A_69 = tpu.memref_slice %arg9[%scan3A_40, %dma_wait3A_68] : memref<16x128xi32, #tpu.memory_space<vmem>> -> memref<1x128xi32, #tpu.memory_space<vmem>>
        %dma_wait3A_70 = tpu.memref_squeeze %dma_wait3A_69 : memref<1x128xi32, #tpu.memory_space<vmem>> -> memref<128xi32, #tpu.memory_space<vmem>>
        %dma_wait3A_71 = arith.constant 0 : i32
        %dma_wait3A_72 = arith.constant 0 : i32
        %dma_wait3A_73 = tpu.memref_slice %arg6[%dma_wait3A_71, %dma_wait3A_72] : memref<3202560x8xf32, #tpu.memory_space<hbm>> -> memref<3202560x8xf32, #tpu.memory_space<hbm>>
        tpu.wait_indirect_dma semaphore(%arg13 : memref<!tpu.dma_semaphore, #tpu.memory_space<semaphore_mem>>) src(%dma_wait3A_67 : memref<128x8xf32, #tpu.memory_space<vmem>>) dst(%dma_wait3A_73 : memref<3202560x8xf32, #tpu.memory_space<hbm>>)
        %scan3A_74 = arith.constant 0 : i32
        scf.yield %scan3A_74 : i32
      }
      %scan3A_38 = arith.constant 16 : i32
      %while3A_39 = arith.constant 0 : i32
      scf.yield %while3A_39 : i32
    }
    %eq3A_14 = arith.constant 31 : i32
    %eq3A_15 = arith.cmpi eq, %add3A, %eq3A_14 : i32
    %convert_element_type3A = arith.extui %eq3A_15 : i1 to i32
    %cond3A = arith.constant 0 : i32
    %cond3A_16 = arith.cmpi ne, %convert_element_type3A, %cond3A : i32
    scf.if %cond3A_16 {
      "tpu.region"() ({
        %run_scoped3A = tpu.sem_alloc : memref<!tpu.dma_semaphore, #tpu.memory_space<semaphore_mem>>
        %dma_start3A = arith.constant 0 : i32
        %dma_start3A_30 = arith.constant 0 : i32
        %dma_start3A_31 = tpu.memref_slice %arg7[%dma_start3A, %dma_start3A_30] : memref<16x128xi32, #tpu.memory_space<vmem>> -> memref<8x128xi32, #tpu.memory_space<vmem>>
        %dma_start3A_32 = arith.constant 24992 : i32
        %dma_start3A_33 = arith.constant 0 : i32
        %dma_start3A_34 = tpu.memref_slice %arg2[%dma_start3A_32, %dma_start3A_33] : memref<25000x128xi32, #tpu.memory_space<hbm>> -> memref<8x128xi32, #tpu.memory_space<hbm>>
        %dma_start3A_35 = arith.constant 0 : i32
        %dma_start3A_36 = arith.constant 0 : i32
        %dma_start3A_37 = tpu.memref_slice %arg7[%dma_start3A_35, %dma_start3A_36] : memref<16x128xi32, #tpu.memory_space<vmem>> -> memref<8x128xi32, #tpu.memory_space<vmem>>
        %dma_start3A_38 = arith.constant 24992 : i32
        %dma_start3A_39 = arith.constant 0 : i32
        %dma_start3A_40 = tpu.memref_slice %arg2[%dma_start3A_38, %dma_start3A_39] : memref<25000x128xi32, #tpu.memory_space<hbm>> -> memref<8x128xi32, #tpu.memory_space<hbm>>
        tpu.enqueue_dma source(%dma_start3A_40 : memref<8x128xi32, #tpu.memory_space<hbm>>) target(%dma_start3A_37 : memref<8x128xi32, #tpu.memory_space<vmem>>) target_semaphore(%run_scoped3A : memref<!tpu.dma_semaphore, #tpu.memory_space<semaphore_mem>>)
        %dma_wait3A = arith.constant 0 : i32
        %dma_wait3A_41 = arith.constant 0 : i32
        %dma_wait3A_42 = tpu.memref_slice %arg7[%dma_wait3A, %dma_wait3A_41] : memref<16x128xi32, #tpu.memory_space<vmem>> -> memref<8x128xi32, #tpu.memory_space<vmem>>
        %dma_wait3A_43 = arith.constant 24992 : i32
        %dma_wait3A_44 = arith.constant 0 : i32
        %dma_wait3A_45 = tpu.memref_slice %arg2[%dma_wait3A_43, %dma_wait3A_44] : memref<25000x128xi32, #tpu.memory_space<hbm>> -> memref<8x128xi32, #tpu.memory_space<hbm>>
        %dma_wait3A_46 = arith.constant 0 : i32
        %dma_wait3A_47 = arith.constant 0 : i32
        %dma_wait3A_48 = tpu.memref_slice %arg7[%dma_wait3A_46, %dma_wait3A_47] : memref<16x128xi32, #tpu.memory_space<vmem>> -> memref<8x128xi32, #tpu.memory_space<vmem>>
        %dma_wait3A_49 = arith.constant 24992 : i32
        %dma_wait3A_50 = arith.constant 0 : i32
        %dma_wait3A_51 = tpu.memref_slice %arg2[%dma_wait3A_49, %dma_wait3A_50] : memref<25000x128xi32, #tpu.memory_space<hbm>> -> memref<8x128xi32, #tpu.memory_space<hbm>>
        tpu.wait_dma2 semaphore(%run_scoped3A : memref<!tpu.dma_semaphore, #tpu.memory_space<semaphore_mem>>) src(%dma_wait3A_51 : memref<8x128xi32, #tpu.memory_space<hbm>>) dst(%dma_wait3A_48 : memref<8x128xi32, #tpu.memory_space<vmem>>)
        tpu.yield
      }) : () -> ()
      "tpu.region"() ({
        %run_scoped3A = tpu.sem_alloc : memref<!tpu.dma_semaphore, #tpu.memory_space<semaphore_mem>>
        %dma_start3A = arith.constant 0 : i32
        %dma_start3A_30 = arith.constant 0 : i32
        %dma_start3A_31 = tpu.memref_slice %arg8[%dma_start3A, %dma_start3A_30] : memref<2048x8xf32, #tpu.memory_space<vmem>> -> memref<1024x7xf32, #tpu.memory_space<vmem>>
        %dma_start3A_32 = arith.constant 3198976 : i32
        %dma_start3A_33 = arith.constant 0 : i32
        %dma_start3A_34 = tpu.memref_slice %arg3[%dma_start3A_32, %dma_start3A_33] : memref<3200000x7xf32, #tpu.memory_space<hbm>> -> memref<1024x7xf32, #tpu.memory_space<hbm>>
        %dma_start3A_35 = arith.constant 0 : i32
        %dma_start3A_36 = arith.constant 0 : i32
        %dma_start3A_37 = tpu.memref_slice %arg8[%dma_start3A_35, %dma_start3A_36] : memref<2048x8xf32, #tpu.memory_space<vmem>> -> memref<1024x7xf32, #tpu.memory_space<vmem>>
        %dma_start3A_38 = arith.constant 3198976 : i32
        %dma_start3A_39 = arith.constant 0 : i32
        %dma_start3A_40 = tpu.memref_slice %arg3[%dma_start3A_38, %dma_start3A_39] : memref<3200000x7xf32, #tpu.memory_space<hbm>> -> memref<1024x7xf32, #tpu.memory_space<hbm>>
        tpu.enqueue_dma source(%dma_start3A_40 : memref<1024x7xf32, #tpu.memory_space<hbm>>) target(%dma_start3A_37 : memref<1024x7xf32, #tpu.memory_space<vmem>>) target_semaphore(%run_scoped3A : memref<!tpu.dma_semaphore, #tpu.memory_space<semaphore_mem>>)
        %dma_wait3A = arith.constant 0 : i32
        %dma_wait3A_41 = arith.constant 0 : i32
        %dma_wait3A_42 = tpu.memref_slice %arg8[%dma_wait3A, %dma_wait3A_41] : memref<2048x8xf32, #tpu.memory_space<vmem>> -> memref<1024x7xf32, #tpu.memory_space<vmem>>
        %dma_wait3A_43 = arith.constant 3198976 : i32
        %dma_wait3A_44 = arith.constant 0 : i32
        %dma_wait3A_45 = tpu.memref_slice %arg3[%dma_wait3A_43, %dma_wait3A_44] : memref<3200000x7xf32, #tpu.memory_space<hbm>> -> memref<1024x7xf32, #tpu.memory_space<hbm>>
        %dma_wait3A_46 = arith.constant 0 : i32
        %dma_wait3A_47 = arith.constant 0 : i32
        %dma_wait3A_48 = tpu.memref_slice %arg8[%dma_wait3A_46, %dma_wait3A_47] : memref<2048x8xf32, #tpu.memory_space<vmem>> -> memref<1024x7xf32, #tpu.memory_space<vmem>>
        %dma_wait3A_49 = arith.constant 3198976 : i32
        %dma_wait3A_50 = arith.constant 0 : i32
        %dma_wait3A_51 = tpu.memref_slice %arg3[%dma_wait3A_49, %dma_wait3A_50] : memref<3200000x7xf32, #tpu.memory_space<hbm>> -> memref<1024x7xf32, #tpu.memory_space<hbm>>
        tpu.wait_dma2 semaphore(%run_scoped3A : memref<!tpu.dma_semaphore, #tpu.memory_space<semaphore_mem>>) src(%dma_wait3A_51 : memref<1024x7xf32, #tpu.memory_space<hbm>>) dst(%dma_wait3A_48 : memref<1024x7xf32, #tpu.memory_space<vmem>>)
        tpu.yield
      }) : () -> ()
      %scan3A = arith.constant 0 : i32
      %scan3A_17 = arith.constant 0 : i32
      %scan3A_18 = arith.constant 64 : i32
      %scan3A_19 = arith.addi %scan3A_17, %scan3A_18 : i32
      %scan3A_20 = arith.constant 1 : i32
      %scan3A_21 = scf.for %scan3A_30 = %scan3A_17 to %scan3A_19 step %scan3A_20 iter_args(%scan3A_31 = %scan3A) -> (i32)  : i32 {
        %jit3A_32 = arith.constant 8 : i32
        %div3A = arith.divsi %scan3A_30, %jit3A_32 : i32
        %sign3A = arith.constant 0 : i32
        %sign3A_33 = arith.cmpi sgt, %scan3A_30, %sign3A : i32
        %sign3A_34 = arith.extui %sign3A_33 : i1 to i32
        %sign3A_35 = arith.constant 0 : i32
        %sign3A_36 = arith.cmpi slt, %scan3A_30, %sign3A_35 : i32
        %sign3A_37 = arith.extui %sign3A_36 : i1 to i32
        %sign3A_38 = arith.subi %sign3A_34, %sign3A_37 : i32
        %sign3A_39 = arith.constant 0 : i32
        %sign3A_40 = arith.cmpi sgt, %jit3A_32, %sign3A_39 : i32
        %sign3A_41 = arith.extui %sign3A_40 : i1 to i32
        %sign3A_42 = arith.constant 0 : i32
        %sign3A_43 = arith.cmpi slt, %jit3A_32, %sign3A_42 : i32
        %sign3A_44 = arith.extui %sign3A_43 : i1 to i32
        %sign3A_45 = arith.subi %sign3A_41, %sign3A_44 : i32
        %ne3A = arith.cmpi ne, %sign3A_38, %sign3A_45 : i32
        %rem3A = arith.remsi %scan3A_30, %jit3A_32 : i32
        %ne3A_46 = arith.constant 0 : i32
        %ne3A_47 = arith.cmpi ne, %rem3A, %ne3A_46 : i32
        %and3A = arith.andi %ne3A, %ne3A_47 : i1
        %sub3A = arith.constant 1 : i32
        %sub3A_48 = arith.subi %div3A, %sub3A : i32
        %select_n3A_49 = arith.select %and3A, %sub3A_48, %div3A : i32
        %jit3A_50 = arith.constant 8 : i32
        %eq3A_51 = arith.constant 0 : i32
        %eq3A_52 = arith.cmpi eq, %jit3A_50, %eq3A_51 : i32
        %jit3A_53 = arith.constant 1 : i32
        %select_n3A_54 = arith.select %eq3A_52, %jit3A_53, %jit3A_50 : i32
        %rem3A_55 = arith.remsi %scan3A_30, %select_n3A_54 : i32
        %ne3A_56 = arith.constant 0 : i32
        %ne3A_57 = arith.cmpi ne, %rem3A_55, %ne3A_56 : i32
        %lt3A = arith.constant 0 : i32
        %lt3A_58 = arith.cmpi slt, %rem3A_55, %lt3A : i32
        %lt3A_59 = arith.constant 0 : i32
        %lt3A_60 = arith.cmpi slt, %select_n3A_54, %lt3A_59 : i32
        %ne3A_61 = arith.xori %lt3A_58, %lt3A_60 : i1
        %and3A_62 = arith.andi %ne3A_61, %ne3A_57 : i1
        %add3A_63 = arith.addi %rem3A_55, %select_n3A_54 : i32
        %select_n3A_64 = arith.select %and3A_62, %add3A_63, %rem3A_55 : i32
        %mul3A_65 = arith.constant 16 : i32
        %mul3A_66 = arith.muli %select_n3A_64, %mul3A_65 : i32
        %get3A = arith.index_cast %select_n3A_49 : i32 to index
        %get3A_67 = arith.index_cast %mul3A_66 : i32 to index
        %get3A_68 = tpu.vector_load %arg7[%get3A, %get3A_67] {strides = array<i32>} : memref<16x128xi32, #tpu.memory_space<vmem>>, vector<16xi32>,
        %shift_right_logical3A = arith.constant 7 : i32
        %shift_right_logical3A_69 = vector.broadcast %shift_right_logical3A : i32 to vector<16xi32>
        %shift_right_logical3A_70 = arith.shrui %get3A_68, %shift_right_logical3A_69 : vector<16xi32>
        %mul3A_71 = arith.constant 164 : i32
        %mul3A_72 = vector.broadcast %mul3A_71 : i32 to vector<16xi32>
        %mul3A_73 = arith.muli %shift_right_logical3A_70, %mul3A_72 : vector<16xi32>
        %shift_right_logical3A_74 = arith.constant 12 : i32
        %shift_right_logical3A_75 = vector.broadcast %shift_right_logical3A_74 : i32 to vector<16xi32>
        %shift_right_logical3A_76 = arith.shrui %mul3A_73, %shift_right_logical3A_75 : vector<16xi32>
        %mul3A_77 = arith.constant 3200 : i32
        %mul3A_78 = vector.broadcast %mul3A_77 : i32 to vector<16xi32>
        %mul3A_79 = arith.muli %shift_right_logical3A_76, %mul3A_78 : vector<16xi32>
        %sub3A_80 = arith.subi %get3A_68, %mul3A_79 : vector<16xi32>
        %mul3A_81 = arith.constant 16 : i32
        %mul3A_82 = vector.broadcast %mul3A_81 : i32 to vector<16xi32>
        %mul3A_83 = arith.muli %shift_right_logical3A_76, %mul3A_82 : vector<16xi32>
        %add3A_84 = arith.addi %mul3A_83, %iota3A : vector<16xi32>
        %gather3A = tpu.vector_load_idx %arg11[%add3A_84] : memref<512xi32, #tpu.memory_space<vmem>>[vector<16xi32>], vector<16xi32>,
        %add3A_85 = arith.constant 1 : i32
        %add3A_86 = vector.broadcast %add3A_85 : i32 to vector<16xi32>
        %add3A_87 = arith.addi %gather3A, %add3A_86 : vector<16xi32>
        tpu.vector_store_idx %arg11[%add3A_84], %add3A_87 : memref<512xi32, #tpu.memory_space<vmem>>[vector<16xi32>], vector<16xi32>,
        %jit3A_88 = arith.constant 8 : i32
        %div3A_89 = arith.divsi %scan3A_30, %jit3A_88 : i32
        %sign3A_90 = arith.constant 0 : i32
        %sign3A_91 = arith.cmpi sgt, %scan3A_30, %sign3A_90 : i32
        %sign3A_92 = arith.extui %sign3A_91 : i1 to i32
        %sign3A_93 = arith.constant 0 : i32
        %sign3A_94 = arith.cmpi slt, %scan3A_30, %sign3A_93 : i32
        %sign3A_95 = arith.extui %sign3A_94 : i1 to i32
        %sign3A_96 = arith.subi %sign3A_92, %sign3A_95 : i32
        %sign3A_97 = arith.constant 0 : i32
        %sign3A_98 = arith.cmpi sgt, %jit3A_88, %sign3A_97 : i32
        %sign3A_99 = arith.extui %sign3A_98 : i1 to i32
        %sign3A_100 = arith.constant 0 : i32
        %sign3A_101 = arith.cmpi slt, %jit3A_88, %sign3A_100 : i32
        %sign3A_102 = arith.extui %sign3A_101 : i1 to i32
        %sign3A_103 = arith.subi %sign3A_99, %sign3A_102 : i32
        %ne3A_104 = arith.cmpi ne, %sign3A_96, %sign3A_103 : i32
        %rem3A_105 = arith.remsi %scan3A_30, %jit3A_88 : i32
        %ne3A_106 = arith.constant 0 : i32
        %ne3A_107 = arith.cmpi ne, %rem3A_105, %ne3A_106 : i32
        %and3A_108 = arith.andi %ne3A_104, %ne3A_107 : i1
        %sub3A_109 = arith.constant 1 : i32
        %sub3A_110 = arith.subi %div3A_89, %sub3A_109 : i32
        %select_n3A_111 = arith.select %and3A_108, %sub3A_110, %div3A_89 : i32
        %jit3A_112 = arith.constant 8 : i32
        %eq3A_113 = arith.constant 0 : i32
        %eq3A_114 = arith.cmpi eq, %jit3A_112, %eq3A_113 : i32
        %jit3A_115 = arith.constant 1 : i32
        %select_n3A_116 = arith.select %eq3A_114, %jit3A_115, %jit3A_112 : i32
        %rem3A_117 = arith.remsi %scan3A_30, %select_n3A_116 : i32
        %ne3A_118 = arith.constant 0 : i32
        %ne3A_119 = arith.cmpi ne, %rem3A_117, %ne3A_118 : i32
        %lt3A_120 = arith.constant 0 : i32
        %lt3A_121 = arith.cmpi slt, %rem3A_117, %lt3A_120 : i32
        %lt3A_122 = arith.constant 0 : i32
        %lt3A_123 = arith.cmpi slt, %select_n3A_116, %lt3A_122 : i32
        %ne3A_124 = arith.xori %lt3A_121, %lt3A_123 : i1
        %and3A_125 = arith.andi %ne3A_124, %ne3A_119 : i1
        %add3A_126 = arith.addi %rem3A_117, %select_n3A_116 : i32
        %select_n3A_127 = arith.select %and3A_125, %add3A_126, %rem3A_117 : i32
        %mul3A_128 = arith.constant 16 : i32
        %mul3A_129 = arith.muli %select_n3A_127, %mul3A_128 : i32
        %swap3A = arith.index_cast %select_n3A_111 : i32 to index
        %swap3A_130 = arith.index_cast %mul3A_129 : i32 to index
        %swap3A_131 = tpu.vector_load %arg9[%swap3A, %swap3A_130] {strides = array<i32>} : memref<16x128xi32, #tpu.memory_space<vmem>>, vector<16xi32>,
        tpu.vector_store %arg9[%swap3A, %swap3A_130], %gather3A {strides = array<i32>} : memref<16x128xi32, #tpu.memory_space<vmem>>, vector<16xi32>,
        %jit3A_132 = arith.constant 8 : i32
        %div3A_133 = arith.divsi %scan3A_30, %jit3A_132 : i32
        %sign3A_134 = arith.constant 0 : i32
        %sign3A_135 = arith.cmpi sgt, %scan3A_30, %sign3A_134 : i32
        %sign3A_136 = arith.extui %sign3A_135 : i1 to i32
        %sign3A_137 = arith.constant 0 : i32
        %sign3A_138 = arith.cmpi slt, %scan3A_30, %sign3A_137 : i32
        %sign3A_139 = arith.extui %sign3A_138 : i1 to i32
        %sign3A_140 = arith.subi %sign3A_136, %sign3A_139 : i32
        %sign3A_141 = arith.constant 0 : i32
        %sign3A_142 = arith.cmpi sgt, %jit3A_132, %sign3A_141 : i32
        %sign3A_143 = arith.extui %sign3A_142 : i1 to i32
        %sign3A_144 = arith.constant 0 : i32
        %sign3A_145 = arith.cmpi slt, %jit3A_132, %sign3A_144 : i32
        %sign3A_146 = arith.extui %sign3A_145 : i1 to i32
        %sign3A_147 = arith.subi %sign3A_143, %sign3A_146 : i32
        %ne3A_148 = arith.cmpi ne, %sign3A_140, %sign3A_147 : i32
        %rem3A_149 = arith.remsi %scan3A_30, %jit3A_132 : i32
        %ne3A_150 = arith.constant 0 : i32
        %ne3A_151 = arith.cmpi ne, %rem3A_149, %ne3A_150 : i32
        %and3A_152 = arith.andi %ne3A_148, %ne3A_151 : i1
        %sub3A_153 = arith.constant 1 : i32
        %sub3A_154 = arith.subi %div3A_133, %sub3A_153 : i32
        %select_n3A_155 = arith.select %and3A_152, %sub3A_154, %div3A_133 : i32
        %jit3A_156 = arith.constant 8 : i32
        %eq3A_157 = arith.constant 0 : i32
        %eq3A_158 = arith.cmpi eq, %jit3A_156, %eq3A_157 : i32
        %jit3A_159 = arith.constant 1 : i32
        %select_n3A_160 = arith.select %eq3A_158, %jit3A_159, %jit3A_156 : i32
        %rem3A_161 = arith.remsi %scan3A_30, %select_n3A_160 : i32
        %ne3A_162 = arith.constant 0 : i32
        %ne3A_163 = arith.cmpi ne, %rem3A_161, %ne3A_162 : i32
        %lt3A_164 = arith.constant 0 : i32
        %lt3A_165 = arith.cmpi slt, %rem3A_161, %lt3A_164 : i32
        %lt3A_166 = arith.constant 0 : i32
        %lt3A_167 = arith.cmpi slt, %select_n3A_160, %lt3A_166 : i32
        %ne3A_168 = arith.xori %lt3A_165, %lt3A_167 : i1
        %and3A_169 = arith.andi %ne3A_168, %ne3A_163 : i1
        %add3A_170 = arith.addi %rem3A_161, %select_n3A_160 : i32
        %select_n3A_171 = arith.select %and3A_169, %add3A_170, %rem3A_161 : i32
        %mul3A_172 = arith.constant 16 : i32
        %mul3A_173 = arith.muli %select_n3A_171, %mul3A_172 : i32
        %swap3A_174 = arith.index_cast %select_n3A_155 : i32 to index
        %swap3A_175 = arith.index_cast %mul3A_173 : i32 to index
        %swap3A_176 = tpu.vector_load %arg10[%swap3A_174, %swap3A_175] {strides = array<i32>} : memref<16x128xi32, #tpu.memory_space<vmem>>, vector<16xi32>,
        tpu.vector_store %arg10[%swap3A_174, %swap3A_175], %sub3A_80 {strides = array<i32>} : memref<16x128xi32, #tpu.memory_space<vmem>>, vector<16xi32>,
        %scan3A_177 = arith.constant 0 : i32
        scf.yield %scan3A_177 : i32
      }
      %scan3A_22 = arith.constant 64 : i32
      %scan3A_23 = arith.constant 0 : i32
      %scan3A_24 = arith.constant 0 : i32
      %scan3A_25 = arith.constant 8 : i32
      %scan3A_26 = arith.addi %scan3A_24, %scan3A_25 : i32
      %scan3A_27 = arith.constant 1 : i32
      %scan3A_28 = scf.for %scan3A_30 = %scan3A_24 to %scan3A_26 step %scan3A_27 iter_args(%scan3A_31 = %scan3A_23) -> (i32)  : i32 {
        %dma_start3A = arith.constant 0 : i32
        %dma_start3A_32 = tpu.memref_slice %arg10[%scan3A_30, %dma_start3A] : memref<16x128xi32, #tpu.memory_space<vmem>> -> memref<1x128xi32, #tpu.memory_space<vmem>>
        %dma_start3A_33 = tpu.memref_squeeze %dma_start3A_32 : memref<1x128xi32, #tpu.memory_space<vmem>> -> memref<128xi32, #tpu.memory_space<vmem>>
        %dma_start3A_34 = arith.constant 0 : i32
        %dma_start3A_35 = tpu.memref_slice %arg9[%scan3A_30, %dma_start3A_34] : memref<16x128xi32, #tpu.memory_space<vmem>> -> memref<1x128xi32, #tpu.memory_space<vmem>>
        %dma_start3A_36 = tpu.memref_squeeze %dma_start3A_35 : memref<1x128xi32, #tpu.memory_space<vmem>> -> memref<128xi32, #tpu.memory_space<vmem>>
        %dma_start3A_37 = arith.constant 0 : i32
        %dma_start3A_38 = tpu.memref_slice %arg5[%dma_start3A_37] : memref<3202560xi32, #tpu.memory_space<hbm>> -> memref<3202560xi32, #tpu.memory_space<hbm>>
        tpu.enqueue_indirect_dma source(%dma_start3A_33 : memref<128xi32, #tpu.memory_space<vmem>>) target(%dma_start3A_38 : memref<3202560xi32, #tpu.memory_space<hbm>>) offsets(%dma_start3A_36 : memref<128xi32, #tpu.memory_space<vmem>>) semaphore(%arg12 : memref<!tpu.dma_semaphore, #tpu.memory_space<semaphore_mem>>)
        %mul3A_39 = arith.constant 128 : i32
        %mul3A_40 = arith.muli %scan3A_30, %mul3A_39 : i32
        %dma_start3A_41 = arith.constant 0 : i32
        %dma_start3A_42 = tpu.memref_slice %arg8[%mul3A_40, %dma_start3A_41] : memref<2048x8xf32, #tpu.memory_space<vmem>> -> memref<128x8xf32, #tpu.memory_space<vmem>>
        %dma_start3A_43 = arith.constant 0 : i32
        %dma_start3A_44 = tpu.memref_slice %arg9[%scan3A_30, %dma_start3A_43] : memref<16x128xi32, #tpu.memory_space<vmem>> -> memref<1x128xi32, #tpu.memory_space<vmem>>
        %dma_start3A_45 = tpu.memref_squeeze %dma_start3A_44 : memref<1x128xi32, #tpu.memory_space<vmem>> -> memref<128xi32, #tpu.memory_space<vmem>>
        %dma_start3A_46 = arith.constant 0 : i32
        %dma_start3A_47 = arith.constant 0 : i32
        %dma_start3A_48 = tpu.memref_slice %arg6[%dma_start3A_46, %dma_start3A_47] : memref<3202560x8xf32, #tpu.memory_space<hbm>> -> memref<3202560x8xf32, #tpu.memory_space<hbm>>
        tpu.enqueue_indirect_dma source(%dma_start3A_42 : memref<128x8xf32, #tpu.memory_space<vmem>>) target(%dma_start3A_48 : memref<3202560x8xf32, #tpu.memory_space<hbm>>) offsets(%dma_start3A_45 : memref<128xi32, #tpu.memory_space<vmem>>) semaphore(%arg13 : memref<!tpu.dma_semaphore, #tpu.memory_space<semaphore_mem>>)
        %dma_wait3A = arith.constant 0 : i32
        %dma_wait3A_49 = tpu.memref_slice %arg10[%scan3A_30, %dma_wait3A] : memref<16x128xi32, #tpu.memory_space<vmem>> -> memref<1x128xi32, #tpu.memory_space<vmem>>
        %dma_wait3A_50 = tpu.memref_squeeze %dma_wait3A_49 : memref<1x128xi32, #tpu.memory_space<vmem>> -> memref<128xi32, #tpu.memory_space<vmem>>
        %dma_wait3A_51 = arith.constant 0 : i32
        %dma_wait3A_52 = tpu.memref_slice %arg9[%scan3A_30, %dma_wait3A_51] : memref<16x128xi32, #tpu.memory_space<vmem>> -> memref<1x128xi32, #tpu.memory_space<vmem>>
        %dma_wait3A_53 = tpu.memref_squeeze %dma_wait3A_52 : memref<1x128xi32, #tpu.memory_space<vmem>> -> memref<128xi32, #tpu.memory_space<vmem>>
        %dma_wait3A_54 = arith.constant 0 : i32
        %dma_wait3A_55 = tpu.memref_slice %arg5[%dma_wait3A_54] : memref<3202560xi32, #tpu.memory_space<hbm>> -> memref<3202560xi32, #tpu.memory_space<hbm>>
        tpu.wait_indirect_dma semaphore(%arg12 : memref<!tpu.dma_semaphore, #tpu.memory_space<semaphore_mem>>) src(%dma_wait3A_50 : memref<128xi32, #tpu.memory_space<vmem>>) dst(%dma_wait3A_55 : memref<3202560xi32, #tpu.memory_space<hbm>>)
        %dma_wait3A_56 = arith.constant 0 : i32
        %dma_wait3A_57 = tpu.memref_slice %arg8[%mul3A_40, %dma_wait3A_56] : memref<2048x8xf32, #tpu.memory_space<vmem>> -> memref<128x8xf32, #tpu.memory_space<vmem>>
        %dma_wait3A_58 = arith.constant 0 : i32
        %dma_wait3A_59 = tpu.memref_slice %arg9[%scan3A_30, %dma_wait3A_58] : memref<16x128xi32, #tpu.memory_space<vmem>> -> memref<1x128xi32, #tpu.memory_space<vmem>>
        %dma_wait3A_60 = tpu.memref_squeeze %dma_wait3A_59 : memref<1x128xi32, #tpu.memory_space<vmem>> -> memref<128xi32, #tpu.memory_space<vmem>>
        %dma_wait3A_61 = arith.constant 0 : i32
        %dma_wait3A_62 = arith.constant 0 : i32
        %dma_wait3A_63 = tpu.memref_slice %arg6[%dma_wait3A_61, %dma_wait3A_62] : memref<3202560x8xf32, #tpu.memory_space<hbm>> -> memref<3202560x8xf32, #tpu.memory_space<hbm>>
        tpu.wait_indirect_dma semaphore(%arg13 : memref<!tpu.dma_semaphore, #tpu.memory_space<semaphore_mem>>) src(%dma_wait3A_57 : memref<128x8xf32, #tpu.memory_space<vmem>>) dst(%dma_wait3A_63 : memref<3202560x8xf32, #tpu.memory_space<hbm>>)
        %scan3A_64 = arith.constant 0 : i32
        scf.yield %scan3A_64 : i32
      }
      %scan3A_29 = arith.constant 8 : i32
    } else {
    }
    return
  }
}

#map = affine_map<(d0, d1) -> (0)>
#map1 = affine_map<(d0, d1) -> (0, 0)>
module attributes {stable_mosaic.version = 14 : i64} {
  func.func @_k3_body(%arg0: i32, %arg1: i32, %arg2: memref<3202560xi32, #tpu.memory_space<hbm>>, %arg3: memref<3202560x8xf32, #tpu.memory_space<hbm>>, %arg4: memref<32xi32, #tpu.memory_space<hbm>>, %arg5: memref<32xi32, #tpu.memory_space<hbm>>, %arg6: memref<32x16000xf32, #tpu.memory_space<hbm>>, %arg7: memref<32x16000xf32, #tpu.memory_space<hbm>>, %arg8: memref<2048xi32, #tpu.memory_space<vmem>>, %arg9: memref<2048x8xf32, #tpu.memory_space<vmem>>, %arg10: memref<16000xf32, #tpu.memory_space<vmem>>, %arg11: memref<16000xf32, #tpu.memory_space<vmem>>, %arg12: memref<64xi32, #tpu.memory_space<vmem>>) attributes {dimension_semantics = [#tpu.dimension_semantics<core_parallel>, #tpu.dimension_semantics<subcore_parallel>], iteration_bounds = array<i64: 2, 16>, scalar_prefetch = 0 : i64, scratch_operands = 5 : i64, tpu.core_type = #tpu.core_type<sc_vector_subcore>, window_params = [{transform_indices = #map}, {transform_indices = #map1}, {transform_indices = #map}, {transform_indices = #map}, {transform_indices = #map1}, {transform_indices = #map1}]} {
    %mul3A = arith.constant 16 : i32
    %mul3A_0 = arith.muli %arg0, %mul3A : i32
    %add3A = arith.addi %mul3A_0, %arg1 : i32
    %iota3A = tpu.iota {dimensions = array<i32: 0>} : vector<16xi32>
    %scan3A = arith.constant 0 : i32
    %scan3A_1 = arith.constant 0 : i32
    %scan3A_2 = arith.constant 1000 : i32
    %scan3A_3 = arith.addi %scan3A_1, %scan3A_2 : i32
    %scan3A_4 = arith.constant 1 : i32
    %scan3A_5 = scf.for %scan3A_40 = %scan3A_1 to %scan3A_3 step %scan3A_4 iter_args(%scan3A_41 = %scan3A) -> (i32)  : i32 {
      %broadcast_in_dim3A_42 = arith.constant 0x7F800000 : f32
      %broadcast_in_dim3A_43 = vector.broadcast %broadcast_in_dim3A_42 : f32 to vector<16xf32>
      %mul3A_44 = arith.constant 16 : i32
      %mul3A_45 = arith.muli %scan3A_40, %mul3A_44 : i32
      %swap3A = arith.index_cast %mul3A_45 : i32 to index
      %swap3A_46 = tpu.vector_load %arg10[%swap3A] {strides = array<i32>} : memref<16000xf32, #tpu.memory_space<vmem>>, vector<16xf32>,
      tpu.vector_store %arg10[%swap3A], %broadcast_in_dim3A_43 {strides = array<i32>} : memref<16000xf32, #tpu.memory_space<vmem>>, vector<16xf32>,
      %scan3A_47 = arith.constant 0 : i32
      scf.yield %scan3A_47 : i32
    }
    %scan3A_6 = arith.constant 1000 : i32
    %scan3A_7 = arith.constant 0 : i32
    %scan3A_8 = arith.constant 0 : i32
    %scan3A_9 = arith.constant 1000 : i32
    %scan3A_10 = arith.addi %scan3A_8, %scan3A_9 : i32
    %scan3A_11 = arith.constant 1 : i32
    %scan3A_12 = scf.for %scan3A_40 = %scan3A_8 to %scan3A_10 step %scan3A_11 iter_args(%scan3A_41 = %scan3A_7) -> (i32)  : i32 {
      %broadcast_in_dim3A_42 = arith.constant 0xFF800000 : f32
      %broadcast_in_dim3A_43 = vector.broadcast %broadcast_in_dim3A_42 : f32 to vector<16xf32>
      %mul3A_44 = arith.constant 16 : i32
      %mul3A_45 = arith.muli %scan3A_40, %mul3A_44 : i32
      %swap3A = arith.index_cast %mul3A_45 : i32 to index
      %swap3A_46 = tpu.vector_load %arg11[%swap3A] {strides = array<i32>} : memref<16000xf32, #tpu.memory_space<vmem>>, vector<16xf32>,
      tpu.vector_store %arg11[%swap3A], %broadcast_in_dim3A_43 {strides = array<i32>} : memref<16000xf32, #tpu.memory_space<vmem>>, vector<16xf32>,
      %scan3A_47 = arith.constant 0 : i32
      scf.yield %scan3A_47 : i32
    }
    %scan3A_13 = arith.constant 1000 : i32
    "tpu.region"() ({
      %run_scoped3A = tpu.sem_alloc : memref<!tpu.dma_semaphore, #tpu.memory_space<semaphore_mem>>
      %dma_start3A = arith.constant 0 : i32
      %dma_start3A_40 = tpu.memref_slice %arg12[%dma_start3A] : memref<64xi32, #tpu.memory_space<vmem>> -> memref<32xi32, #tpu.memory_space<vmem>>
      %dma_start3A_41 = arith.constant 0 : i32
      %dma_start3A_42 = tpu.memref_slice %arg12[%dma_start3A_41] : memref<64xi32, #tpu.memory_space<vmem>> -> memref<32xi32, #tpu.memory_space<vmem>>
      tpu.enqueue_dma source(%arg4 : memref<32xi32, #tpu.memory_space<hbm>>) target(%dma_start3A_42 : memref<32xi32, #tpu.memory_space<vmem>>) target_semaphore(%run_scoped3A : memref<!tpu.dma_semaphore, #tpu.memory_space<semaphore_mem>>)
      %dma_wait3A = arith.constant 0 : i32
      %dma_wait3A_43 = tpu.memref_slice %arg12[%dma_wait3A] : memref<64xi32, #tpu.memory_space<vmem>> -> memref<32xi32, #tpu.memory_space<vmem>>
      %dma_wait3A_44 = arith.constant 0 : i32
      %dma_wait3A_45 = tpu.memref_slice %arg12[%dma_wait3A_44] : memref<64xi32, #tpu.memory_space<vmem>> -> memref<32xi32, #tpu.memory_space<vmem>>
      tpu.wait_dma2 semaphore(%run_scoped3A : memref<!tpu.dma_semaphore, #tpu.memory_space<semaphore_mem>>) src(%arg4 : memref<32xi32, #tpu.memory_space<hbm>>) dst(%dma_wait3A_45 : memref<32xi32, #tpu.memory_space<vmem>>)
      tpu.yield
    }) : () -> ()
    "tpu.region"() ({
      %run_scoped3A = tpu.sem_alloc : memref<!tpu.dma_semaphore, #tpu.memory_space<semaphore_mem>>
      %dma_start3A = arith.constant 32 : i32
      %dma_start3A_40 = tpu.memref_slice %arg12[%dma_start3A] : memref<64xi32, #tpu.memory_space<vmem>> -> memref<32xi32, #tpu.memory_space<vmem>>
      %dma_start3A_41 = arith.constant 32 : i32
      %dma_start3A_42 = tpu.memref_slice %arg12[%dma_start3A_41] : memref<64xi32, #tpu.memory_space<vmem>> -> memref<32xi32, #tpu.memory_space<vmem>>
      tpu.enqueue_dma source(%arg5 : memref<32xi32, #tpu.memory_space<hbm>>) target(%dma_start3A_42 : memref<32xi32, #tpu.memory_space<vmem>>) target_semaphore(%run_scoped3A : memref<!tpu.dma_semaphore, #tpu.memory_space<semaphore_mem>>)
      %dma_wait3A = arith.constant 32 : i32
      %dma_wait3A_43 = tpu.memref_slice %arg12[%dma_wait3A] : memref<64xi32, #tpu.memory_space<vmem>> -> memref<32xi32, #tpu.memory_space<vmem>>
      %dma_wait3A_44 = arith.constant 32 : i32
      %dma_wait3A_45 = tpu.memref_slice %arg12[%dma_wait3A_44] : memref<64xi32, #tpu.memory_space<vmem>> -> memref<32xi32, #tpu.memory_space<vmem>>
      tpu.wait_dma2 semaphore(%run_scoped3A : memref<!tpu.dma_semaphore, #tpu.memory_space<semaphore_mem>>) src(%arg5 : memref<32xi32, #tpu.memory_space<hbm>>) dst(%dma_wait3A_45 : memref<32xi32, #tpu.memory_space<vmem>>)
      tpu.yield
    }) : () -> ()
    %mul3A_14 = arith.constant 16 : i32
    %mul3A_15 = arith.muli %arg0, %mul3A_14 : i32
    %get3A = arith.index_cast %mul3A_15 : i32 to index
    %get3A_16 = tpu.vector_load %arg12[%get3A] {strides = array<i32>} : memref<64xi32, #tpu.memory_space<vmem>>, vector<16xi32>,
    %add3A_17 = arith.constant 32 : i32
    %add3A_18 = arith.addi %add3A_17, %mul3A_15 : i32
    %get3A_19 = arith.index_cast %add3A_18 : i32 to index
    %get3A_20 = tpu.vector_load %arg12[%get3A_19] {strides = array<i32>} : memref<64xi32, #tpu.memory_space<vmem>>, vector<16xi32>,
    %eq3A = vector.broadcast %arg1 : i32 to vector<16xi32>
    %eq3A_21 = arith.cmpi eq, %iota3A, %eq3A : vector<16xi32>
    %jit3A = arith.constant 1 : i32
    %jit3A_22 = arith.constant 0 : i32
    %broadcast_in_dim3A = vector.broadcast %jit3A : i32 to vector<16xi32>
    %broadcast_in_dim3A_23 = vector.broadcast %jit3A_22 : i32 to vector<16xi32>
    %select_n3A = arith.select %eq3A_21, %broadcast_in_dim3A, %broadcast_in_dim3A_23 : vector<16xi1>, vector<16xi32>
    %mul3A_24 = arith.muli %get3A_16, %select_n3A : vector<16xi32>
    %reduce_sum3A = arith.constant true
    %reduce_sum3A_25 = vector.broadcast %reduce_sum3A : i1 to vector<16xi1>
    %reduce_sum3A_26 = tpu.scan <sum>, %mul3A_24 masked %reduce_sum3A_25 : vector<16xi32>, vector<16xi1> -> vector<16xi32>
    %reduce_sum3A_27 = vector.extract %reduce_sum3A_26[15] : i32 from vector<16xi32>
    %multiple_of3A = tpu.assume_multiple %reduce_sum3A_27, 16 : i32
    %mul3A_28 = arith.muli %get3A_20, %select_n3A : vector<16xi32>
    %reduce_sum3A_29 = arith.constant true
    %reduce_sum3A_30 = vector.broadcast %reduce_sum3A_29 : i1 to vector<16xi1>
    %reduce_sum3A_31 = tpu.scan <sum>, %mul3A_28 masked %reduce_sum3A_30 : vector<16xi32>, vector<16xi1> -> vector<16xi32>
    %reduce_sum3A_32 = vector.extract %reduce_sum3A_31[15] : i32 from vector<16xi32>
    %scan3A_33 = arith.constant 0 : i32
    %scan3A_34 = arith.constant 0 : i32
    %scan3A_35 = arith.constant 1564 : i32
    %scan3A_36 = arith.addi %scan3A_34, %scan3A_35 : i32
    %scan3A_37 = arith.constant 1 : i32
    %scan3A_38 = scf.for %scan3A_40 = %scan3A_34 to %scan3A_36 step %scan3A_37 iter_args(%scan3A_41 = %scan3A_33) -> (i32)  : i32 {
      %mul3A_42 = arith.constant 2048 : i32
      %mul3A_43 = arith.muli %scan3A_40, %mul3A_42 : i32
      %lt3A = arith.cmpi slt, %mul3A_43, %reduce_sum3A_32 : i32
      %convert_element_type3A = arith.extui %lt3A : i1 to i32
      %cond3A = arith.constant 0 : i32
      %cond3A_44 = arith.cmpi ne, %convert_element_type3A, %cond3A : i32
      scf.if %cond3A_44 {
        %mul3A_46 = arith.constant 2048 : i32
        %mul3A_47 = arith.muli %scan3A_40, %mul3A_46 : i32
        %add3A_48 = arith.addi %multiple_of3A, %mul3A_47 : i32
        "tpu.region"() ({
          %run_scoped3A = tpu.sem_alloc : memref<!tpu.dma_semaphore, #tpu.memory_space<semaphore_mem>>
          %dma_start3A = tpu.memref_slice %arg2[%add3A_48] : memref<3202560xi32, #tpu.memory_space<hbm>> -> memref<2048xi32, #tpu.memory_space<hbm>>
          %dma_start3A_56 = tpu.memref_slice %arg2[%add3A_48] : memref<3202560xi32, #tpu.memory_space<hbm>> -> memref<2048xi32, #tpu.memory_space<hbm>>
          tpu.enqueue_dma source(%dma_start3A_56 : memref<2048xi32, #tpu.memory_space<hbm>>) target(%arg8 : memref<2048xi32, #tpu.memory_space<vmem>>) target_semaphore(%run_scoped3A : memref<!tpu.dma_semaphore, #tpu.memory_space<semaphore_mem>>)
          %dma_wait3A = tpu.memref_slice %arg2[%add3A_48] : memref<3202560xi32, #tpu.memory_space<hbm>> -> memref<2048xi32, #tpu.memory_space<hbm>>
          %dma_wait3A_57 = tpu.memref_slice %arg2[%add3A_48] : memref<3202560xi32, #tpu.memory_space<hbm>> -> memref<2048xi32, #tpu.memory_space<hbm>>
          tpu.wait_dma2 semaphore(%run_scoped3A : memref<!tpu.dma_semaphore, #tpu.memory_space<semaphore_mem>>) src(%dma_wait3A_57 : memref<2048xi32, #tpu.memory_space<hbm>>) dst(%arg8 : memref<2048xi32, #tpu.memory_space<vmem>>)
          tpu.yield
        }) : () -> ()
        "tpu.region"() ({
          %run_scoped3A = tpu.sem_alloc : memref<!tpu.dma_semaphore, #tpu.memory_space<semaphore_mem>>
          %dma_start3A = arith.constant 0 : i32
          %dma_start3A_56 = tpu.memref_slice %arg3[%add3A_48, %dma_start3A] : memref<3202560x8xf32, #tpu.memory_space<hbm>> -> memref<2048x8xf32, #tpu.memory_space<hbm>>
          %dma_start3A_57 = arith.constant 0 : i32
          %dma_start3A_58 = tpu.memref_slice %arg3[%add3A_48, %dma_start3A_57] : memref<3202560x8xf32, #tpu.memory_space<hbm>> -> memref<2048x8xf32, #tpu.memory_space<hbm>>
          tpu.enqueue_dma source(%dma_start3A_58 : memref<2048x8xf32, #tpu.memory_space<hbm>>) target(%arg9 : memref<2048x8xf32, #tpu.memory_space<vmem>>) target_semaphore(%run_scoped3A : memref<!tpu.dma_semaphore, #tpu.memory_space<semaphore_mem>>)
          %dma_wait3A = arith.constant 0 : i32
          %dma_wait3A_59 = tpu.memref_slice %arg3[%add3A_48, %dma_wait3A] : memref<3202560x8xf32, #tpu.memory_space<hbm>> -> memref<2048x8xf32, #tpu.memory_space<hbm>>
          %dma_wait3A_60 = arith.constant 0 : i32
          %dma_wait3A_61 = tpu.memref_slice %arg3[%add3A_48, %dma_wait3A_60] : memref<3202560x8xf32, #tpu.memory_space<hbm>> -> memref<2048x8xf32, #tpu.memory_space<hbm>>
          tpu.wait_dma2 semaphore(%run_scoped3A : memref<!tpu.dma_semaphore, #tpu.memory_space<semaphore_mem>>) src(%dma_wait3A_61 : memref<2048x8xf32, #tpu.memory_space<hbm>>) dst(%arg9 : memref<2048x8xf32, #tpu.memory_space<vmem>>)
          tpu.yield
        }) : () -> ()
        %mul3A_49 = arith.constant 2048 : i32
        %mul3A_50 = arith.muli %scan3A_40, %mul3A_49 : i32
        %scan3A_51 = arith.constant 0 : i32
        %scan3A_52 = arith.constant 128 : i32
        %scan3A_53 = arith.addi %scan3A_51, %scan3A_52 : i32
        %scan3A_54 = arith.constant 1 : i32
        scf.for %scan3A_56 = %scan3A_51 to %scan3A_53 step %scan3A_54  : i32 {
          %mul3A_57 = arith.constant 16 : i32
          %mul3A_58 = arith.muli %scan3A_56, %mul3A_57 : i32
          %add3A_59 = arith.addi %mul3A_50, %mul3A_58 : i32
          %sub3A = arith.subi %reduce_sum3A_32, %add3A_59 : i32
          %lt3A_60 = vector.broadcast %sub3A : i32 to vector<16xi32>
          %lt3A_61 = arith.cmpi slt, %iota3A, %lt3A_60 : vector<16xi32>
          %mul3A_62 = arith.constant 16 : i32
          %mul3A_63 = arith.muli %scan3A_56, %mul3A_62 : i32
          %get3A_64 = arith.index_cast %mul3A_63 : i32 to index
          %get3A_65 = tpu.vector_load %arg8[%get3A_64] {strides = array<i32>} : memref<2048xi32, #tpu.memory_space<vmem>>, vector<16xi32>,
          %mul3A_66 = arith.constant 5 : i32
          %mul3A_67 = vector.broadcast %mul3A_66 : i32 to vector<16xi32>
          %mul3A_68 = arith.muli %get3A_65, %mul3A_67 : vector<16xi32>
          %mul3A_69 = arith.constant 16 : i32
          %mul3A_70 = arith.muli %scan3A_56, %mul3A_69 : i32
          %add3A_71 = vector.broadcast %mul3A_70 : i32 to vector<16xi32>
          %add3A_72 = arith.addi %add3A_71, %iota3A : vector<16xi32>
          %broadcast_in_dim3A_73 = arith.constant 2 : i32
          %broadcast_in_dim3A_74 = vector.broadcast %broadcast_in_dim3A_73 : i32 to vector<16xi32>
          %gather3A = tpu.vector_load_idx %arg9[%add3A_72, %broadcast_in_dim3A_74] : memref<2048x8xf32, #tpu.memory_space<vmem>>[vector<16xi32>, vector<16xi32>], vector<16xf32>,
          %broadcast_in_dim3A_75 = arith.constant 3 : i32
          %broadcast_in_dim3A_76 = vector.broadcast %broadcast_in_dim3A_75 : i32 to vector<16xi32>
          %gather3A_77 = tpu.vector_load_idx %arg9[%add3A_72, %broadcast_in_dim3A_76] : memref<2048x8xf32, #tpu.memory_space<vmem>>[vector<16xi32>, vector<16xi32>], vector<16xf32>,
          %broadcast_in_dim3A_78 = arith.constant 4 : i32
          %broadcast_in_dim3A_79 = vector.broadcast %broadcast_in_dim3A_78 : i32 to vector<16xi32>
          %gather3A_80 = tpu.vector_load_idx %arg9[%add3A_72, %broadcast_in_dim3A_79] : memref<2048x8xf32, #tpu.memory_space<vmem>>[vector<16xi32>, vector<16xi32>], vector<16xf32>,
          %broadcast_in_dim3A_81 = arith.constant 5 : i32
          %broadcast_in_dim3A_82 = vector.broadcast %broadcast_in_dim3A_81 : i32 to vector<16xi32>
          %gather3A_83 = tpu.vector_load_idx %arg9[%add3A_72, %broadcast_in_dim3A_82] : memref<2048x8xf32, #tpu.memory_space<vmem>>[vector<16xi32>, vector<16xi32>], vector<16xf32>,
          %broadcast_in_dim3A_84 = arith.constant 6 : i32
          %broadcast_in_dim3A_85 = vector.broadcast %broadcast_in_dim3A_84 : i32 to vector<16xi32>
          %gather3A_86 = tpu.vector_load_idx %arg9[%add3A_72, %broadcast_in_dim3A_85] : memref<2048x8xf32, #tpu.memory_space<vmem>>[vector<16xi32>, vector<16xi32>], vector<16xf32>,
          %while3A = scf.while (%while3A_87 = %lt3A_61) : (vector<16xi1>) -> vector<16xi1> {
            %jit3A_88 = arith.constant 1 : i32
            %jit3A_89 = arith.constant 0 : i32
            %broadcast_in_dim3A_90 = vector.broadcast %jit3A_88 : i32 to vector<16xi32>
            %broadcast_in_dim3A_91 = vector.broadcast %jit3A_89 : i32 to vector<16xi32>
            %select_n3A_92 = arith.select %while3A_87, %broadcast_in_dim3A_90, %broadcast_in_dim3A_91 : vector<16xi1>, vector<16xi32>
            %reduce_sum3A_93 = arith.constant true
            %reduce_sum3A_94 = vector.broadcast %reduce_sum3A_93 : i1 to vector<16xi1>
            %reduce_sum3A_95 = tpu.scan <sum>, %select_n3A_92 masked %reduce_sum3A_94 : vector<16xi32>, vector<16xi1> -> vector<16xi32>
            %reduce_sum3A_96 = vector.extract %reduce_sum3A_95[15] : i32 from vector<16xi32>
            %gt3A = arith.constant 0 : i32
            %gt3A_97 = arith.cmpi sgt, %reduce_sum3A_96, %gt3A : i32
            scf.condition(%gt3A_97) %while3A_87 : vector<16xi1>
          } do {
          ^bb0(%while3A_87: vector<16xi1>):
            %unique3A, %unique3A_88 = tpu.scan_count mask(%while3A_87 : vector<16xi1>) value(%get3A_65 : vector<16xi32>) : vector<16xi1>, vector<16xi32>
            %add3A_89 = arith.constant 0 : i32
            %add3A_90 = vector.broadcast %add3A_89 : i32 to vector<16xi32>
            %add3A_91 = arith.addi %mul3A_68, %add3A_90 : vector<16xi32>
            %gather3A_92 = tpu.vector_load_idx %arg10[%add3A_91] masked %unique3A : memref<16000xf32, #tpu.memory_space<vmem>>[vector<16xi32>], vector<16xf32>, vector<16xi1>
            %min3A = arith.minimumf %gather3A_92, %gather3A : vector<16xf32>
            tpu.vector_store_idx %arg10[%add3A_91], %min3A masked %unique3A : memref<16000xf32, #tpu.memory_space<vmem>>[vector<16xi32>], vector<16xf32>, vector<16xi1>
            %gather3A_93 = tpu.vector_load_idx %arg11[%add3A_91] masked %unique3A : memref<16000xf32, #tpu.memory_space<vmem>>[vector<16xi32>], vector<16xf32>, vector<16xi1>
            %max3A = arith.maximumf %gather3A_93, %gather3A : vector<16xf32>
            tpu.vector_store_idx %arg11[%add3A_91], %max3A masked %unique3A : memref<16000xf32, #tpu.memory_space<vmem>>[vector<16xi32>], vector<16xf32>, vector<16xi1>
            %add3A_94 = arith.constant 1 : i32
            %add3A_95 = vector.broadcast %add3A_94 : i32 to vector<16xi32>
            %add3A_96 = arith.addi %mul3A_68, %add3A_95 : vector<16xi32>
            %gather3A_97 = tpu.vector_load_idx %arg10[%add3A_96] masked %unique3A : memref<16000xf32, #tpu.memory_space<vmem>>[vector<16xi32>], vector<16xf32>, vector<16xi1>
            %min3A_98 = arith.minimumf %gather3A_97, %gather3A_77 : vector<16xf32>
            tpu.vector_store_idx %arg10[%add3A_96], %min3A_98 masked %unique3A : memref<16000xf32, #tpu.memory_space<vmem>>[vector<16xi32>], vector<16xf32>, vector<16xi1>
            %gather3A_99 = tpu.vector_load_idx %arg11[%add3A_96] masked %unique3A : memref<16000xf32, #tpu.memory_space<vmem>>[vector<16xi32>], vector<16xf32>, vector<16xi1>
            %max3A_100 = arith.maximumf %gather3A_99, %gather3A_77 : vector<16xf32>
            tpu.vector_store_idx %arg11[%add3A_96], %max3A_100 masked %unique3A : memref<16000xf32, #tpu.memory_space<vmem>>[vector<16xi32>], vector<16xf32>, vector<16xi1>
            %add3A_101 = arith.constant 2 : i32
            %add3A_102 = vector.broadcast %add3A_101 : i32 to vector<16xi32>
            %add3A_103 = arith.addi %mul3A_68, %add3A_102 : vector<16xi32>
            %gather3A_104 = tpu.vector_load_idx %arg10[%add3A_103] masked %unique3A : memref<16000xf32, #tpu.memory_space<vmem>>[vector<16xi32>], vector<16xf32>, vector<16xi1>
            %min3A_105 = arith.minimumf %gather3A_104, %gather3A_80 : vector<16xf32>
            tpu.vector_store_idx %arg10[%add3A_103], %min3A_105 masked %unique3A : memref<16000xf32, #tpu.memory_space<vmem>>[vector<16xi32>], vector<16xf32>, vector<16xi1>
            %gather3A_106 = tpu.vector_load_idx %arg11[%add3A_103] masked %unique3A : memref<16000xf32, #tpu.memory_space<vmem>>[vector<16xi32>], vector<16xf32>, vector<16xi1>
            %max3A_107 = arith.maximumf %gather3A_106, %gather3A_80 : vector<16xf32>
            tpu.vector_store_idx %arg11[%add3A_103], %max3A_107 masked %unique3A : memref<16000xf32, #tpu.memory_space<vmem>>[vector<16xi32>], vector<16xf32>, vector<16xi1>
            %add3A_108 = arith.constant 3 : i32
            %add3A_109 = vector.broadcast %add3A_108 : i32 to vector<16xi32>
            %add3A_110 = arith.addi %mul3A_68, %add3A_109 : vector<16xi32>
            %gather3A_111 = tpu.vector_load_idx %arg10[%add3A_110] masked %unique3A : memref<16000xf32, #tpu.memory_space<vmem>>[vector<16xi32>], vector<16xf32>, vector<16xi1>
            %min3A_112 = arith.minimumf %gather3A_111, %gather3A_83 : vector<16xf32>
            tpu.vector_store_idx %arg10[%add3A_110], %min3A_112 masked %unique3A : memref<16000xf32, #tpu.memory_space<vmem>>[vector<16xi32>], vector<16xf32>, vector<16xi1>
            %gather3A_113 = tpu.vector_load_idx %arg11[%add3A_110] masked %unique3A : memref<16000xf32, #tpu.memory_space<vmem>>[vector<16xi32>], vector<16xf32>, vector<16xi1>
            %max3A_114 = arith.maximumf %gather3A_113, %gather3A_83 : vector<16xf32>
            tpu.vector_store_idx %arg11[%add3A_110], %max3A_114 masked %unique3A : memref<16000xf32, #tpu.memory_space<vmem>>[vector<16xi32>], vector<16xf32>, vector<16xi1>
            %add3A_115 = arith.constant 4 : i32
            %add3A_116 = vector.broadcast %add3A_115 : i32 to vector<16xi32>
            %add3A_117 = arith.addi %mul3A_68, %add3A_116 : vector<16xi32>
            %gather3A_118 = tpu.vector_load_idx %arg10[%add3A_117] masked %unique3A : memref<16000xf32, #tpu.memory_space<vmem>>[vector<16xi32>], vector<16xf32>, vector<16xi1>
            %min3A_119 = arith.minimumf %gather3A_118, %gather3A_86 : vector<16xf32>
            tpu.vector_store_idx %arg10[%add3A_117], %min3A_119 masked %unique3A : memref<16000xf32, #tpu.memory_space<vmem>>[vector<16xi32>], vector<16xf32>, vector<16xi1>
            %gather3A_120 = tpu.vector_load_idx %arg11[%add3A_117] masked %unique3A : memref<16000xf32, #tpu.memory_space<vmem>>[vector<16xi32>], vector<16xf32>, vector<16xi1>
            %max3A_121 = arith.maximumf %gather3A_120, %gather3A_86 : vector<16xf32>
            tpu.vector_store_idx %arg11[%add3A_117], %max3A_121 masked %unique3A : memref<16000xf32, #tpu.memory_space<vmem>>[vector<16xi32>], vector<16xf32>, vector<16xi1>
            %not3A = arith.constant dense<true> : vector<16xi1>
            %not3A_122 = arith.xori %unique3A, %not3A : vector<16xi1>
            %and3A = arith.andi %while3A_87, %not3A_122 : vector<16xi1>
            scf.yield %and3A : vector<16xi1>
          }
        }
        %scan3A_55 = arith.constant 128 : i32
      } else {
      }
      %scan3A_45 = arith.constant 0 : i32
      scf.yield %scan3A_45 : i32
    }
    %scan3A_39 = arith.constant 1564 : i32
    "tpu.region"() ({
      %run_scoped3A = tpu.sem_alloc : memref<!tpu.dma_semaphore, #tpu.memory_space<semaphore_mem>>
      %dma_start3A = arith.constant 0 : i32
      %dma_start3A_40 = tpu.memref_slice %arg6[%add3A, %dma_start3A] : memref<32x16000xf32, #tpu.memory_space<hbm>> -> memref<1x16000xf32, #tpu.memory_space<hbm>>
      %dma_start3A_41 = tpu.memref_squeeze %dma_start3A_40 : memref<1x16000xf32, #tpu.memory_space<hbm>> -> memref<16000xf32, #tpu.memory_space<hbm>>
      %dma_start3A_42 = arith.constant 0 : i32
      %dma_start3A_43 = tpu.memref_slice %arg6[%add3A, %dma_start3A_42] : memref<32x16000xf32, #tpu.memory_space<hbm>> -> memref<1x16000xf32, #tpu.memory_space<hbm>>
      %dma_start3A_44 = tpu.memref_squeeze %dma_start3A_43 : memref<1x16000xf32, #tpu.memory_space<hbm>> -> memref<16000xf32, #tpu.memory_space<hbm>>
      tpu.enqueue_dma source(%arg10 : memref<16000xf32, #tpu.memory_space<vmem>>) target(%dma_start3A_44 : memref<16000xf32, #tpu.memory_space<hbm>>) target_semaphore(%run_scoped3A : memref<!tpu.dma_semaphore, #tpu.memory_space<semaphore_mem>>)
      %dma_wait3A = arith.constant 0 : i32
      %dma_wait3A_45 = tpu.memref_slice %arg6[%add3A, %dma_wait3A] : memref<32x16000xf32, #tpu.memory_space<hbm>> -> memref<1x16000xf32, #tpu.memory_space<hbm>>
      %dma_wait3A_46 = tpu.memref_squeeze %dma_wait3A_45 : memref<1x16000xf32, #tpu.memory_space<hbm>> -> memref<16000xf32, #tpu.memory_space<hbm>>
      %dma_wait3A_47 = arith.constant 0 : i32
      %dma_wait3A_48 = tpu.memref_slice %arg6[%add3A, %dma_wait3A_47] : memref<32x16000xf32, #tpu.memory_space<hbm>> -> memref<1x16000xf32, #tpu.memory_space<hbm>>
      %dma_wait3A_49 = tpu.memref_squeeze %dma_wait3A_48 : memref<1x16000xf32, #tpu.memory_space<hbm>> -> memref<16000xf32, #tpu.memory_space<hbm>>
      tpu.wait_dma2 semaphore(%run_scoped3A : memref<!tpu.dma_semaphore, #tpu.memory_space<semaphore_mem>>) src(%arg10 : memref<16000xf32, #tpu.memory_space<vmem>>) dst(%dma_wait3A_49 : memref<16000xf32, #tpu.memory_space<hbm>>)
      tpu.yield
    }) : () -> ()
    "tpu.region"() ({
      %run_scoped3A = tpu.sem_alloc : memref<!tpu.dma_semaphore, #tpu.memory_space<semaphore_mem>>
      %dma_start3A = arith.constant 0 : i32
      %dma_start3A_40 = tpu.memref_slice %arg7[%add3A, %dma_start3A] : memref<32x16000xf32, #tpu.memory_space<hbm>> -> memref<1x16000xf32, #tpu.memory_space<hbm>>
      %dma_start3A_41 = tpu.memref_squeeze %dma_start3A_40 : memref<1x16000xf32, #tpu.memory_space<hbm>> -> memref<16000xf32, #tpu.memory_space<hbm>>
      %dma_start3A_42 = arith.constant 0 : i32
      %dma_start3A_43 = tpu.memref_slice %arg7[%add3A, %dma_start3A_42] : memref<32x16000xf32, #tpu.memory_space<hbm>> -> memref<1x16000xf32, #tpu.memory_space<hbm>>
      %dma_start3A_44 = tpu.memref_squeeze %dma_start3A_43 : memref<1x16000xf32, #tpu.memory_space<hbm>> -> memref<16000xf32, #tpu.memory_space<hbm>>
      tpu.enqueue_dma source(%arg11 : memref<16000xf32, #tpu.memory_space<vmem>>) target(%dma_start3A_44 : memref<16000xf32, #tpu.memory_space<hbm>>) target_semaphore(%run_scoped3A : memref<!tpu.dma_semaphore, #tpu.memory_space<semaphore_mem>>)
      %dma_wait3A = arith.constant 0 : i32
      %dma_wait3A_45 = tpu.memref_slice %arg7[%add3A, %dma_wait3A] : memref<32x16000xf32, #tpu.memory_space<hbm>> -> memref<1x16000xf32, #tpu.memory_space<hbm>>
      %dma_wait3A_46 = tpu.memref_squeeze %dma_wait3A_45 : memref<1x16000xf32, #tpu.memory_space<hbm>> -> memref<16000xf32, #tpu.memory_space<hbm>>
      %dma_wait3A_47 = arith.constant 0 : i32
      %dma_wait3A_48 = tpu.memref_slice %arg7[%add3A, %dma_wait3A_47] : memref<32x16000xf32, #tpu.memory_space<hbm>> -> memref<1x16000xf32, #tpu.memory_space<hbm>>
      %dma_wait3A_49 = tpu.memref_squeeze %dma_wait3A_48 : memref<1x16000xf32, #tpu.memory_space<hbm>> -> memref<16000xf32, #tpu.memory_space<hbm>>
      tpu.wait_dma2 semaphore(%run_scoped3A : memref<!tpu.dma_semaphore, #tpu.memory_space<semaphore_mem>>) src(%arg11 : memref<16000xf32, #tpu.memory_space<vmem>>) dst(%dma_wait3A_49 : memref<16000xf32, #tpu.memory_space<hbm>>)
      tpu.yield
    }) : () -> ()
    return
  }
}

#map = affine_map<(d0, d1) -> (0, 0)>
#map1 = affine_map<(d0, d1) -> (0, 0, 0)>
module attributes {stable_mosaic.version = 14 : i64} {
  func.func @_k1_body(%arg0: i32, %arg1: i32, %arg2: memref<25000x128xi32, #tpu.memory_space<hbm>>, %arg3: memref<3200000x7xf32, #tpu.memory_space<hbm>>, %arg4: memref<102400x8xf32, #tpu.memory_space<hbm>>, %arg5: memref<2048x8xf32, #tpu.memory_space<hbm>>, %arg6: memref<2x102400x8xf32, #tpu.memory_space<hbm>>, %arg7: memref<32x512xi32, #tpu.memory_space<hbm>>, %arg8: memref<16x128xi32, #tpu.memory_space<vmem>>, %arg9: memref<2048x8xf32, #tpu.memory_space<vmem>>, %arg10: memref<512xi32, #tpu.memory_space<vmem>>, %arg11: memref<102400x8xf32, #tpu.memory_space<vmem_shared>>) attributes {dimension_semantics = [#tpu.dimension_semantics<core_parallel>, #tpu.dimension_semantics<subcore_parallel>], iteration_bounds = array<i64: 2, 16>, scalar_prefetch = 0 : i64, scratch_operands = 4 : i64, tpu.core_type = #tpu.core_type<sc_vector_subcore>, window_params = [{transform_indices = #map}, {transform_indices = #map}, {transform_indices = #map}, {transform_indices = #map}, {transform_indices = #map1}, {transform_indices = #map}]} {
    %mul3A = arith.constant 16 : i32
    %mul3A_0 = arith.muli %arg0, %mul3A : i32
    %add3A = arith.addi %mul3A_0, %arg1 : i32
    %iota3A = tpu.iota {dimensions = array<i32: 0>} : vector<16xi32>
    %broadcast_in_dim3A = arith.constant 1 : i32
    %broadcast_in_dim3A_1 = vector.broadcast %broadcast_in_dim3A : i32 to vector<16xi32>
    %scan3A = arith.constant 0 : i32
    %scan3A_2 = arith.constant 0 : i32
    %scan3A_3 = arith.constant 32 : i32
    %scan3A_4 = arith.addi %scan3A_2, %scan3A_3 : i32
    %scan3A_5 = arith.constant 1 : i32
    %scan3A_6 = scf.for %scan3A_27 = %scan3A_2 to %scan3A_4 step %scan3A_5 iter_args(%scan3A_28 = %scan3A) -> (i32)  : i32 {
      %broadcast_in_dim3A_29 = arith.constant 0 : i32
      %broadcast_in_dim3A_30 = vector.broadcast %broadcast_in_dim3A_29 : i32 to vector<16xi32>
      %mul3A_31 = arith.constant 16 : i32
      %mul3A_32 = arith.muli %scan3A_27, %mul3A_31 : i32
      %swap3A = arith.index_cast %mul3A_32 : i32 to index
      %swap3A_33 = tpu.vector_load %arg10[%swap3A] {strides = array<i32>} : memref<512xi32, #tpu.memory_space<vmem>>, vector<16xi32>,
      tpu.vector_store %arg10[%swap3A], %broadcast_in_dim3A_30 {strides = array<i32>} : memref<512xi32, #tpu.memory_space<vmem>>, vector<16xi32>,
      %scan3A_34 = arith.constant 0 : i32
      scf.yield %scan3A_34 : i32
    }
    %scan3A_7 = arith.constant 32 : i32
    "tpu.region"() ({
      %run_scoped3A = tpu.sem_alloc : memref<!tpu.dma_semaphore, #tpu.memory_space<semaphore_mem>>
      tpu.enqueue_dma source(%arg5 : memref<2048x8xf32, #tpu.memory_space<hbm>>) target(%arg9 : memref<2048x8xf32, #tpu.memory_space<vmem>>) target_semaphore(%run_scoped3A : memref<!tpu.dma_semaphore, #tpu.memory_space<semaphore_mem>>)
      tpu.wait_dma2 semaphore(%run_scoped3A : memref<!tpu.dma_semaphore, #tpu.memory_space<semaphore_mem>>) src(%arg5 : memref<2048x8xf32, #tpu.memory_space<hbm>>) dst(%arg9 : memref<2048x8xf32, #tpu.memory_space<vmem>>)
      tpu.yield
    }) : () -> ()
    %mul3A_8 = arith.constant 6400 : i32
    %mul3A_9 = arith.muli %arg1, %mul3A_8 : i32
    "tpu.region"() ({
      %run_scoped3A = tpu.sem_alloc : memref<!tpu.dma_semaphore, #tpu.memory_space<semaphore_mem>>
      %dma_start3A = arith.constant 0 : i32
      %dma_start3A_27 = tpu.memref_slice %arg11[%mul3A_9, %dma_start3A] : memref<102400x8xf32, #tpu.memory_space<vmem_shared>> -> memref<6400x8xf32, #tpu.memory_space<vmem_shared>>
      %dma_start3A_28 = arith.constant 0 : i32
      %dma_start3A_29 = tpu.memref_slice %arg4[%mul3A_9, %dma_start3A_28] : memref<102400x8xf32, #tpu.memory_space<hbm>> -> memref<6400x8xf32, #tpu.memory_space<hbm>>
      tpu.enqueue_dma source(%dma_start3A_29 : memref<6400x8xf32, #tpu.memory_space<hbm>>) target(%dma_start3A_27 : memref<6400x8xf32, #tpu.memory_space<vmem_shared>>) target_semaphore(%run_scoped3A : memref<!tpu.dma_semaphore, #tpu.memory_space<semaphore_mem>>)
      %dma_wait3A = arith.constant 0 : i32
      %dma_wait3A_30 = tpu.memref_slice %arg11[%mul3A_9, %dma_wait3A] : memref<102400x8xf32, #tpu.memory_space<vmem_shared>> -> memref<6400x8xf32, #tpu.memory_space<vmem_shared>>
      %dma_wait3A_31 = arith.constant 0 : i32
      %dma_wait3A_32 = tpu.memref_slice %arg4[%mul3A_9, %dma_wait3A_31] : memref<102400x8xf32, #tpu.memory_space<hbm>> -> memref<6400x8xf32, #tpu.memory_space<hbm>>
      tpu.wait_dma2 semaphore(%run_scoped3A : memref<!tpu.dma_semaphore, #tpu.memory_space<semaphore_mem>>) src(%dma_wait3A_32 : memref<6400x8xf32, #tpu.memory_space<hbm>>) dst(%dma_wait3A_30 : memref<6400x8xf32, #tpu.memory_space<vmem_shared>>)
      tpu.yield
    }) : () -> ()
    %barrier3A = arith.constant 0 : index
    tpu.barrier barrier_id(%barrier3A)
    %eq3A = arith.constant 31 : i32
    %eq3A_10 = arith.cmpi eq, %add3A, %eq3A : i32
    %jit3A = arith.constant 43 : i32
    %jit3A_11 = arith.constant 49 : i32
    %select_n3A = arith.select %eq3A_10, %jit3A, %jit3A_11 : i32
    %while3A = arith.constant 0 : i32
    %while3A_12 = arith.constant 0 : i32
    %while3A_13 = arith.subi %select_n3A, %while3A : i32
    %while3A_14 = arith.addi %while3A, %while3A_13 : i32
    %while3A_15 = arith.constant 1 : i32
    %while3A_16 = arith.divsi %while3A_13, %while3A_15 : i32
    %while3A_17 = arith.muli %while3A_16, %while3A_15 : i32
    %while3A_18 = arith.addi %while3A, %while3A_17 : i32
    %while3A_19 = arith.constant 1 : i32
    %while3A_20 = scf.for %while3A_27 = %while3A to %while3A_18 step %while3A_19 iter_args(%while3A_28 = %while3A_12) -> (i32)  : i32 {
      %mul3A_29 = arith.constant 784 : i32
      %mul3A_30 = arith.muli %add3A, %mul3A_29 : i32
      %mul3A_31 = arith.constant 16 : i32
      %mul3A_32 = arith.muli %while3A_27, %mul3A_31 : i32
      %add3A_33 = arith.addi %mul3A_30, %mul3A_32 : i32
      "tpu.region"() ({
        %run_scoped3A = tpu.sem_alloc : memref<!tpu.dma_semaphore, #tpu.memory_space<semaphore_mem>>
        %dma_start3A = arith.constant 0 : i32
        %dma_start3A_51 = arith.constant 0 : i32
        %dma_start3A_52 = tpu.memref_slice %arg8[%dma_start3A, %dma_start3A_51] : memref<16x128xi32, #tpu.memory_space<vmem>> -> memref<16x128xi32, #tpu.memory_space<vmem>>
        %dma_start3A_53 = arith.constant 0 : i32
        %dma_start3A_54 = tpu.memref_slice %arg2[%add3A_33, %dma_start3A_53] : memref<25000x128xi32, #tpu.memory_space<hbm>> -> memref<16x128xi32, #tpu.memory_space<hbm>>
        %dma_start3A_55 = arith.constant 0 : i32
        %dma_start3A_56 = arith.constant 0 : i32
        %dma_start3A_57 = tpu.memref_slice %arg8[%dma_start3A_55, %dma_start3A_56] : memref<16x128xi32, #tpu.memory_space<vmem>> -> memref<16x128xi32, #tpu.memory_space<vmem>>
        %dma_start3A_58 = arith.constant 0 : i32
        %dma_start3A_59 = tpu.memref_slice %arg2[%add3A_33, %dma_start3A_58] : memref<25000x128xi32, #tpu.memory_space<hbm>> -> memref<16x128xi32, #tpu.memory_space<hbm>>
        tpu.enqueue_dma source(%dma_start3A_59 : memref<16x128xi32, #tpu.memory_space<hbm>>) target(%dma_start3A_57 : memref<16x128xi32, #tpu.memory_space<vmem>>) target_semaphore(%run_scoped3A : memref<!tpu.dma_semaphore, #tpu.memory_space<semaphore_mem>>)
        %dma_wait3A = arith.constant 0 : i32
        %dma_wait3A_60 = arith.constant 0 : i32
        %dma_wait3A_61 = tpu.memref_slice %arg8[%dma_wait3A, %dma_wait3A_60] : memref<16x128xi32, #tpu.memory_space<vmem>> -> memref<16x128xi32, #tpu.memory_space<vmem>>
        %dma_wait3A_62 = arith.constant 0 : i32
        %dma_wait3A_63 = tpu.memref_slice %arg2[%add3A_33, %dma_wait3A_62] : memref<25000x128xi32, #tpu.memory_space<hbm>> -> memref<16x128xi32, #tpu.memory_space<hbm>>
        %dma_wait3A_64 = arith.constant 0 : i32
        %dma_wait3A_65 = arith.constant 0 : i32
        %dma_wait3A_66 = tpu.memref_slice %arg8[%dma_wait3A_64, %dma_wait3A_65] : memref<16x128xi32, #tpu.memory_space<vmem>> -> memref<16x128xi32, #tpu.memory_space<vmem>>
        %dma_wait3A_67 = arith.constant 0 : i32
        %dma_wait3A_68 = tpu.memref_slice %arg2[%add3A_33, %dma_wait3A_67] : memref<25000x128xi32, #tpu.memory_space<hbm>> -> memref<16x128xi32, #tpu.memory_space<hbm>>
        tpu.wait_dma2 semaphore(%run_scoped3A : memref<!tpu.dma_semaphore, #tpu.memory_space<semaphore_mem>>) src(%dma_wait3A_68 : memref<16x128xi32, #tpu.memory_space<hbm>>) dst(%dma_wait3A_66 : memref<16x128xi32, #tpu.memory_space<vmem>>)
        tpu.yield
      }) : () -> ()
      %mul3A_34 = arith.constant 128 : i32
      %mul3A_35 = arith.muli %add3A_33, %mul3A_34 : i32
      "tpu.region"() ({
        %run_scoped3A = tpu.sem_alloc : memref<!tpu.dma_semaphore, #tpu.memory_space<semaphore_mem>>
        %dma_start3A = arith.constant 0 : i32
        %dma_start3A_51 = arith.constant 0 : i32
        %dma_start3A_52 = tpu.memref_slice %arg9[%dma_start3A, %dma_start3A_51] : memref<2048x8xf32, #tpu.memory_space<vmem>> -> memref<2048x7xf32, #tpu.memory_space<vmem>>
        %dma_start3A_53 = arith.constant 0 : i32
        %dma_start3A_54 = tpu.memref_slice %arg3[%mul3A_35, %dma_start3A_53] : memref<3200000x7xf32, #tpu.memory_space<hbm>> -> memref<2048x7xf32, #tpu.memory_space<hbm>>
        %dma_start3A_55 = arith.constant 0 : i32
        %dma_start3A_56 = arith.constant 0 : i32
        %dma_start3A_57 = tpu.memref_slice %arg9[%dma_start3A_55, %dma_start3A_56] : memref<2048x8xf32, #tpu.memory_space<vmem>> -> memref<2048x7xf32, #tpu.memory_space<vmem>>
        %dma_start3A_58 = arith.constant 0 : i32
        %dma_start3A_59 = tpu.memref_slice %arg3[%mul3A_35, %dma_start3A_58] : memref<3200000x7xf32, #tpu.memory_space<hbm>> -> memref<2048x7xf32, #tpu.memory_space<hbm>>
        tpu.enqueue_dma source(%dma_start3A_59 : memref<2048x7xf32, #tpu.memory_space<hbm>>) target(%dma_start3A_57 : memref<2048x7xf32, #tpu.memory_space<vmem>>) target_semaphore(%run_scoped3A : memref<!tpu.dma_semaphore, #tpu.memory_space<semaphore_mem>>)
        %dma_wait3A = arith.constant 0 : i32
        %dma_wait3A_60 = arith.constant 0 : i32
        %dma_wait3A_61 = tpu.memref_slice %arg9[%dma_wait3A, %dma_wait3A_60] : memref<2048x8xf32, #tpu.memory_space<vmem>> -> memref<2048x7xf32, #tpu.memory_space<vmem>>
        %dma_wait3A_62 = arith.constant 0 : i32
        %dma_wait3A_63 = tpu.memref_slice %arg3[%mul3A_35, %dma_wait3A_62] : memref<3200000x7xf32, #tpu.memory_space<hbm>> -> memref<2048x7xf32, #tpu.memory_space<hbm>>
        %dma_wait3A_64 = arith.constant 0 : i32
        %dma_wait3A_65 = arith.constant 0 : i32
        %dma_wait3A_66 = tpu.memref_slice %arg9[%dma_wait3A_64, %dma_wait3A_65] : memref<2048x8xf32, #tpu.memory_space<vmem>> -> memref<2048x7xf32, #tpu.memory_space<vmem>>
        %dma_wait3A_67 = arith.constant 0 : i32
        %dma_wait3A_68 = tpu.memref_slice %arg3[%mul3A_35, %dma_wait3A_67] : memref<3200000x7xf32, #tpu.memory_space<hbm>> -> memref<2048x7xf32, #tpu.memory_space<hbm>>
        tpu.wait_dma2 semaphore(%run_scoped3A : memref<!tpu.dma_semaphore, #tpu.memory_space<semaphore_mem>>) src(%dma_wait3A_68 : memref<2048x7xf32, #tpu.memory_space<hbm>>) dst(%dma_wait3A_66 : memref<2048x7xf32, #tpu.memory_space<vmem>>)
        tpu.yield
      }) : () -> ()
      %scan3A_36 = arith.constant 0 : i32
      %scan3A_37 = arith.constant 0 : i32
      %scan3A_38 = arith.constant 16 : i32
      %scan3A_39 = arith.addi %scan3A_37, %scan3A_38 : i32
      %scan3A_40 = arith.constant 1 : i32
      %scan3A_41 = scf.for %scan3A_51 = %scan3A_37 to %scan3A_39 step %scan3A_40 iter_args(%scan3A_52 = %scan3A_36) -> (i32)  : i32 {
        %mul3A_53 = arith.constant 128 : i32
        %mul3A_54 = arith.muli %scan3A_51, %mul3A_53 : i32
        "tpu.region"() ({
          %run_scoped3A = tpu.sem_alloc : memref<!tpu.dma_semaphore, #tpu.memory_space<semaphore_mem>>
          %dma_start3A = arith.constant 0 : i32
          %dma_start3A_56 = tpu.memref_slice %arg9[%mul3A_54, %dma_start3A] : memref<2048x8xf32, #tpu.memory_space<vmem>> -> memref<128x8xf32, #tpu.memory_space<vmem>>
          %dma_start3A_57 = arith.constant 0 : i32
          %dma_start3A_58 = tpu.memref_slice %arg8[%scan3A_51, %dma_start3A_57] : memref<16x128xi32, #tpu.memory_space<vmem>> -> memref<1x128xi32, #tpu.memory_space<vmem>>
          %dma_start3A_59 = tpu.memref_squeeze %dma_start3A_58 : memref<1x128xi32, #tpu.memory_space<vmem>> -> memref<128xi32, #tpu.memory_space<vmem>>
          %dma_start3A_60 = arith.constant 0 : i32
          %dma_start3A_61 = arith.constant 0 : i32
          %dma_start3A_62 = tpu.memref_slice %arg11[%dma_start3A_60, %dma_start3A_61] : memref<102400x8xf32, #tpu.memory_space<vmem_shared>> -> memref<102400x8xf32, #tpu.memory_space<vmem_shared>>
          tpu.enqueue_indirect_dma source(%dma_start3A_56 : memref<128x8xf32, #tpu.memory_space<vmem>>) target(%dma_start3A_62 : memref<102400x8xf32, #tpu.memory_space<vmem_shared>>) offsets(%dma_start3A_59 : memref<128xi32, #tpu.memory_space<vmem>>) semaphore(%run_scoped3A : memref<!tpu.dma_semaphore, #tpu.memory_space<semaphore_mem>>) {add = true}
          %dma_wait3A = arith.constant 0 : i32
          %dma_wait3A_63 = tpu.memref_slice %arg9[%mul3A_54, %dma_wait3A] : memref<2048x8xf32, #tpu.memory_space<vmem>> -> memref<128x8xf32, #tpu.memory_space<vmem>>
          %dma_wait3A_64 = arith.constant 0 : i32
          %dma_wait3A_65 = tpu.memref_slice %arg8[%scan3A_51, %dma_wait3A_64] : memref<16x128xi32, #tpu.memory_space<vmem>> -> memref<1x128xi32, #tpu.memory_space<vmem>>
          %dma_wait3A_66 = tpu.memref_squeeze %dma_wait3A_65 : memref<1x128xi32, #tpu.memory_space<vmem>> -> memref<128xi32, #tpu.memory_space<vmem>>
          %dma_wait3A_67 = arith.constant 0 : i32
          %dma_wait3A_68 = arith.constant 0 : i32
          %dma_wait3A_69 = tpu.memref_slice %arg11[%dma_wait3A_67, %dma_wait3A_68] : memref<102400x8xf32, #tpu.memory_space<vmem_shared>> -> memref<102400x8xf32, #tpu.memory_space<vmem_shared>>
          tpu.wait_indirect_dma semaphore(%run_scoped3A : memref<!tpu.dma_semaphore, #tpu.memory_space<semaphore_mem>>) src(%dma_wait3A_63 : memref<128x8xf32, #tpu.memory_space<vmem>>) dst(%dma_wait3A_69 : memref<102400x8xf32, #tpu.memory_space<vmem_shared>>)
          tpu.yield
        }) : () -> ()
        %scan3A_55 = arith.constant 0 : i32
        scf.yield %scan3A_55 : i32
      }
      %scan3A_42 = arith.constant 16 : i32
      %scan3A_43 = arith.constant 0 : i32
      %scan3A_44 = arith.constant 0 : i32
      %scan3A_45 = arith.constant 128 : i32
      %scan3A_46 = arith.addi %scan3A_44, %scan3A_45 : i32
      %scan3A_47 = arith.constant 1 : i32
      %scan3A_48 = scf.for %scan3A_51 = %scan3A_44 to %scan3A_46 step %scan3A_47 iter_args(%scan3A_52 = %scan3A_43) -> (i32)  : i32 {
        %jit3A_53 = arith.constant 8 : i32
        %div3A = arith.divsi %scan3A_51, %jit3A_53 : i32
        %sign3A = arith.constant 0 : i32
        %sign3A_54 = arith.cmpi sgt, %scan3A_51, %sign3A : i32
        %sign3A_55 = arith.extui %sign3A_54 : i1 to i32
        %sign3A_56 = arith.constant 0 : i32
        %sign3A_57 = arith.cmpi slt, %scan3A_51, %sign3A_56 : i32
        %sign3A_58 = arith.extui %sign3A_57 : i1 to i32
        %sign3A_59 = arith.subi %sign3A_55, %sign3A_58 : i32
        %sign3A_60 = arith.constant 0 : i32
        %sign3A_61 = arith.cmpi sgt, %jit3A_53, %sign3A_60 : i32
        %sign3A_62 = arith.extui %sign3A_61 : i1 to i32
        %sign3A_63 = arith.constant 0 : i32
        %sign3A_64 = arith.cmpi slt, %jit3A_53, %sign3A_63 : i32
        %sign3A_65 = arith.extui %sign3A_64 : i1 to i32
        %sign3A_66 = arith.subi %sign3A_62, %sign3A_65 : i32
        %ne3A = arith.cmpi ne, %sign3A_59, %sign3A_66 : i32
        %rem3A = arith.remsi %scan3A_51, %jit3A_53 : i32
        %ne3A_67 = arith.constant 0 : i32
        %ne3A_68 = arith.cmpi ne, %rem3A, %ne3A_67 : i32
        %and3A = arith.andi %ne3A, %ne3A_68 : i1
        %sub3A = arith.constant 1 : i32
        %sub3A_69 = arith.subi %div3A, %sub3A : i32
        %select_n3A_70 = arith.select %and3A, %sub3A_69, %div3A : i32
        %jit3A_71 = arith.constant 8 : i32
        %eq3A_72 = arith.constant 0 : i32
        %eq3A_73 = arith.cmpi eq, %jit3A_71, %eq3A_72 : i32
        %jit3A_74 = arith.constant 1 : i32
        %select_n3A_75 = arith.select %eq3A_73, %jit3A_74, %jit3A_71 : i32
        %rem3A_76 = arith.remsi %scan3A_51, %select_n3A_75 : i32
        %ne3A_77 = arith.constant 0 : i32
        %ne3A_78 = arith.cmpi ne, %rem3A_76, %ne3A_77 : i32
        %lt3A = arith.constant 0 : i32
        %lt3A_79 = arith.cmpi slt, %rem3A_76, %lt3A : i32
        %lt3A_80 = arith.constant 0 : i32
        %lt3A_81 = arith.cmpi slt, %select_n3A_75, %lt3A_80 : i32
        %ne3A_82 = arith.xori %lt3A_79, %lt3A_81 : i1
        %and3A_83 = arith.andi %ne3A_82, %ne3A_78 : i1
        %add3A_84 = arith.addi %rem3A_76, %select_n3A_75 : i32
        %select_n3A_85 = arith.select %and3A_83, %add3A_84, %rem3A_76 : i32
        %mul3A_86 = arith.constant 16 : i32
        %mul3A_87 = arith.muli %select_n3A_85, %mul3A_86 : i32
        %get3A = arith.index_cast %select_n3A_70 : i32 to index
        %get3A_88 = arith.index_cast %mul3A_87 : i32 to index
        %get3A_89 = tpu.vector_load %arg8[%get3A, %get3A_88] {strides = array<i32>} : memref<16x128xi32, #tpu.memory_space<vmem>>, vector<16xi32>,
        %shift_right_logical3A = arith.constant 7 : i32
        %shift_right_logical3A_90 = vector.broadcast %shift_right_logical3A : i32 to vector<16xi32>
        %shift_right_logical3A_91 = arith.shrui %get3A_89, %shift_right_logical3A_90 : vector<16xi32>
        %mul3A_92 = arith.constant 164 : i32
        %mul3A_93 = vector.broadcast %mul3A_92 : i32 to vector<16xi32>
        %mul3A_94 = arith.muli %shift_right_logical3A_91, %mul3A_93 : vector<16xi32>
        %shift_right_logical3A_95 = arith.constant 12 : i32
        %shift_right_logical3A_96 = vector.broadcast %shift_right_logical3A_95 : i32 to vector<16xi32>
        %shift_right_logical3A_97 = arith.shrui %mul3A_94, %shift_right_logical3A_96 : vector<16xi32>
        %mul3A_98 = arith.constant 3200 : i32
        %mul3A_99 = vector.broadcast %mul3A_98 : i32 to vector<16xi32>
        %mul3A_100 = arith.muli %shift_right_logical3A_97, %mul3A_99 : vector<16xi32>
        %sub3A_101 = arith.subi %get3A_89, %mul3A_100 : vector<16xi32>
        %mul3A_102 = arith.constant 16 : i32
        %mul3A_103 = vector.broadcast %mul3A_102 : i32 to vector<16xi32>
        %mul3A_104 = arith.muli %shift_right_logical3A_97, %mul3A_103 : vector<16xi32>
        %add3A_105 = arith.addi %mul3A_104, %iota3A : vector<16xi32>
        tpu.vector_store_idx %arg10[%add3A_105], %broadcast_in_dim3A_1 {add = true} : memref<512xi32, #tpu.memory_space<vmem>>[vector<16xi32>], vector<16xi32>,
        %scan3A_106 = arith.constant 0 : i32
        scf.yield %scan3A_106 : i32
      }
      %scan3A_49 = arith.constant 128 : i32
      %while3A_50 = arith.constant 0 : i32
      scf.yield %while3A_50 : i32
    }
    %while3A_21 = arith.constant 1 : i32
    %while3A_22 = scf.for %while3A_27 = %while3A_18 to %while3A_14 step %while3A_21 iter_args(%while3A_28 = %while3A_20) -> (i32)  : i32 {
      %mul3A_29 = arith.constant 784 : i32
      %mul3A_30 = arith.muli %add3A, %mul3A_29 : i32
      %mul3A_31 = arith.constant 16 : i32
      %mul3A_32 = arith.muli %while3A_27, %mul3A_31 : i32
      %add3A_33 = arith.addi %mul3A_30, %mul3A_32 : i32
      "tpu.region"() ({
        %run_scoped3A = tpu.sem_alloc : memref<!tpu.dma_semaphore, #tpu.memory_space<semaphore_mem>>
        %dma_start3A = arith.constant 0 : i32
        %dma_start3A_51 = arith.constant 0 : i32
        %dma_start3A_52 = tpu.memref_slice %arg8[%dma_start3A, %dma_start3A_51] : memref<16x128xi32, #tpu.memory_space<vmem>> -> memref<16x128xi32, #tpu.memory_space<vmem>>
        %dma_start3A_53 = arith.constant 0 : i32
        %dma_start3A_54 = tpu.memref_slice %arg2[%add3A_33, %dma_start3A_53] : memref<25000x128xi32, #tpu.memory_space<hbm>> -> memref<16x128xi32, #tpu.memory_space<hbm>>
        %dma_start3A_55 = arith.constant 0 : i32
        %dma_start3A_56 = arith.constant 0 : i32
        %dma_start3A_57 = tpu.memref_slice %arg8[%dma_start3A_55, %dma_start3A_56] : memref<16x128xi32, #tpu.memory_space<vmem>> -> memref<16x128xi32, #tpu.memory_space<vmem>>
        %dma_start3A_58 = arith.constant 0 : i32
        %dma_start3A_59 = tpu.memref_slice %arg2[%add3A_33, %dma_start3A_58] : memref<25000x128xi32, #tpu.memory_space<hbm>> -> memref<16x128xi32, #tpu.memory_space<hbm>>
        tpu.enqueue_dma source(%dma_start3A_59 : memref<16x128xi32, #tpu.memory_space<hbm>>) target(%dma_start3A_57 : memref<16x128xi32, #tpu.memory_space<vmem>>) target_semaphore(%run_scoped3A : memref<!tpu.dma_semaphore, #tpu.memory_space<semaphore_mem>>)
        %dma_wait3A = arith.constant 0 : i32
        %dma_wait3A_60 = arith.constant 0 : i32
        %dma_wait3A_61 = tpu.memref_slice %arg8[%dma_wait3A, %dma_wait3A_60] : memref<16x128xi32, #tpu.memory_space<vmem>> -> memref<16x128xi32, #tpu.memory_space<vmem>>
        %dma_wait3A_62 = arith.constant 0 : i32
        %dma_wait3A_63 = tpu.memref_slice %arg2[%add3A_33, %dma_wait3A_62] : memref<25000x128xi32, #tpu.memory_space<hbm>> -> memref<16x128xi32, #tpu.memory_space<hbm>>
        %dma_wait3A_64 = arith.constant 0 : i32
        %dma_wait3A_65 = arith.constant 0 : i32
        %dma_wait3A_66 = tpu.memref_slice %arg8[%dma_wait3A_64, %dma_wait3A_65] : memref<16x128xi32, #tpu.memory_space<vmem>> -> memref<16x128xi32, #tpu.memory_space<vmem>>
        %dma_wait3A_67 = arith.constant 0 : i32
        %dma_wait3A_68 = tpu.memref_slice %arg2[%add3A_33, %dma_wait3A_67] : memref<25000x128xi32, #tpu.memory_space<hbm>> -> memref<16x128xi32, #tpu.memory_space<hbm>>
        tpu.wait_dma2 semaphore(%run_scoped3A : memref<!tpu.dma_semaphore, #tpu.memory_space<semaphore_mem>>) src(%dma_wait3A_68 : memref<16x128xi32, #tpu.memory_space<hbm>>) dst(%dma_wait3A_66 : memref<16x128xi32, #tpu.memory_space<vmem>>)
        tpu.yield
      }) : () -> ()
      %mul3A_34 = arith.constant 128 : i32
      %mul3A_35 = arith.muli %add3A_33, %mul3A_34 : i32
      "tpu.region"() ({
        %run_scoped3A = tpu.sem_alloc : memref<!tpu.dma_semaphore, #tpu.memory_space<semaphore_mem>>
        %dma_start3A = arith.constant 0 : i32
        %dma_start3A_51 = arith.constant 0 : i32
        %dma_start3A_52 = tpu.memref_slice %arg9[%dma_start3A, %dma_start3A_51] : memref<2048x8xf32, #tpu.memory_space<vmem>> -> memref<2048x7xf32, #tpu.memory_space<vmem>>
        %dma_start3A_53 = arith.constant 0 : i32
        %dma_start3A_54 = tpu.memref_slice %arg3[%mul3A_35, %dma_start3A_53] : memref<3200000x7xf32, #tpu.memory_space<hbm>> -> memref<2048x7xf32, #tpu.memory_space<hbm>>
        %dma_start3A_55 = arith.constant 0 : i32
        %dma_start3A_56 = arith.constant 0 : i32
        %dma_start3A_57 = tpu.memref_slice %arg9[%dma_start3A_55, %dma_start3A_56] : memref<2048x8xf32, #tpu.memory_space<vmem>> -> memref<2048x7xf32, #tpu.memory_space<vmem>>
        %dma_start3A_58 = arith.constant 0 : i32
        %dma_start3A_59 = tpu.memref_slice %arg3[%mul3A_35, %dma_start3A_58] : memref<3200000x7xf32, #tpu.memory_space<hbm>> -> memref<2048x7xf32, #tpu.memory_space<hbm>>
        tpu.enqueue_dma source(%dma_start3A_59 : memref<2048x7xf32, #tpu.memory_space<hbm>>) target(%dma_start3A_57 : memref<2048x7xf32, #tpu.memory_space<vmem>>) target_semaphore(%run_scoped3A : memref<!tpu.dma_semaphore, #tpu.memory_space<semaphore_mem>>)
        %dma_wait3A = arith.constant 0 : i32
        %dma_wait3A_60 = arith.constant 0 : i32
        %dma_wait3A_61 = tpu.memref_slice %arg9[%dma_wait3A, %dma_wait3A_60] : memref<2048x8xf32, #tpu.memory_space<vmem>> -> memref<2048x7xf32, #tpu.memory_space<vmem>>
        %dma_wait3A_62 = arith.constant 0 : i32
        %dma_wait3A_63 = tpu.memref_slice %arg3[%mul3A_35, %dma_wait3A_62] : memref<3200000x7xf32, #tpu.memory_space<hbm>> -> memref<2048x7xf32, #tpu.memory_space<hbm>>
        %dma_wait3A_64 = arith.constant 0 : i32
        %dma_wait3A_65 = arith.constant 0 : i32
        %dma_wait3A_66 = tpu.memref_slice %arg9[%dma_wait3A_64, %dma_wait3A_65] : memref<2048x8xf32, #tpu.memory_space<vmem>> -> memref<2048x7xf32, #tpu.memory_space<vmem>>
        %dma_wait3A_67 = arith.constant 0 : i32
        %dma_wait3A_68 = tpu.memref_slice %arg3[%mul3A_35, %dma_wait3A_67] : memref<3200000x7xf32, #tpu.memory_space<hbm>> -> memref<2048x7xf32, #tpu.memory_space<hbm>>
        tpu.wait_dma2 semaphore(%run_scoped3A : memref<!tpu.dma_semaphore, #tpu.memory_space<semaphore_mem>>) src(%dma_wait3A_68 : memref<2048x7xf32, #tpu.memory_space<hbm>>) dst(%dma_wait3A_66 : memref<2048x7xf32, #tpu.memory_space<vmem>>)
        tpu.yield
      }) : () -> ()
      %scan3A_36 = arith.constant 0 : i32
      %scan3A_37 = arith.constant 0 : i32
      %scan3A_38 = arith.constant 16 : i32
      %scan3A_39 = arith.addi %scan3A_37, %scan3A_38 : i32
      %scan3A_40 = arith.constant 1 : i32
      %scan3A_41 = scf.for %scan3A_51 = %scan3A_37 to %scan3A_39 step %scan3A_40 iter_args(%scan3A_52 = %scan3A_36) -> (i32)  : i32 {
        %mul3A_53 = arith.constant 128 : i32
        %mul3A_54 = arith.muli %scan3A_51, %mul3A_53 : i32
        "tpu.region"() ({
          %run_scoped3A = tpu.sem_alloc : memref<!tpu.dma_semaphore, #tpu.memory_space<semaphore_mem>>
          %dma_start3A = arith.constant 0 : i32
          %dma_start3A_56 = tpu.memref_slice %arg9[%mul3A_54, %dma_start3A] : memref<2048x8xf32, #tpu.memory_space<vmem>> -> memref<128x8xf32, #tpu.memory_space<vmem>>
          %dma_start3A_57 = arith.constant 0 : i32
          %dma_start3A_58 = tpu.memref_slice %arg8[%scan3A_51, %dma_start3A_57] : memref<16x128xi32, #tpu.memory_space<vmem>> -> memref<1x128xi32, #tpu.memory_space<vmem>>
          %dma_start3A_59 = tpu.memref_squeeze %dma_start3A_58 : memref<1x128xi32, #tpu.memory_space<vmem>> -> memref<128xi32, #tpu.memory_space<vmem>>
          %dma_start3A_60 = arith.constant 0 : i32
          %dma_start3A_61 = arith.constant 0 : i32
          %dma_start3A_62 = tpu.memref_slice %arg11[%dma_start3A_60, %dma_start3A_61] : memref<102400x8xf32, #tpu.memory_space<vmem_shared>> -> memref<102400x8xf32, #tpu.memory_space<vmem_shared>>
          tpu.enqueue_indirect_dma source(%dma_start3A_56 : memref<128x8xf32, #tpu.memory_space<vmem>>) target(%dma_start3A_62 : memref<102400x8xf32, #tpu.memory_space<vmem_shared>>) offsets(%dma_start3A_59 : memref<128xi32, #tpu.memory_space<vmem>>) semaphore(%run_scoped3A : memref<!tpu.dma_semaphore, #tpu.memory_space<semaphore_mem>>) {add = true}
          %dma_wait3A = arith.constant 0 : i32
          %dma_wait3A_63 = tpu.memref_slice %arg9[%mul3A_54, %dma_wait3A] : memref<2048x8xf32, #tpu.memory_space<vmem>> -> memref<128x8xf32, #tpu.memory_space<vmem>>
          %dma_wait3A_64 = arith.constant 0 : i32
          %dma_wait3A_65 = tpu.memref_slice %arg8[%scan3A_51, %dma_wait3A_64] : memref<16x128xi32, #tpu.memory_space<vmem>> -> memref<1x128xi32, #tpu.memory_space<vmem>>
          %dma_wait3A_66 = tpu.memref_squeeze %dma_wait3A_65 : memref<1x128xi32, #tpu.memory_space<vmem>> -> memref<128xi32, #tpu.memory_space<vmem>>
          %dma_wait3A_67 = arith.constant 0 : i32
          %dma_wait3A_68 = arith.constant 0 : i32
          %dma_wait3A_69 = tpu.memref_slice %arg11[%dma_wait3A_67, %dma_wait3A_68] : memref<102400x8xf32, #tpu.memory_space<vmem_shared>> -> memref<102400x8xf32, #tpu.memory_space<vmem_shared>>
          tpu.wait_indirect_dma semaphore(%run_scoped3A : memref<!tpu.dma_semaphore, #tpu.memory_space<semaphore_mem>>) src(%dma_wait3A_63 : memref<128x8xf32, #tpu.memory_space<vmem>>) dst(%dma_wait3A_69 : memref<102400x8xf32, #tpu.memory_space<vmem_shared>>)
          tpu.yield
        }) : () -> ()
        %scan3A_55 = arith.constant 0 : i32
        scf.yield %scan3A_55 : i32
      }
      %scan3A_42 = arith.constant 16 : i32
      %scan3A_43 = arith.constant 0 : i32
      %scan3A_44 = arith.constant 0 : i32
      %scan3A_45 = arith.constant 128 : i32
      %scan3A_46 = arith.addi %scan3A_44, %scan3A_45 : i32
      %scan3A_47 = arith.constant 1 : i32
      %scan3A_48 = scf.for %scan3A_51 = %scan3A_44 to %scan3A_46 step %scan3A_47 iter_args(%scan3A_52 = %scan3A_43) -> (i32)  : i32 {
        %jit3A_53 = arith.constant 8 : i32
        %div3A = arith.divsi %scan3A_51, %jit3A_53 : i32
        %sign3A = arith.constant 0 : i32
        %sign3A_54 = arith.cmpi sgt, %scan3A_51, %sign3A : i32
        %sign3A_55 = arith.extui %sign3A_54 : i1 to i32
        %sign3A_56 = arith.constant 0 : i32
        %sign3A_57 = arith.cmpi slt, %scan3A_51, %sign3A_56 : i32
        %sign3A_58 = arith.extui %sign3A_57 : i1 to i32
        %sign3A_59 = arith.subi %sign3A_55, %sign3A_58 : i32
        %sign3A_60 = arith.constant 0 : i32
        %sign3A_61 = arith.cmpi sgt, %jit3A_53, %sign3A_60 : i32
        %sign3A_62 = arith.extui %sign3A_61 : i1 to i32
        %sign3A_63 = arith.constant 0 : i32
        %sign3A_64 = arith.cmpi slt, %jit3A_53, %sign3A_63 : i32
        %sign3A_65 = arith.extui %sign3A_64 : i1 to i32
        %sign3A_66 = arith.subi %sign3A_62, %sign3A_65 : i32
        %ne3A = arith.cmpi ne, %sign3A_59, %sign3A_66 : i32
        %rem3A = arith.remsi %scan3A_51, %jit3A_53 : i32
        %ne3A_67 = arith.constant 0 : i32
        %ne3A_68 = arith.cmpi ne, %rem3A, %ne3A_67 : i32
        %and3A = arith.andi %ne3A, %ne3A_68 : i1
        %sub3A = arith.constant 1 : i32
        %sub3A_69 = arith.subi %div3A, %sub3A : i32
        %select_n3A_70 = arith.select %and3A, %sub3A_69, %div3A : i32
        %jit3A_71 = arith.constant 8 : i32
        %eq3A_72 = arith.constant 0 : i32
        %eq3A_73 = arith.cmpi eq, %jit3A_71, %eq3A_72 : i32
        %jit3A_74 = arith.constant 1 : i32
        %select_n3A_75 = arith.select %eq3A_73, %jit3A_74, %jit3A_71 : i32
        %rem3A_76 = arith.remsi %scan3A_51, %select_n3A_75 : i32
        %ne3A_77 = arith.constant 0 : i32
        %ne3A_78 = arith.cmpi ne, %rem3A_76, %ne3A_77 : i32
        %lt3A = arith.constant 0 : i32
        %lt3A_79 = arith.cmpi slt, %rem3A_76, %lt3A : i32
        %lt3A_80 = arith.constant 0 : i32
        %lt3A_81 = arith.cmpi slt, %select_n3A_75, %lt3A_80 : i32
        %ne3A_82 = arith.xori %lt3A_79, %lt3A_81 : i1
        %and3A_83 = arith.andi %ne3A_82, %ne3A_78 : i1
        %add3A_84 = arith.addi %rem3A_76, %select_n3A_75 : i32
        %select_n3A_85 = arith.select %and3A_83, %add3A_84, %rem3A_76 : i32
        %mul3A_86 = arith.constant 16 : i32
        %mul3A_87 = arith.muli %select_n3A_85, %mul3A_86 : i32
        %get3A = arith.index_cast %select_n3A_70 : i32 to index
        %get3A_88 = arith.index_cast %mul3A_87 : i32 to index
        %get3A_89 = tpu.vector_load %arg8[%get3A, %get3A_88] {strides = array<i32>} : memref<16x128xi32, #tpu.memory_space<vmem>>, vector<16xi32>,
        %shift_right_logical3A = arith.constant 7 : i32
        %shift_right_logical3A_90 = vector.broadcast %shift_right_logical3A : i32 to vector<16xi32>
        %shift_right_logical3A_91 = arith.shrui %get3A_89, %shift_right_logical3A_90 : vector<16xi32>
        %mul3A_92 = arith.constant 164 : i32
        %mul3A_93 = vector.broadcast %mul3A_92 : i32 to vector<16xi32>
        %mul3A_94 = arith.muli %shift_right_logical3A_91, %mul3A_93 : vector<16xi32>
        %shift_right_logical3A_95 = arith.constant 12 : i32
        %shift_right_logical3A_96 = vector.broadcast %shift_right_logical3A_95 : i32 to vector<16xi32>
        %shift_right_logical3A_97 = arith.shrui %mul3A_94, %shift_right_logical3A_96 : vector<16xi32>
        %mul3A_98 = arith.constant 3200 : i32
        %mul3A_99 = vector.broadcast %mul3A_98 : i32 to vector<16xi32>
        %mul3A_100 = arith.muli %shift_right_logical3A_97, %mul3A_99 : vector<16xi32>
        %sub3A_101 = arith.subi %get3A_89, %mul3A_100 : vector<16xi32>
        %mul3A_102 = arith.constant 16 : i32
        %mul3A_103 = vector.broadcast %mul3A_102 : i32 to vector<16xi32>
        %mul3A_104 = arith.muli %shift_right_logical3A_97, %mul3A_103 : vector<16xi32>
        %add3A_105 = arith.addi %mul3A_104, %iota3A : vector<16xi32>
        tpu.vector_store_idx %arg10[%add3A_105], %broadcast_in_dim3A_1 {add = true} : memref<512xi32, #tpu.memory_space<vmem>>[vector<16xi32>], vector<16xi32>,
        %scan3A_106 = arith.constant 0 : i32
        scf.yield %scan3A_106 : i32
      }
      %scan3A_49 = arith.constant 128 : i32
      %while3A_50 = arith.constant 0 : i32
      scf.yield %while3A_50 : i32
    }
    %eq3A_23 = arith.constant 31 : i32
    %eq3A_24 = arith.cmpi eq, %add3A, %eq3A_23 : i32
    %convert_element_type3A = arith.extui %eq3A_24 : i1 to i32
    %cond3A = arith.constant 0 : i32
    %cond3A_25 = arith.cmpi ne, %convert_element_type3A, %cond3A : i32
    scf.if %cond3A_25 {
      "tpu.region"() ({
        %run_scoped3A = tpu.sem_alloc : memref<!tpu.dma_semaphore, #tpu.memory_space<semaphore_mem>>
        %dma_start3A = arith.constant 0 : i32
        %dma_start3A_41 = arith.constant 0 : i32
        %dma_start3A_42 = tpu.memref_slice %arg8[%dma_start3A, %dma_start3A_41] : memref<16x128xi32, #tpu.memory_space<vmem>> -> memref<8x128xi32, #tpu.memory_space<vmem>>
        %dma_start3A_43 = arith.constant 24992 : i32
        %dma_start3A_44 = arith.constant 0 : i32
        %dma_start3A_45 = tpu.memref_slice %arg2[%dma_start3A_43, %dma_start3A_44] : memref<25000x128xi32, #tpu.memory_space<hbm>> -> memref<8x128xi32, #tpu.memory_space<hbm>>
        %dma_start3A_46 = arith.constant 0 : i32
        %dma_start3A_47 = arith.constant 0 : i32
        %dma_start3A_48 = tpu.memref_slice %arg8[%dma_start3A_46, %dma_start3A_47] : memref<16x128xi32, #tpu.memory_space<vmem>> -> memref<8x128xi32, #tpu.memory_space<vmem>>
        %dma_start3A_49 = arith.constant 24992 : i32
        %dma_start3A_50 = arith.constant 0 : i32
        %dma_start3A_51 = tpu.memref_slice %arg2[%dma_start3A_49, %dma_start3A_50] : memref<25000x128xi32, #tpu.memory_space<hbm>> -> memref<8x128xi32, #tpu.memory_space<hbm>>
        tpu.enqueue_dma source(%dma_start3A_51 : memref<8x128xi32, #tpu.memory_space<hbm>>) target(%dma_start3A_48 : memref<8x128xi32, #tpu.memory_space<vmem>>) target_semaphore(%run_scoped3A : memref<!tpu.dma_semaphore, #tpu.memory_space<semaphore_mem>>)
        %dma_wait3A = arith.constant 0 : i32
        %dma_wait3A_52 = arith.constant 0 : i32
        %dma_wait3A_53 = tpu.memref_slice %arg8[%dma_wait3A, %dma_wait3A_52] : memref<16x128xi32, #tpu.memory_space<vmem>> -> memref<8x128xi32, #tpu.memory_space<vmem>>
        %dma_wait3A_54 = arith.constant 24992 : i32
        %dma_wait3A_55 = arith.constant 0 : i32
        %dma_wait3A_56 = tpu.memref_slice %arg2[%dma_wait3A_54, %dma_wait3A_55] : memref<25000x128xi32, #tpu.memory_space<hbm>> -> memref<8x128xi32, #tpu.memory_space<hbm>>
        %dma_wait3A_57 = arith.constant 0 : i32
        %dma_wait3A_58 = arith.constant 0 : i32
        %dma_wait3A_59 = tpu.memref_slice %arg8[%dma_wait3A_57, %dma_wait3A_58] : memref<16x128xi32, #tpu.memory_space<vmem>> -> memref<8x128xi32, #tpu.memory_space<vmem>>
        %dma_wait3A_60 = arith.constant 24992 : i32
        %dma_wait3A_61 = arith.constant 0 : i32
        %dma_wait3A_62 = tpu.memref_slice %arg2[%dma_wait3A_60, %dma_wait3A_61] : memref<25000x128xi32, #tpu.memory_space<hbm>> -> memref<8x128xi32, #tpu.memory_space<hbm>>
        tpu.wait_dma2 semaphore(%run_scoped3A : memref<!tpu.dma_semaphore, #tpu.memory_space<semaphore_mem>>) src(%dma_wait3A_62 : memref<8x128xi32, #tpu.memory_space<hbm>>) dst(%dma_wait3A_59 : memref<8x128xi32, #tpu.memory_space<vmem>>)
        tpu.yield
      }) : () -> ()
      "tpu.region"() ({
        %run_scoped3A = tpu.sem_alloc : memref<!tpu.dma_semaphore, #tpu.memory_space<semaphore_mem>>
        %dma_start3A = arith.constant 0 : i32
        %dma_start3A_41 = arith.constant 0 : i32
        %dma_start3A_42 = tpu.memref_slice %arg9[%dma_start3A, %dma_start3A_41] : memref<2048x8xf32, #tpu.memory_space<vmem>> -> memref<1024x7xf32, #tpu.memory_space<vmem>>
        %dma_start3A_43 = arith.constant 3198976 : i32
        %dma_start3A_44 = arith.constant 0 : i32
        %dma_start3A_45 = tpu.memref_slice %arg3[%dma_start3A_43, %dma_start3A_44] : memref<3200000x7xf32, #tpu.memory_space<hbm>> -> memref<1024x7xf32, #tpu.memory_space<hbm>>
        %dma_start3A_46 = arith.constant 0 : i32
        %dma_start3A_47 = arith.constant 0 : i32
        %dma_start3A_48 = tpu.memref_slice %arg9[%dma_start3A_46, %dma_start3A_47] : memref<2048x8xf32, #tpu.memory_space<vmem>> -> memref<1024x7xf32, #tpu.memory_space<vmem>>
        %dma_start3A_49 = arith.constant 3198976 : i32
        %dma_start3A_50 = arith.constant 0 : i32
        %dma_start3A_51 = tpu.memref_slice %arg3[%dma_start3A_49, %dma_start3A_50] : memref<3200000x7xf32, #tpu.memory_space<hbm>> -> memref<1024x7xf32, #tpu.memory_space<hbm>>
        tpu.enqueue_dma source(%dma_start3A_51 : memref<1024x7xf32, #tpu.memory_space<hbm>>) target(%dma_start3A_48 : memref<1024x7xf32, #tpu.memory_space<vmem>>) target_semaphore(%run_scoped3A : memref<!tpu.dma_semaphore, #tpu.memory_space<semaphore_mem>>)
        %dma_wait3A = arith.constant 0 : i32
        %dma_wait3A_52 = arith.constant 0 : i32
        %dma_wait3A_53 = tpu.memref_slice %arg9[%dma_wait3A, %dma_wait3A_52] : memref<2048x8xf32, #tpu.memory_space<vmem>> -> memref<1024x7xf32, #tpu.memory_space<vmem>>
        %dma_wait3A_54 = arith.constant 3198976 : i32
        %dma_wait3A_55 = arith.constant 0 : i32
        %dma_wait3A_56 = tpu.memref_slice %arg3[%dma_wait3A_54, %dma_wait3A_55] : memref<3200000x7xf32, #tpu.memory_space<hbm>> -> memref<1024x7xf32, #tpu.memory_space<hbm>>
        %dma_wait3A_57 = arith.constant 0 : i32
        %dma_wait3A_58 = arith.constant 0 : i32
        %dma_wait3A_59 = tpu.memref_slice %arg9[%dma_wait3A_57, %dma_wait3A_58] : memref<2048x8xf32, #tpu.memory_space<vmem>> -> memref<1024x7xf32, #tpu.memory_space<vmem>>
        %dma_wait3A_60 = arith.constant 3198976 : i32
        %dma_wait3A_61 = arith.constant 0 : i32
        %dma_wait3A_62 = tpu.memref_slice %arg3[%dma_wait3A_60, %dma_wait3A_61] : memref<3200000x7xf32, #tpu.memory_space<hbm>> -> memref<1024x7xf32, #tpu.memory_space<hbm>>
        tpu.wait_dma2 semaphore(%run_scoped3A : memref<!tpu.dma_semaphore, #tpu.memory_space<semaphore_mem>>) src(%dma_wait3A_62 : memref<1024x7xf32, #tpu.memory_space<hbm>>) dst(%dma_wait3A_59 : memref<1024x7xf32, #tpu.memory_space<vmem>>)
        tpu.yield
      }) : () -> ()
      %scan3A_27 = arith.constant 0 : i32
      %scan3A_28 = arith.constant 0 : i32
      %scan3A_29 = arith.constant 8 : i32
      %scan3A_30 = arith.addi %scan3A_28, %scan3A_29 : i32
      %scan3A_31 = arith.constant 1 : i32
      %scan3A_32 = scf.for %scan3A_41 = %scan3A_28 to %scan3A_30 step %scan3A_31 iter_args(%scan3A_42 = %scan3A_27) -> (i32)  : i32 {
        %mul3A_43 = arith.constant 128 : i32
        %mul3A_44 = arith.muli %scan3A_41, %mul3A_43 : i32
        "tpu.region"() ({
          %run_scoped3A = tpu.sem_alloc : memref<!tpu.dma_semaphore, #tpu.memory_space<semaphore_mem>>
          %dma_start3A = arith.constant 0 : i32
          %dma_start3A_46 = tpu.memref_slice %arg9[%mul3A_44, %dma_start3A] : memref<2048x8xf32, #tpu.memory_space<vmem>> -> memref<128x8xf32, #tpu.memory_space<vmem>>
          %dma_start3A_47 = arith.constant 0 : i32
          %dma_start3A_48 = tpu.memref_slice %arg8[%scan3A_41, %dma_start3A_47] : memref<16x128xi32, #tpu.memory_space<vmem>> -> memref<1x128xi32, #tpu.memory_space<vmem>>
          %dma_start3A_49 = tpu.memref_squeeze %dma_start3A_48 : memref<1x128xi32, #tpu.memory_space<vmem>> -> memref<128xi32, #tpu.memory_space<vmem>>
          %dma_start3A_50 = arith.constant 0 : i32
          %dma_start3A_51 = arith.constant 0 : i32
          %dma_start3A_52 = tpu.memref_slice %arg11[%dma_start3A_50, %dma_start3A_51] : memref<102400x8xf32, #tpu.memory_space<vmem_shared>> -> memref<102400x8xf32, #tpu.memory_space<vmem_shared>>
          tpu.enqueue_indirect_dma source(%dma_start3A_46 : memref<128x8xf32, #tpu.memory_space<vmem>>) target(%dma_start3A_52 : memref<102400x8xf32, #tpu.memory_space<vmem_shared>>) offsets(%dma_start3A_49 : memref<128xi32, #tpu.memory_space<vmem>>) semaphore(%run_scoped3A : memref<!tpu.dma_semaphore, #tpu.memory_space<semaphore_mem>>) {add = true}
          %dma_wait3A = arith.constant 0 : i32
          %dma_wait3A_53 = tpu.memref_slice %arg9[%mul3A_44, %dma_wait3A] : memref<2048x8xf32, #tpu.memory_space<vmem>> -> memref<128x8xf32, #tpu.memory_space<vmem>>
          %dma_wait3A_54 = arith.constant 0 : i32
          %dma_wait3A_55 = tpu.memref_slice %arg8[%scan3A_41, %dma_wait3A_54] : memref<16x128xi32, #tpu.memory_space<vmem>> -> memref<1x128xi32, #tpu.memory_space<vmem>>
          %dma_wait3A_56 = tpu.memref_squeeze %dma_wait3A_55 : memref<1x128xi32, #tpu.memory_space<vmem>> -> memref<128xi32, #tpu.memory_space<vmem>>
          %dma_wait3A_57 = arith.constant 0 : i32
          %dma_wait3A_58 = arith.constant 0 : i32
          %dma_wait3A_59 = tpu.memref_slice %arg11[%dma_wait3A_57, %dma_wait3A_58] : memref<102400x8xf32, #tpu.memory_space<vmem_shared>> -> memref<102400x8xf32, #tpu.memory_space<vmem_shared>>
          tpu.wait_indirect_dma semaphore(%run_scoped3A : memref<!tpu.dma_semaphore, #tpu.memory_space<semaphore_mem>>) src(%dma_wait3A_53 : memref<128x8xf32, #tpu.memory_space<vmem>>) dst(%dma_wait3A_59 : memref<102400x8xf32, #tpu.memory_space<vmem_shared>>)
          tpu.yield
        }) : () -> ()
        %scan3A_45 = arith.constant 0 : i32
        scf.yield %scan3A_45 : i32
      }
      %scan3A_33 = arith.constant 8 : i32
      %scan3A_34 = arith.constant 0 : i32
      %scan3A_35 = arith.constant 0 : i32
      %scan3A_36 = arith.constant 64 : i32
      %scan3A_37 = arith.addi %scan3A_35, %scan3A_36 : i32
      %scan3A_38 = arith.constant 1 : i32
      %scan3A_39 = scf.for %scan3A_41 = %scan3A_35 to %scan3A_37 step %scan3A_38 iter_args(%scan3A_42 = %scan3A_34) -> (i32)  : i32 {
        %jit3A_43 = arith.constant 8 : i32
        %div3A = arith.divsi %scan3A_41, %jit3A_43 : i32
        %sign3A = arith.constant 0 : i32
        %sign3A_44 = arith.cmpi sgt, %scan3A_41, %sign3A : i32
        %sign3A_45 = arith.extui %sign3A_44 : i1 to i32
        %sign3A_46 = arith.constant 0 : i32
        %sign3A_47 = arith.cmpi slt, %scan3A_41, %sign3A_46 : i32
        %sign3A_48 = arith.extui %sign3A_47 : i1 to i32
        %sign3A_49 = arith.subi %sign3A_45, %sign3A_48 : i32
        %sign3A_50 = arith.constant 0 : i32
        %sign3A_51 = arith.cmpi sgt, %jit3A_43, %sign3A_50 : i32
        %sign3A_52 = arith.extui %sign3A_51 : i1 to i32
        %sign3A_53 = arith.constant 0 : i32
        %sign3A_54 = arith.cmpi slt, %jit3A_43, %sign3A_53 : i32
        %sign3A_55 = arith.extui %sign3A_54 : i1 to i32
        %sign3A_56 = arith.subi %sign3A_52, %sign3A_55 : i32
        %ne3A = arith.cmpi ne, %sign3A_49, %sign3A_56 : i32
        %rem3A = arith.remsi %scan3A_41, %jit3A_43 : i32
        %ne3A_57 = arith.constant 0 : i32
        %ne3A_58 = arith.cmpi ne, %rem3A, %ne3A_57 : i32
        %and3A = arith.andi %ne3A, %ne3A_58 : i1
        %sub3A = arith.constant 1 : i32
        %sub3A_59 = arith.subi %div3A, %sub3A : i32
        %select_n3A_60 = arith.select %and3A, %sub3A_59, %div3A : i32
        %jit3A_61 = arith.constant 8 : i32
        %eq3A_62 = arith.constant 0 : i32
        %eq3A_63 = arith.cmpi eq, %jit3A_61, %eq3A_62 : i32
        %jit3A_64 = arith.constant 1 : i32
        %select_n3A_65 = arith.select %eq3A_63, %jit3A_64, %jit3A_61 : i32
        %rem3A_66 = arith.remsi %scan3A_41, %select_n3A_65 : i32
        %ne3A_67 = arith.constant 0 : i32
        %ne3A_68 = arith.cmpi ne, %rem3A_66, %ne3A_67 : i32
        %lt3A = arith.constant 0 : i32
        %lt3A_69 = arith.cmpi slt, %rem3A_66, %lt3A : i32
        %lt3A_70 = arith.constant 0 : i32
        %lt3A_71 = arith.cmpi slt, %select_n3A_65, %lt3A_70 : i32
        %ne3A_72 = arith.xori %lt3A_69, %lt3A_71 : i1
        %and3A_73 = arith.andi %ne3A_72, %ne3A_68 : i1
        %add3A_74 = arith.addi %rem3A_66, %select_n3A_65 : i32
        %select_n3A_75 = arith.select %and3A_73, %add3A_74, %rem3A_66 : i32
        %mul3A_76 = arith.constant 16 : i32
        %mul3A_77 = arith.muli %select_n3A_75, %mul3A_76 : i32
        %get3A = arith.index_cast %select_n3A_60 : i32 to index
        %get3A_78 = arith.index_cast %mul3A_77 : i32 to index
        %get3A_79 = tpu.vector_load %arg8[%get3A, %get3A_78] {strides = array<i32>} : memref<16x128xi32, #tpu.memory_space<vmem>>, vector<16xi32>,
        %shift_right_logical3A = arith.constant 7 : i32
        %shift_right_logical3A_80 = vector.broadcast %shift_right_logical3A : i32 to vector<16xi32>
        %shift_right_logical3A_81 = arith.shrui %get3A_79, %shift_right_logical3A_80 : vector<16xi32>
        %mul3A_82 = arith.constant 164 : i32
        %mul3A_83 = vector.broadcast %mul3A_82 : i32 to vector<16xi32>
        %mul3A_84 = arith.muli %shift_right_logical3A_81, %mul3A_83 : vector<16xi32>
        %shift_right_logical3A_85 = arith.constant 12 : i32
        %shift_right_logical3A_86 = vector.broadcast %shift_right_logical3A_85 : i32 to vector<16xi32>
        %shift_right_logical3A_87 = arith.shrui %mul3A_84, %shift_right_logical3A_86 : vector<16xi32>
        %mul3A_88 = arith.constant 3200 : i32
        %mul3A_89 = vector.broadcast %mul3A_88 : i32 to vector<16xi32>
        %mul3A_90 = arith.muli %shift_right_logical3A_87, %mul3A_89 : vector<16xi32>
        %sub3A_91 = arith.subi %get3A_79, %mul3A_90 : vector<16xi32>
        %mul3A_92 = arith.constant 16 : i32
        %mul3A_93 = vector.broadcast %mul3A_92 : i32 to vector<16xi32>
        %mul3A_94 = arith.muli %shift_right_logical3A_87, %mul3A_93 : vector<16xi32>
        %add3A_95 = arith.addi %mul3A_94, %iota3A : vector<16xi32>
        tpu.vector_store_idx %arg10[%add3A_95], %broadcast_in_dim3A_1 {add = true} : memref<512xi32, #tpu.memory_space<vmem>>[vector<16xi32>], vector<16xi32>,
        %scan3A_96 = arith.constant 0 : i32
        scf.yield %scan3A_96 : i32
      }
      %scan3A_40 = arith.constant 64 : i32
    } else {
    }
    %barrier3A_26 = arith.constant 0 : index
    tpu.barrier barrier_id(%barrier3A_26)
    "tpu.region"() ({
      %run_scoped3A = tpu.sem_alloc : memref<!tpu.dma_semaphore, #tpu.memory_space<semaphore_mem>>
      %dma_start3A = arith.constant 0 : i32
      %dma_start3A_27 = tpu.memref_slice %arg7[%add3A, %dma_start3A] : memref<32x512xi32, #tpu.memory_space<hbm>> -> memref<1x512xi32, #tpu.memory_space<hbm>>
      %dma_start3A_28 = tpu.memref_squeeze %dma_start3A_27 : memref<1x512xi32, #tpu.memory_space<hbm>> -> memref<512xi32, #tpu.memory_space<hbm>>
      %dma_start3A_29 = arith.constant 0 : i32
      %dma_start3A_30 = tpu.memref_slice %arg7[%add3A, %dma_start3A_29] : memref<32x512xi32, #tpu.memory_space<hbm>> -> memref<1x512xi32, #tpu.memory_space<hbm>>
      %dma_start3A_31 = tpu.memref_squeeze %dma_start3A_30 : memref<1x512xi32, #tpu.memory_space<hbm>> -> memref<512xi32, #tpu.memory_space<hbm>>
      tpu.enqueue_dma source(%arg10 : memref<512xi32, #tpu.memory_space<vmem>>) target(%dma_start3A_31 : memref<512xi32, #tpu.memory_space<hbm>>) target_semaphore(%run_scoped3A : memref<!tpu.dma_semaphore, #tpu.memory_space<semaphore_mem>>)
      %dma_wait3A = arith.constant 0 : i32
      %dma_wait3A_32 = tpu.memref_slice %arg7[%add3A, %dma_wait3A] : memref<32x512xi32, #tpu.memory_space<hbm>> -> memref<1x512xi32, #tpu.memory_space<hbm>>
      %dma_wait3A_33 = tpu.memref_squeeze %dma_wait3A_32 : memref<1x512xi32, #tpu.memory_space<hbm>> -> memref<512xi32, #tpu.memory_space<hbm>>
      %dma_wait3A_34 = arith.constant 0 : i32
      %dma_wait3A_35 = tpu.memref_slice %arg7[%add3A, %dma_wait3A_34] : memref<32x512xi32, #tpu.memory_space<hbm>> -> memref<1x512xi32, #tpu.memory_space<hbm>>
      %dma_wait3A_36 = tpu.memref_squeeze %dma_wait3A_35 : memref<1x512xi32, #tpu.memory_space<hbm>> -> memref<512xi32, #tpu.memory_space<hbm>>
      tpu.wait_dma2 semaphore(%run_scoped3A : memref<!tpu.dma_semaphore, #tpu.memory_space<semaphore_mem>>) src(%arg10 : memref<512xi32, #tpu.memory_space<vmem>>) dst(%dma_wait3A_36 : memref<512xi32, #tpu.memory_space<hbm>>)
      tpu.yield
    }) : () -> ()
    "tpu.region"() ({
      %run_scoped3A = tpu.sem_alloc : memref<!tpu.dma_semaphore, #tpu.memory_space<semaphore_mem>>
      %dma_start3A = arith.constant 0 : i32
      %dma_start3A_27 = tpu.memref_slice %arg6[%arg0, %mul3A_9, %dma_start3A] : memref<2x102400x8xf32, #tpu.memory_space<hbm>> -> memref<1x6400x8xf32, #tpu.memory_space<hbm>>
      %dma_start3A_28 = tpu.memref_squeeze %dma_start3A_27 : memref<1x6400x8xf32, #tpu.memory_space<hbm>> -> memref<6400x8xf32, #tpu.memory_space<hbm>>
      %dma_start3A_29 = arith.constant 0 : i32
      %dma_start3A_30 = tpu.memref_slice %arg11[%mul3A_9, %dma_start3A_29] : memref<102400x8xf32, #tpu.memory_space<vmem_shared>> -> memref<6400x8xf32, #tpu.memory_space<vmem_shared>>
      tpu.enqueue_dma source(%dma_start3A_30 : memref<6400x8xf32, #tpu.memory_space<vmem_shared>>) target(%dma_start3A_28 : memref<6400x8xf32, #tpu.memory_space<hbm>>) target_semaphore(%run_scoped3A : memref<!tpu.dma_semaphore, #tpu.memory_space<semaphore_mem>>)
      %dma_wait3A = arith.constant 0 : i32
      %dma_wait3A_31 = tpu.memref_slice %arg6[%arg0, %mul3A_9, %dma_wait3A] : memref<2x102400x8xf32, #tpu.memory_space<hbm>> -> memref<1x6400x8xf32, #tpu.memory_space<hbm>>
      %dma_wait3A_32 = tpu.memref_squeeze %dma_wait3A_31 : memref<1x6400x8xf32, #tpu.memory_space<hbm>> -> memref<6400x8xf32, #tpu.memory_space<hbm>>
      %dma_wait3A_33 = arith.constant 0 : i32
      %dma_wait3A_34 = tpu.memref_slice %arg11[%mul3A_9, %dma_wait3A_33] : memref<102400x8xf32, #tpu.memory_space<vmem_shared>> -> memref<6400x8xf32, #tpu.memory_space<vmem_shared>>
      tpu.wait_dma2 semaphore(%run_scoped3A : memref<!tpu.dma_semaphore, #tpu.memory_space<semaphore_mem>>) src(%dma_wait3A_34 : memref<6400x8xf32, #tpu.memory_space<vmem_shared>>) dst(%dma_wait3A_32 : memref<6400x8xf32, #tpu.memory_space<hbm>>)
      tpu.yield
    }) : () -> ()
    return
  }
}

module attributes {stable_mosaic.version = 14 : i64} {
  func.func @_mlp_body(%arg0: i32, %arg1: memref<2x2048x8xf32, #tpu.memory_space<vmem>>, %arg2: memref<2048x5xf32, #tpu.memory_space<vmem>>, %arg3: memref<2048x5xf32, #tpu.memory_space<vmem>>, %arg4: memref<17x32xf32, #tpu.memory_space<vmem>>, %arg5: memref<1x32xf32, #tpu.memory_space<vmem>>, %arg6: memref<32x32xf32, #tpu.memory_space<vmem>>, %arg7: memref<1x32xf32, #tpu.memory_space<vmem>>, %arg8: memref<32x32xf32, #tpu.memory_space<vmem>>, %arg9: memref<1x32xf32, #tpu.memory_space<vmem>>, %arg10: memref<32x32xf32, #tpu.memory_space<vmem>>, %arg11: memref<1x32xf32, #tpu.memory_space<vmem>>, %arg12: memref<32x2xf32, #tpu.memory_space<vmem>>, %arg13: memref<1x2xf32, #tpu.memory_space<vmem>>, %arg14: memref<2048x2xf32, #tpu.memory_space<vmem>>) attributes {dimension_semantics = [#tpu.dimension_semantics<arbitrary>], iteration_bounds = array<i64: 50>, scalar_prefetch = 0 : i64, scratch_operands = 0 : i64, tpu.core_type = #tpu.core_type<tc>, window_params = [{transform_indices = @transform_0, window_bounds = array<i64: 2, 2048, 8>}, {transform_indices = @transform_1, window_bounds = array<i64: 2048, 5>}, {transform_indices = @transform_2, window_bounds = array<i64: 2048, 5>}, {pipeline_mode = #tpu.pipeline_mode<synchronous>, transform_indices = @transform_3, window_bounds = array<i64: 17, 32>}, {pipeline_mode = #tpu.pipeline_mode<synchronous>, transform_indices = @transform_4, window_bounds = array<i64: 1, 32>}, {pipeline_mode = #tpu.pipeline_mode<synchronous>, transform_indices = @transform_5, window_bounds = array<i64: 32, 32>}, {pipeline_mode = #tpu.pipeline_mode<synchronous>, transform_indices = @transform_6, window_bounds = array<i64: 1, 32>}, {pipeline_mode = #tpu.pipeline_mode<synchronous>, transform_indices = @transform_7, window_bounds = array<i64: 32, 32>}, {pipeline_mode = #tpu.pipeline_mode<synchronous>, transform_indices = @transform_8, window_bounds = array<i64: 1, 32>}, {pipeline_mode = #tpu.pipeline_mode<synchronous>, transform_indices = @transform_9, window_bounds = array<i64: 32, 32>}, {pipeline_mode = #tpu.pipeline_mode<synchronous>, transform_indices = @transform_10, window_bounds = array<i64: 1, 32>}, {pipeline_mode = #tpu.pipeline_mode<synchronous>, transform_indices = @transform_11, window_bounds = array<i64: 32, 2>}, {pipeline_mode = #tpu.pipeline_mode<synchronous>, transform_indices = @transform_12, window_bounds = array<i64: 1, 2>}, {transform_indices = @transform_13, window_bounds = array<i64: 2048, 2>}]} {
    %get3A = arith.constant 0 : index
    %get3A_0 = arith.constant 0 : index
    %get3A_1 = arith.constant 0 : index
    %get3A_2 = vector.load %arg1[%get3A, %get3A_0, %get3A_1] : memref<2x2048x8xf32, #tpu.memory_space<vmem>>, vector<1x2048x8xf32>
    %get3A_3 = vector.shape_cast %get3A_2 : vector<1x2048x8xf32> to vector<2048x8xf32>
    %get3A_4 = arith.constant 1 : index
    %get3A_5 = arith.constant 0 : index
    %get3A_6 = arith.constant 0 : index
    %get3A_7 = vector.load %arg1[%get3A_4, %get3A_5, %get3A_6] : memref<2x2048x8xf32, #tpu.memory_space<vmem>>, vector<1x2048x8xf32>
    %get3A_8 = vector.shape_cast %get3A_7 : vector<1x2048x8xf32> to vector<2048x8xf32>
    %add3A = arith.addf %get3A_3, %get3A_8 : vector<2048x8xf32>
    %slice3A = vector.extract_strided_slice %add3A {offsets = [0, 0], sizes = [2048, 7], strides = [1, 1]} : vector<2048x8xf32> to vector<2048x7xf32>
    %slice3A_9 = vector.extract_strided_slice %add3A {offsets = [0, 7], sizes = [2048, 1], strides = [1, 1]} : vector<2048x8xf32> to vector<2048x1xf32>
    %gt3A = arith.constant 0.000000e+00 : f32
    %gt3A_10 = vector.broadcast %gt3A : f32 to vector<2048x1xf32>
    %gt3A_11 = arith.cmpf ogt, %slice3A_9, %gt3A_10 : vector<2048x1xf32>
    %get3A_12 = arith.constant 0 : index
    %get3A_13 = arith.constant 0 : index
    %get3A_14 = vector.load %arg2[%get3A_12, %get3A_13] : memref<2048x5xf32, #tpu.memory_space<vmem>>, vector<2048x5xf32>
    %jit3A = arith.constant 0.000000e+00 : f32
    %broadcast_in_dim3A = vector.shape_cast %gt3A_11 : vector<2048x1xi1> to vector<2048x1xi1>
    %broadcast_in_dim3A_15 = vector.broadcast %broadcast_in_dim3A : vector<2048x1xi1> to vector<2048x5xi1>
    %broadcast_in_dim3A_16 = vector.broadcast %jit3A : f32 to vector<2048x5xf32>
    %select_n3A = arith.select %broadcast_in_dim3A_15, %get3A_14, %broadcast_in_dim3A_16 : vector<2048x5xi1>, vector<2048x5xf32>
    %get3A_17 = arith.constant 0 : index
    %get3A_18 = arith.constant 0 : index
    %get3A_19 = vector.load %arg3[%get3A_17, %get3A_18] : memref<2048x5xf32, #tpu.memory_space<vmem>>, vector<2048x5xf32>
    %jit3A_20 = arith.constant 0.000000e+00 : f32
    %broadcast_in_dim3A_21 = vector.shape_cast %gt3A_11 : vector<2048x1xi1> to vector<2048x1xi1>
    %broadcast_in_dim3A_22 = vector.broadcast %broadcast_in_dim3A_21 : vector<2048x1xi1> to vector<2048x5xi1>
    %broadcast_in_dim3A_23 = vector.broadcast %jit3A_20 : f32 to vector<2048x5xf32>
    %select_n3A_24 = arith.select %broadcast_in_dim3A_22, %get3A_19, %broadcast_in_dim3A_23 : vector<2048x5xi1>, vector<2048x5xf32>
    %concatenate3A = tpu.concatenate %slice3A, %select_n3A, %select_n3A_24 in 1 : vector<2048x7xf32>, vector<2048x5xf32>, vector<2048x5xf32> -> vector<2048x17xf32>
    %get3A_25 = arith.constant 0 : index
    %get3A_26 = arith.constant 0 : index
    %get3A_27 = vector.load %arg4[%get3A_25, %get3A_26] : memref<17x32xf32, #tpu.memory_space<vmem>>, vector<17x32xf32>
    %dot_general3A = arith.constant dense<0.000000e+00> : vector<2048x32xf32>
    %dot_general3A_28 = tpu.matmul %concatenate3A, %get3A_27, %dot_general3A {dimension_numbers = #tpu.dot_dimension_numbers<[1], [0], [0], [1], [0, 0, 1, 1], [], []>, transpose_lhs_hint = false} : vector<2048x17xf32>, vector<17x32xf32>, vector<2048x32xf32> -> vector<2048x32xf32>
    %get3A_29 = arith.constant 0 : index
    %get3A_30 = arith.constant 0 : index
    %get3A_31 = vector.load %arg5[%get3A_29, %get3A_30] : memref<1x32xf32, #tpu.memory_space<vmem>>, vector<1x32xf32>
    %add3A_32 = vector.broadcast %get3A_31 : vector<1x32xf32> to vector<2048x32xf32>
    %add3A_33 = arith.addf %dot_general3A_28, %add3A_32 : vector<2048x32xf32>
    %max3A = arith.constant 0.000000e+00 : f32
    %max3A_34 = vector.broadcast %max3A : f32 to vector<2048x32xf32>
    %max3A_35 = arith.maximumf %add3A_33, %max3A_34 : vector<2048x32xf32>
    %get3A_36 = arith.constant 0 : index
    %get3A_37 = arith.constant 0 : index
    %get3A_38 = vector.load %arg6[%get3A_36, %get3A_37] : memref<32x32xf32, #tpu.memory_space<vmem>>, vector<32x32xf32>
    %dot_general3A_39 = arith.constant dense<0.000000e+00> : vector<2048x32xf32>
    %dot_general3A_40 = tpu.matmul %max3A_35, %get3A_38, %dot_general3A_39 {dimension_numbers = #tpu.dot_dimension_numbers<[1], [0], [0], [1], [0, 0, 1, 1], [], []>, transpose_lhs_hint = false} : vector<2048x32xf32>, vector<32x32xf32>, vector<2048x32xf32> -> vector<2048x32xf32>
    %get3A_41 = arith.constant 0 : index
    %get3A_42 = arith.constant 0 : index
    %get3A_43 = vector.load %arg7[%get3A_41, %get3A_42] : memref<1x32xf32, #tpu.memory_space<vmem>>, vector<1x32xf32>
    %add3A_44 = vector.broadcast %get3A_43 : vector<1x32xf32> to vector<2048x32xf32>
    %add3A_45 = arith.addf %dot_general3A_40, %add3A_44 : vector<2048x32xf32>
    %max3A_46 = arith.constant 0.000000e+00 : f32
    %max3A_47 = vector.broadcast %max3A_46 : f32 to vector<2048x32xf32>
    %max3A_48 = arith.maximumf %add3A_45, %max3A_47 : vector<2048x32xf32>
    %get3A_49 = arith.constant 0 : index
    %get3A_50 = arith.constant 0 : index
    %get3A_51 = vector.load %arg8[%get3A_49, %get3A_50] : memref<32x32xf32, #tpu.memory_space<vmem>>, vector<32x32xf32>
    %dot_general3A_52 = arith.constant dense<0.000000e+00> : vector<2048x32xf32>
    %dot_general3A_53 = tpu.matmul %max3A_48, %get3A_51, %dot_general3A_52 {dimension_numbers = #tpu.dot_dimension_numbers<[1], [0], [0], [1], [0, 0, 1, 1], [], []>, transpose_lhs_hint = false} : vector<2048x32xf32>, vector<32x32xf32>, vector<2048x32xf32> -> vector<2048x32xf32>
    %get3A_54 = arith.constant 0 : index
    %get3A_55 = arith.constant 0 : index
    %get3A_56 = vector.load %arg9[%get3A_54, %get3A_55] : memref<1x32xf32, #tpu.memory_space<vmem>>, vector<1x32xf32>
    %add3A_57 = vector.broadcast %get3A_56 : vector<1x32xf32> to vector<2048x32xf32>
    %add3A_58 = arith.addf %dot_general3A_53, %add3A_57 : vector<2048x32xf32>
    %max3A_59 = arith.constant 0.000000e+00 : f32
    %max3A_60 = vector.broadcast %max3A_59 : f32 to vector<2048x32xf32>
    %max3A_61 = arith.maximumf %add3A_58, %max3A_60 : vector<2048x32xf32>
    %get3A_62 = arith.constant 0 : index
    %get3A_63 = arith.constant 0 : index
    %get3A_64 = vector.load %arg10[%get3A_62, %get3A_63] : memref<32x32xf32, #tpu.memory_space<vmem>>, vector<32x32xf32>
    %dot_general3A_65 = arith.constant dense<0.000000e+00> : vector<2048x32xf32>
    %dot_general3A_66 = tpu.matmul %max3A_61, %get3A_64, %dot_general3A_65 {dimension_numbers = #tpu.dot_dimension_numbers<[1], [0], [0], [1], [0, 0, 1, 1], [], []>, transpose_lhs_hint = false} : vector<2048x32xf32>, vector<32x32xf32>, vector<2048x32xf32> -> vector<2048x32xf32>
    %get3A_67 = arith.constant 0 : index
    %get3A_68 = arith.constant 0 : index
    %get3A_69 = vector.load %arg11[%get3A_67, %get3A_68] : memref<1x32xf32, #tpu.memory_space<vmem>>, vector<1x32xf32>
    %add3A_70 = vector.broadcast %get3A_69 : vector<1x32xf32> to vector<2048x32xf32>
    %add3A_71 = arith.addf %dot_general3A_66, %add3A_70 : vector<2048x32xf32>
    %max3A_72 = arith.constant 0.000000e+00 : f32
    %max3A_73 = vector.broadcast %max3A_72 : f32 to vector<2048x32xf32>
    %max3A_74 = arith.maximumf %add3A_71, %max3A_73 : vector<2048x32xf32>
    %get3A_75 = arith.constant 0 : index
    %get3A_76 = arith.constant 0 : index
    %get3A_77 = vector.load %arg12[%get3A_75, %get3A_76] : memref<32x2xf32, #tpu.memory_space<vmem>>, vector<32x2xf32>
    %dot_general3A_78 = arith.constant dense<0.000000e+00> : vector<2048x2xf32>
    %dot_general3A_79 = tpu.matmul %max3A_74, %get3A_77, %dot_general3A_78 {dimension_numbers = #tpu.dot_dimension_numbers<[1], [0], [0], [1], [0, 0, 1, 1], [], []>, transpose_lhs_hint = false} : vector<2048x32xf32>, vector<32x2xf32>, vector<2048x2xf32> -> vector<2048x2xf32>
    %get3A_80 = arith.constant 0 : index
    %get3A_81 = arith.constant 0 : index
    %get3A_82 = vector.load %arg13[%get3A_80, %get3A_81] : memref<1x2xf32, #tpu.memory_space<vmem>>, vector<1x2xf32>
    %add3A_83 = vector.broadcast %get3A_82 : vector<1x2xf32> to vector<2048x2xf32>
    %add3A_84 = arith.addf %dot_general3A_79, %add3A_83 : vector<2048x2xf32>
    %swap3A = arith.constant 0 : index
    %swap3A_85 = arith.constant 0 : index
    %swap3A_86 = vector.load %arg14[%swap3A, %swap3A_85] : memref<2048x2xf32, #tpu.memory_space<vmem>>, vector<2048x2xf32>
    tpu.vector_store %arg14[%swap3A, %swap3A_85], %add3A_84 {strides = array<i32>} : memref<2048x2xf32, #tpu.memory_space<vmem>>, vector<2048x2xf32>,
    return
  }
  func.func @transform_0(%arg0: i32) -> (i32, i32, i32) {
    %c0_i32 = arith.constant 0 : i32
    %c0_i32_0 = arith.constant 0 : i32
    %c0_i32_1 = arith.constant 0 : i32
    return %c0_i32, %arg0, %c0_i32_0 : i32, i32, i32
  }
  func.func @transform_1(%arg0: i32) -> (i32, i32) {
    %c0_i32 = arith.constant 0 : i32
    %c0_i32_0 = arith.constant 0 : i32
    return %arg0, %c0_i32 : i32, i32
  }
  func.func @transform_2(%arg0: i32) -> (i32, i32) {
    %c0_i32 = arith.constant 0 : i32
    %c0_i32_0 = arith.constant 0 : i32
    return %arg0, %c0_i32 : i32, i32
  }
  func.func @transform_3(%arg0: i32) -> (i32, i32) {
    %c0_i32 = arith.constant 0 : i32
    %c0_i32_0 = arith.constant 0 : i32
    %c0_i32_1 = arith.constant 0 : i32
    return %c0_i32, %c0_i32_0 : i32, i32
  }
  func.func @transform_4(%arg0: i32) -> (i32, i32) {
    %c0_i32 = arith.constant 0 : i32
    %c0_i32_0 = arith.constant 0 : i32
    %c0_i32_1 = arith.constant 0 : i32
    return %c0_i32, %c0_i32_0 : i32, i32
  }
  func.func @transform_5(%arg0: i32) -> (i32, i32) {
    %c0_i32 = arith.constant 0 : i32
    %c0_i32_0 = arith.constant 0 : i32
    %c0_i32_1 = arith.constant 0 : i32
    return %c0_i32, %c0_i32_0 : i32, i32
  }
  func.func @transform_6(%arg0: i32) -> (i32, i32) {
    %c0_i32 = arith.constant 0 : i32
    %c0_i32_0 = arith.constant 0 : i32
    %c0_i32_1 = arith.constant 0 : i32
    return %c0_i32, %c0_i32_0 : i32, i32
  }
  func.func @transform_7(%arg0: i32) -> (i32, i32) {
    %c0_i32 = arith.constant 0 : i32
    %c0_i32_0 = arith.constant 0 : i32
    %c0_i32_1 = arith.constant 0 : i32
    return %c0_i32, %c0_i32_0 : i32, i32
  }
  func.func @transform_8(%arg0: i32) -> (i32, i32) {
    %c0_i32 = arith.constant 0 : i32
    %c0_i32_0 = arith.constant 0 : i32
    %c0_i32_1 = arith.constant 0 : i32
    return %c0_i32, %c0_i32_0 : i32, i32
  }
  func.func @transform_9(%arg0: i32) -> (i32, i32) {
    %c0_i32 = arith.constant 0 : i32
    %c0_i32_0 = arith.constant 0 : i32
    %c0_i32_1 = arith.constant 0 : i32
    return %c0_i32, %c0_i32_0 : i32, i32
  }
  func.func @transform_10(%arg0: i32) -> (i32, i32) {
    %c0_i32 = arith.constant 0 : i32
    %c0_i32_0 = arith.constant 0 : i32
    %c0_i32_1 = arith.constant 0 : i32
    return %c0_i32, %c0_i32_0 : i32, i32
  }
  func.func @transform_11(%arg0: i32) -> (i32, i32) {
    %c0_i32 = arith.constant 0 : i32
    %c0_i32_0 = arith.constant 0 : i32
    %c0_i32_1 = arith.constant 0 : i32
    return %c0_i32, %c0_i32_0 : i32, i32
  }
  func.func @transform_12(%arg0: i32) -> (i32, i32) {
    %c0_i32 = arith.constant 0 : i32
    %c0_i32_0 = arith.constant 0 : i32
    %c0_i32_1 = arith.constant 0 : i32
    return %c0_i32, %c0_i32_0 : i32, i32
  }
  func.func @transform_13(%arg0: i32) -> (i32, i32) {
    %c0_i32 = arith.constant 0 : i32
    %c0_i32_0 = arith.constant 0 : i32
    return %arg0, %c0_i32 : i32, i32
  }
}

</mosaic_0001>

<sc_bundles>
// kernel: kernel.12.cloned.1.call-start
scs
__scs_entry_jumppad:
0x0: {  	(pc) =	sbr.rel $0x88, $3  }
0x1: {  	(tag) =	ssettag $0x0;
	lr =	simm.s32 $0x1  }
0x2: {  	[smem:$0x3F95] =	sst lr;
	_ =	strace $0xD0000000  }
0x3: {  	_ = 	snop  }
0x4: {  	_ = 	snop  }
0x5: {  	_ = 	snop  }
0x6: {  	_ = 	snop  }
0x7: {  	_ = 	snop  }
__scs_overlays_trampoline_lowered:
0x8: {  	[smem:$0x3FA4] =	sst s0  }
0x9: {  	[smem:$0x3FA5] =	sst s1  }
0xa: {  	[smem:$0x3FA6] =	sst s2  }
0xb: {  	[smem:$0x3FA7] =	sst s3  }
0xc: {  	[smem:$0x3FA8] =	sst s4  }
0xd: {  	[smem:$0x3FA9] =	sst s5  }
0xe: {  	[smem:$0x3FAA] =	sst s6  }
0xf: {  	[smem:$0x3FAB] =	sst s7  }
0x10: {  	[smem:$0x3FAC] =	sst s8  }
0x11: {  	[smem:$0x3FAD] =	sst s9;
	s0 =	simm.s32 @!p0 $0x0  }
0x12: {  	s1 =	sld [smem:$0x3F93];
	s0 =	simm.s32 @p0 $0x1  }
0x13: {  	[smem:$0x3FAE] =	sst s0;
	s0 =	simm.s32 @!p1 $0x0  }
0x14: {  	s2 =	sld [smem:$0x3F92];
	s0 =	simm.s32 @p1 $0x1  }
0x15: {  	[smem:$0x3FAF] =	sst s0;
	s0 =	simm.s32 @!p2 $0x0  }
0x16: {  	s3 =	sld [smem:$0x3FDB];
	s0 =	simm.s32 @p2 $0x1  }
0x17: {  	s4 =	simm.s32 $0x1BF5;
	[smem:$0x3FB1] =	sst s0  }
0x18: {  	s0 =	sld [smem:$0x3F94];
	_ =	swait.ge [sflag:s4], $0x0  }
0x19: {  	s7 =	sld [smem:$0x3F95]  }
0x1a: {  	s8 =	sadd.s32 $0xFFFFE003, lr  }
0x1b: {  	s9 =	sadd.s32 $0xFFFFFEF7, lr;
	s5 =	simm.s32 $0xFFFFFFFF;
	p2 =	slt.u32 s8, $0xFFFFF086  }
0x1c: {  	p1 =	slt.u32 s9, $0xF7A;
	s5 =	simm.s32 @!p2 $0x0  }
0x1d: {  	s5 =	simm.s32 @p1 $0x1;
	p0 =	seq.s32 s7, s2  }
0x1e: {  	s7 =	smul.u32 @!p0 $0xF7A, s2;
	p2 =	seq.s32 @!p0 s5, $0x0  }
0x1f: {  	s9 =	smul.u32 $0xF7A, s1;
	s8 =	simm.s32 @!p0 $0x1BF5;
	p2 =	por !p2, p0  }
0x20: {  	[sflag:s8] =	ssyncset.s32 @!p0 $0xFFFFF086;
	s6 =	sadd.s32 @!p0 s3, s7;
	s7 =	simm.s32 @!p0 $0x108  }
0x21: {  	s3 =	sadd.s32 s3, s9;
	s6 =	sadd.s32 @!p0 $0x88, s6;
	s7 =	simm.s32 @p2 $0x1082  }
0x22: {  	[simem:s7], [sflag:s8] =	dma.local @!p0 [hbm:s6], $0xF7A  }
0x23: {  	s9 =	sor.u32 $0xD0000000, s2;
	s6 =	simm.s32 $0x108;
	_ =	swait.ge @!p0 [sflag:s8], $0x0  }
0x24: {  	s3 =	sadd.s32 $0x88, s3;
	s6 =	simm.s32 @!p1 $0x1082;
	[sflag:s4] =	ssyncset.s32 $0xFFFFF086  }
0x25: {  	[simem:s6], [sflag:s4] =	dma.local [hbm:s3], $0xF7A  }
0x26: {  	[smem:$0x3F95] =	sst s1;
	(tag) =	ssettag s2;
	_ =	strace s9  }
0x27: {  	s1 =	sld [smem:$0x3FA5]  }
0x28: {  	s2 =	sld [smem:$0x3FA6]  }
0x29: {  	s4 =	sld [smem:$0x3FA8]  }
0x2a: {  	p0 =	seq.s32 s5, $0x0;
	s5 =	sld [smem:$0x3FA9]  }
0x2b: {  	s6 =	sld [smem:$0x3FAA]  }
0x2c: {  	s7 =	sld [smem:$0x3FAB]  }
0x2d: {  	s3 =	simm.s32 $0x108;
	s8 =	sld [smem:$0x3FAC]  }
0x2e: {  	s3 =	simm.s32 @!p0 $0x1082;
	s9 =	sld [smem:$0x3FAD]  }
0x2f: {  	lr =	sadd.s32 s0, s3;
	s0 =	sld [smem:$0x3FA4]  }
0x30: {  	s3 =	sld [smem:$0x3FA7]  }
0x31: {  	[smem:$0x3FB0] =	sst s10  }
0x32: {  	s10 =	sld [smem:$0x3FAE];
	_ =	sdelay $0x3  }
0x33: {  	p0 =	seq.s32 s10, $0x1;
	s10 =	sld [smem:$0x3FB0];
	_ =	sdelay $0x3  }
0x34: {  	[smem:$0x3FB0] =	sst s10  }
0x35: {  	s10 =	sld [smem:$0x3FAF];
	_ =	sdelay $0x3  }
0x36: {  	p1 =	seq.s32 s10, $0x1;
	s10 =	sld [smem:$0x3FB0];
	_ =	sdelay $0x3  }
0x37: {  	[smem:$0x3FB0] =	sst s10  }
0x38: {  	s10 =	sld [smem:$0x3FB1]  }
0x39: {  	_ = 	snop;
	(pc) =	sbr.ind lr, $3  }
0x3a: {  	_ = 	snop  }
0x3b: {  	_ = 	snop  }
0x3c: {  	p2 =	seq.s32 s10, $0x1;
	s10 =	sld [smem:$0x3FB0]  }
0x3d: {  	_ =	shalt  }
0x3e: {  	_ =	shalt  }
0x3f: {  	_ =	shalt  }
0x40: {  	_ =	shalt  }
0x41: {  	_ =	shalt  }
0x42: {  	_ =	shalt  }
0x43: {  	_ =	shalt  }
0x44: {  	_ =	shalt  }
0x45: {  	_ =	shalt  }
0x46: {  	_ =	shalt  }
0x47: {  	_ =	shalt  }
0x48: {  	_ =	shalt  }
0x49: {  	_ =	shalt  }
0x4a: {  	_ =	shalt  }
0x4b: {  	_ =	shalt  }
0x4c: {  	_ =	shalt  }
0x4d: {  	_ =	shalt  }
0x4e: {  	_ =	shalt  }
0x4f: {  	_ =	shalt  }
0x50: {  	_ =	shalt  }
0x51: {  	_ =	shalt  }
0x52: {  	_ =	shalt  }
0x53: {  	_ =	shalt  }
0x54: {  	_ =	shalt  }
0x55: {  	_ =	shalt  }
0x56: {  	_ =	shalt  }
0x57: {  	_ =	shalt  }
0x58: {  	_ =	shalt  }
0x59: {  	_ =	shalt  }
0x5a: {  	_ =	shalt  }
0x5b: {  	_ =	shalt  }
0x5c: {  	_ =	shalt  }
0x5d: {  	_ =	shalt  }
0x5e: {  	_ =	shalt  }
0x5f: {  	_ =	shalt  }
0x60: {  	_ =	shalt  }
0x61: {  	_ =	shalt  }
0x62: {  	_ =	shalt  }
0x63: {  	_ =	shalt  }
0x64: {  	_ =	shalt  }
0x65: {  	_ =	shalt  }
0x66: {  	_ =	shalt  }
0x67: {  	_ =	shalt  }
0x68: {  	_ =	shalt  }
0x69: {  	_ =	shalt  }
0x6a: {  	_ =	shalt  }
0x6b: {  	_ =	shalt  }
0x6c: {  	_ =	shalt  }
0x6d: {  	_ =	shalt  }
0x6e: {  	_ =	shalt  }
0x6f: {  	_ =	shalt  }
0x70: {  	_ =	shalt  }
0x71: {  	_ =	shalt  }
0x72: {  	_ =	shalt  }
0x73: {  	_ =	shalt  }
0x74: {  	_ =	shalt  }
0x75: {  	_ =	shalt  }
0x76: {  	_ =	shalt  }
0x77: {  	_ =	shalt  }
0x78: {  	_ =	shalt  }
0x79: {  	_ =	shalt  }
0x7a: {  	_ =	shalt  }
0x7b: {  	_ =	shalt  }
0x7c: {  	_ =	shalt  }
0x7d: {  	_ =	shalt  }
0x7e: {  	_ =	shalt  }
0x7f: {  	_ =	shalt  }
0x80: {  	_ =	shalt  }
0x81: {  	_ =	shalt  }
0x82: {  	_ =	shalt  }
0x83: {  	_ =	shalt  }
0x84: {  	_ =	shalt  }
0x85: {  	_ =	shalt  }
0x86: {  	_ =	shalt  }
0x87: {  	_ =	shalt  }
.Lfunc_end0:
.L_simem_size_0:
called_computation.2_lowered:
.L_overlay_start_0:
0x88: {  	s2 =	sld [smem:$0x3FD9]  }
0x89: {  	s3 =	sld [smem:$0x3FFE];
	_ =	sdelay $0x1  }
0x8a: {  	s1 =	srdreg.scid  }
0x8b: {  	s0 =	sand.u32 $0x1, s1  }
0x8c: {  	s16 =	sshll.u32 s0, $0xA;
	s2 =	sadd.s32 s3, s2  }
0x8d: {  	s2 =	sadd.s32 s2, s16  }
0x8e: {  	[smem:$0x3FBC] =	sst s2  }
0x8f: {  	_ = 	snop  }
0x90: {  	(tm) =	ssettm $0x1  }
0x91: {  	s17 =	sld [smem:$0x3FFB];
	_ =	sdelay $0x3  }
0x92: {  	_ =	strace s17  }
0x93: {  	s2 =	sld [smem:$0x3FFC];
	_ =	sdelay $0x3  }
0x94: {  	_ =	strace s2  }
0x95: {  	s2 =	sld [smem:$0x3FFD];
	_ =	sdelay $0x3  }
0x96: {  	_ =	strace s2  }
0x97: {  	_ =	strace $0x8FFFFFFF  }
0x98: {  	s18 =	sld [smem:$0x3FDB];
	_ =	sdelay $0x1  }
0x99: {  	s19 =	simm.s32 $_scs_section_size  }
0x9a: {  	s4 =	simm.s32 $_size__tile_overlayer_lowered;
	s5 =	simm.s32 $_tile_overlayer_lowered  }
0x9b: {  	s22 =	simm.s32 $0x1BFF;
	s21 =	sshll.u32 s5, $0x1;
	s2 =	sadd.s32 s19, s18  }
0x9c: {  	s6 =	simm.s32 $0x0;
	s20 =	sshll.u32 s4, $0x1;
	s4 =	sadd.s32 s21, s2  }
0x9d: {  	[timem:s6], [sflag:s22] =	dma.local [hbm:s4], s20  }
0x9e: {  	_ =	swait.ge [sflag:s22], s20  }
0x9f: {  	s3 =	ssub.s32 $0x0, s20;
	[sflag:s22] =	ssyncset.done $0x0  }
0xa0: {  	[sflag:s22] =	ssyncadd.s32 s3;
	_ =	sdelay $0x1  }
0xa1: {  	s23 =	simm.s32 $0x1B8B  }
0xa2: {  	_ =	swait.ge [sflag:s23], $0x1  }
0xa3: {  	[sflag:s23] =	ssyncset.done $0x0  }
0xa4: {  	s25 =	simm.s32 $0x1B8E;
	s24 =	sld [smem:$0x3FFE];
	[sflag:s23] =	ssyncadd.s32 $0xFFFFFFFF  }
0xa5: {  	s26 =	simm.s32 $execute0_lowered;
	[smem:$0x3FD2] =	sst s25  }
0xa6: {  	s4 =	sshll.u32 s26, $0x1;
	_ =	strace $0x8000004C;
	[dreg:$0x1] =	wrdreg $0xFFFFFFFF  }
0xa7: {  	s28 =	simm.s32 $_size_execute0_lowered;
	s2 =	sadd.s32 s2, s4;
	[dreg:$0x0] =	wrdreg $0x0  }
0xa8: {  	s4 =	sshll.u32 s28, $0x1;
	[dreg:$0x2] =	wrdreg s2  }
0xa9: {  	[dreg:$0x3] =	wrdreg s4  }
0xaa: {  	[dreg:$0x4] =	wrdreg $0xC0  }
0xab: {  	_ =	task [dreg:s6], $0x5FFFF  }
0xac: {  	[dreg:$0x1] =	wrdreg $0xFFFFFFFF  }
0xad: {  	[dreg:$0x0] =	wrdreg $0x60  }
0xae: {  	[dreg:$0x2] =	wrdreg s24  }
0xaf: {  	[dreg:$0x3] =	wrdreg $0x9  }
0xb0: {  	_ =	task.clear_ibuf [dreg:s6], $0x4FFFF;
	_ =	strace $0x9000004C  }
0xb1: {  	s29 =	simm.s32 $0x9;
	_ =	strace $0x8000004E  }
0xb2: {  	_ =	swait.ge [sflag:s29], $0x1  }
0xb3: {  	[sflag:s29] =	ssyncadd.s32 $0xFFFFFFFF  }
0xb4: {  	_ =	strace $0x9000004E  }
0xb5: {  	_ =	sfence  }
0xb6: {  	s30 =	sld [smem:$0x0];
	_ =	sdelay $0x2  }
0xb7: {  	s31 =	sshll.u32 s1, $0xD;
	s1 =	sshrl.u32 s1, $0x2  }
0xb8: {  	s3 =	sand.u32 $0x4000, s31;
	s1 =	sadd.s32 s1, s30  }
0xb9: {  	s0 =	sor.u32 s3, s0;
	s1 =	sshll.u32 s1, $0x11  }
0xba: {  	s0 =	sor.u32 s1, s0  }
0xbb: {  	s0 =	sadd.s32 $0x8F2B, s0  }
0xbc: {  	[sflag:s0] =	ssyncadd.remote.s32 $0x1  }
0xbd: {  	_ =	sfence.sel $0xFFFF  }
0xbe: {  	[dreg:$0x0] =	wrdreg $0xFFFFFFFF;
	(pc) =	sbr.abs _section_cstart, $3  }
0xbf: {  	[dreg:$0x1] =	wrdreg $0xFFFFFFFF  }
0xc0: {  	_ =	task.clear_ibuf [dreg:s6], $0x2FFFF;
	_ =	strace $0x9FFFFFFF  }
0xc1: {  	(tm) =	ssettm $0x7FFFFFFF  }
tec
execute0_lowered:
.L_overlay_start_1:
0x0: {  	(tag) =	ssettag $0x1  }
0x1: {  	s7 =	rddreg [dreg:$0x0]  }
0x2: {  	s1 =	srdreg.scid;
	s0 =	rddreg [dreg:$0x1]  }
0x3: {  	s2 =	simm.s32 $0x0;
	s12 =	simm.s32 $0x1;
	s6 =	sand.u32 $0x1, s1  }
0x4: {  	s13 =	simm.s32 $0xC520;
	s1 =	stileid.u32;
	s3 =	sshll.u32 s6, $0x4  }
0x5: {  	s14 =	simm.s32 $0x800;
	s15 =	simm.s32 $0x4800;
	s4 =	sor.u32 s1, s3  }
0x6: {  	s16 =	simm.s32 $0x8680;
	s17 =	simm.s32 $0x0;
	s8 =	smul.u32 $0x7D0, s4  }
.Ltmp0:
0x7: {  	[smem:$0x7FF] =	sst s2;
	s5 =	sadd.s32 $0x41D200, s7;
	(pc) =	sbr.rel .LBB2_1-.Ltmp0, $4  }
0x8: {  	_ =	strace $0x8000004D;
	s9 =	ssub.s32 $0x2, s6;
	s6 =	sadd.s32 $0x370000, s7  }
0x9: {  	v0 =	vimm.f32 $+Inf;
	s31 =	sshrl.u32 s9, $0x1;
	s4 =	sadd.s32 $0x3BB600, s7;
	s10 =	sadd.s32 s8, s7  }
0xa: {  	v1 =	vimm.f32 $-Inf;
	v2 =	vlaneseq.u32;
	v3 =	vmov s1;
	s11 =	ssub.s32 s9, s31;
	s7 =	sadd.s32 $0x36FE00, s7;
	s8 =	sadd.s32 $0x370200, s10  }
0xb: {  	v4 =	vimm.s32 $0x0;
	vm0 =	veq.s32 v3, v2;
	v3 =	vmul.u32 $0x8, v2;
	s9 =	sadd.s32 $0xE00, s10;
	s10 =	smax.u32 s11, $0x1;
	s11 =	simm.s32 $0xC500  }
.LBB2_13:
0xc: {  	[hbm4b:s8+s2] =	stream.linear.scatter [tilespmem:s15], [sflag:$0x1], $0x3E80, $0x38;
	[tilespmem:$0xC540] =	vst v63  }
0xd: {  	s17 =	sadd.s32 $0x1, s17;
	_ =	swait.ge [sflag:s12], $0x3E80  }
0xe: {  	p0 =	sne.s32 s17, s10;
	[sflag:s12] =	ssyncset.done $0x0  }
.Ltmp1:
0xf: {  	[sflag:s12] =	ssyncadd.s32 $0xFFFFC180;
	(pc) =	sbr.rel @!p0 .LBB2_14-.Ltmp1, $4  }
0x10: {  	[hbm4b:s9+s2] =	stream.linear.scatter [tilespmem:s16], [sflag:$0x1], $0x3E80, $0x38;
	[tilespmem:$0xC540] =	vst v63  }
0x11: {  	_ =	swait.ge [sflag:s12], $0x3E80  }
0x12: {  	[sflag:s12] =	ssyncset.done $0x0  }
0x13: {  	[sflag:s12] =	ssyncadd.s32 $0xFFFFC180  }
.LBB2_1:
0x14: {  	s18 =	simm.s32 $0x0  }
.LBB2_2:
0x15: {  	p0 =	sne.s32 s18, $0xF9C0  }
.Ltmp2:
0x16: {  	_ = 	snop;
	(pc) =	sbr.rel @p0 .LBB2_2-.Ltmp2, $3  }
0x17: {  	_ =	sdelay $0x1  }
0x18: {  	s19 =	sshra.s32 s18, $0x2  }
0x19: {  	s18 =	sadd.s32 $0x40, s18;
	[tilespmem:s19+$0x4800] =	vst v0  }
0x1a: {  	s18 =	simm.s32 $0x40;
	s19 =	simm.s32 $0x0  }
.LBB2_4:
0x1b: {  	p0 =	sne.s32 s18, $0xF9C0;
	[tilespmem:s19+$0x8680] =	vst v1;
	s19 =	smov.u32 s18;
	s18 =	sadd.s32 $0x40, s18  }
.Ltmp3:
0x1c: {  	(pc) =	sbr.rel @p0 .LBB2_4-.Ltmp3, $2  }
0x1d: {  	_ =	sdelay $0x2  }
0x1e: {  	s19 =	sshra.s32 s19, $0x2  }
0x1f: {  	[tilespmem:s19+$0x8680] =	vst v1;
	s18 =	simm.s32 $0x0  }
0x20: {  	[tilespmem:s11], [sflag:$0x1] =	stream.linear.gather [hbm4b:s6+s18], $0x20, $0x38;
	[tilespmem:$0xC540] =	vst v63  }
0x21: {  	_ =	swait.ge [sflag:s12], $0x20  }
0x22: {  	[sflag:s12] =	ssyncset.done $0x0  }
0x23: {  	[sflag:s12] =	ssyncadd.s32 $0xFFFFFFE0  }
0x24: {  	[tilespmem:s13], [sflag:$0x1] =	stream.linear.gather [hbm4b:s7+s18], $0x20, $0x38;
	[tilespmem:$0xC540] =	vst v63  }
0x25: {  	_ =	swait.ge [sflag:s12], $0x20  }
0x26: {  	[sflag:s12] =	ssyncset.done $0x0  }
0x27: {  	[sflag:s12] =	ssyncadd.s32 $0xFFFFFFE0  }
0x28: {  	v5 =	vld [tilespmem:s3+$0xC500]  }
0x29: {  	v6 =	vld [tilespmem:s3+$0xC520];
	_ =	sdelay $0x3  }
0x2a: {  	v5 =	vnsel vm0, $0x0, v5  }
0x2b: {  	(xrf0) =	vadd.scan.msk.s32 $0xffff, v5;
	v5 =	vnsel vm0, $0x0, v6  }
0x2c: {  	(xrf0) =	vadd.scan.msk.s32 $0xffff, v5;
	_ =	sdelay $0x4  }
0x2d: {  	v5, _, _ =	vpop (xrf0)  }
0x2e: {  	(v2sf) =	vpush v5, $0xF;
	v5, _, _ =	vpop (xrf0)  }
0x2f: {  	(v2sf) =	vpush v5, $0xF;
	_ =	sdelay $0xa  }
.Ltmp4:
0x30: {  	_ = 	snop;
	(pc) =	sbr.rel .LBB2_6-.Ltmp4, $3  }
0x31: {  	_ =	sdelay $0x1  }
0x32: {  	s19 =	spop (v2sf)  }
0x33: {  	s20 =	spop (v2sf)  }
.LBB2_12:
0x34: {  	s18 =	sadd.s32 $0x1, s18  }
0x35: {  	p0 =	sne.s32 s18, $0x61C  }
.Ltmp5:
0x36: {  	_ = 	snop;
	(pc) =	sbr.rel @!p0 .LBB2_13-.Ltmp5, $1  }
0x37: {  	_ =	sdelay $0x3  }
.LBB2_6:
0x38: {  	s21 =	sshll.u32 s18, $0xB  }
0x39: {  	p0 =	sge.s32 s21, s20  }
.Ltmp6:
0x3a: {  	_ = 	snop;
	(pc) =	sbr.rel @p0 .LBB2_12-.Ltmp6, $1  }
0x3b: {  	_ =	sdelay $0x3  }
0x3c: {  	s23 =	sadd.s32 s19, s21  }
0x3d: {  	s22 =	sshrl.u32 s23, $0x3  }
0x3e: {  	s24 =	sadd.s32 s4, s22;
	s22 =	simm.s32 $0x0  }
0x3f: {  	[tilespmem:s22], [sflag:$0x1] =	stream.linear.gather [hbm4b:s24+s22], $0x800, $0x38;
	[tilespmem:$0xC540] =	vst v63  }
0x40: {  	_ =	swait.ge [sflag:s12], $0x800  }
0x41: {  	s23 =	sand.u32 $0x1FFFFFF0, s23;
	[sflag:s12] =	ssyncset.done $0x0  }
.Ltmp7:
0x42: {  	s23 =	sadd.s32 s5, s23;
	[sflag:s12] =	ssyncadd.s32 $0xFFFFF800;
	(pc) =	sbr.rel .LBB2_8-.Ltmp7, $4  }
0x43: {  	[tilespmem:s14], [sflag:$0x1] =	stream.linear.gather [hbm4b:s23+s22], $0x4000, $0x38;
	[tilespmem:$0xC540] =	vst v63  }
0x44: {  	_ =	swait.ge [sflag:s12], $0x4000  }
0x45: {  	[sflag:s12] =	ssyncset.done $0x0  }
0x46: {  	[sflag:s12] =	ssyncadd.s32 $0xFFFFC000  }
.LBB2_11:
0x47: {  	s22 =	sadd.s32 $0x1, s22  }
0x48: {  	p0 =	sne.s32 s22, $0x80  }
.Ltmp8:
0x49: {  	_ = 	snop;
	(pc) =	sbr.rel @!p0 .LBB2_12-.Ltmp8, $1  }
0x4a: {  	_ =	sdelay $0x3  }
.LBB2_8:
0x4b: {  	s23 =	sshll.u32 s22, $0x4  }
0x4c: {  	s24 =	sadd.s32 s23, s21  }
0x4d: {  	s24 =	ssub.s32 s20, s24  }
0x4e: {  	v5 =	vmov s24  }
0x4f: {  	vm1 =	vgt.s32 v5, v2  }
0x50: {  	v5 =	vsel vm1, $0x1, v4  }
0x51: {  	(xrf0) =	vadd.scan.msk.s32 $0xffff, v5;
	_ =	sdelay $0x5  }
0x52: {  	v5, _, _ =	vpop (xrf0)  }
0x53: {  	(v2sf) =	vpush v5, $0xF;
	_ =	sdelay $0x8  }
0x54: {  	v5 =	vmov s23  }
0x55: {  	v5 =	vshll.u32 v5, $0x3  }
0x56: {  	v6 =	vor.u32 v3, v5  }
0x57: {  	v7 =	vor.u32 $0x2, v6  }
0x58: {  	v8 =	vor.u32 $0x3, v6  }
0x59: {  	v9 =	vor.u32 $0x4, v6  }
0x5a: {  	v10 =	vor.u32 $0x5, v6;
	s31 =	spop (v2sf)  }
0x5b: {  	v5 =	vld [tilespmem:s23+$0x0];
	v11 =	vor.u32 $0x6, v6;
	p0 =	slt.s32 s31, $0x1  }
.Ltmp9:
0x5c: {  	v6 =	vld.idx.msk [tilespmem:v7+s14+$0x0], $0xffff;
	(pc) =	sbr.rel @p0 .LBB2_11-.Ltmp9, $4  }
0x5d: {  	v7 =	vld.idx.msk [tilespmem:v8+s14+$0x0], $0xffff  }
0x5e: {  	v8 =	vld.idx.msk [tilespmem:v9+s14+$0x0], $0xffff  }
0x5f: {  	v9 =	vld.idx.msk [tilespmem:v10+s14+$0x0], $0xffff  }
0x60: {  	v10 =	vld.idx.msk [tilespmem:v11+s14+$0x0], $0xffff  }
0x61: {  	v11 =	vmul.u32 $0x5, v5;
	_ =	sdelay $0x1  }
0x62: {  	v12 =	vadd.s32 $0x1, v11  }
0x63: {  	v13 =	vadd.s32 $0x2, v11;
	v14 =	vadd.s32 $0x3, v11;
	v15 =	vadd.s32 $0x4, v11  }
.LBB2_10:
0x64: {  	(xrf1) =	vunique.msk.u32 vm1, v5;
	_ =	sdelay $0xd  }
0x65: {  	_, v16, vm2 =	vpop (xrf1);
	_ =	sdelay $0x5  }
0x66: {  	v16 =	vld.idx.msk [tilespmem:v11+s15+$0x0], vm2;
	_ =	sdelay $0x4  }
0x67: {  	v16 =	vmin.f32 v16, v6  }
0x68: {  	[tilespmem:v11+s15+$0x0] =	vst.idx.msk vm2, v16  }
0x69: {  	v16 =	vld.idx.msk [tilespmem:v11+s16+$0x0], vm2;
	_ =	sdelay $0x4  }
0x6a: {  	v16 =	vmax.f32 v16, v6  }
0x6b: {  	[tilespmem:v11+s16+$0x0] =	vst.idx.msk vm2, v16  }
0x6c: {  	v16 =	vld.idx.msk [tilespmem:v12+s15+$0x0], vm2;
	_ =	sdelay $0x4  }
0x6d: {  	v16 =	vmin.f32 v16, v7  }
0x6e: {  	[tilespmem:v12+s15+$0x0] =	vst.idx.msk vm2, v16  }
0x6f: {  	v16 =	vld.idx.msk [tilespmem:v12+s16+$0x0], vm2;
	_ =	sdelay $0x4  }
0x70: {  	v16 =	vmax.f32 v16, v7  }
0x71: {  	[tilespmem:v12+s16+$0x0] =	vst.idx.msk vm2, v16  }
0x72: {  	v16 =	vld.idx.msk [tilespmem:v13+s15+$0x0], vm2;
	_ =	sdelay $0x4  }
0x73: {  	v16 =	vmin.f32 v16, v8  }
0x74: {  	[tilespmem:v13+s15+$0x0] =	vst.idx.msk vm2, v16  }
0x75: {  	v16 =	vld.idx.msk [tilespmem:v13+s16+$0x0], vm2;
	_ =	sdelay $0x2  }
0x76: {  	vm3 =	vmneg vm2  }
0x77: {  	vm1 =	vmand vm1, vm3  }
0x78: {  	v17 =	vsel vm1, $0x1, v4;
	v16 =	vmax.f32 v16, v8  }
0x79: {  	(xrf0) =	vadd.scan.msk.s32 $0xffff, v17;
	[tilespmem:v13+s16+$0x0] =	vst.idx.msk vm2, v16  }
0x7a: {  	v16 =	vld.idx.msk [tilespmem:v14+s15+$0x0], vm2;
	_ =	sdelay $0x4  }
0x7b: {  	v17, _, _ =	vpop (xrf0);
	v16 =	vmin.f32 v16, v9  }
0x7c: {  	(v2sf) =	vpush v17, $0xF;
	[tilespmem:v14+s15+$0x0] =	vst.idx.msk vm2, v16  }
0x7d: {  	v16 =	vld.idx.msk [tilespmem:v14+s16+$0x0], vm2;
	_ =	sdelay $0x4  }
0x7e: {  	v16 =	vmax.f32 v16, v9  }
0x7f: {  	[tilespmem:v14+s16+$0x0] =	vst.idx.msk vm2, v16  }
0x80: {  	v16 =	vld.idx.msk [tilespmem:v15+s15+$0x0], vm2;
	_ =	sdelay $0x4  }
0x81: {  	v16 =	vmin.f32 v16, v10  }
0x82: {  	[tilespmem:v15+s15+$0x0] =	vst.idx.msk vm2, v16  }
0x83: {  	s23 =	spop (v2sf);
	v16 =	vld.idx.msk [tilespmem:v15+s16+$0x0], vm2  }
0x84: {  	p0 =	sgt.s32 s23, $0x0  }
.Ltmp10:
0x85: {  	_ = 	snop;
	(pc) =	sbr.rel @p0 .LBB2_10-.Ltmp10, $3  }
0x86: {  	_ =	sdelay $0x1  }
0x87: {  	v16 =	vmax.f32 v16, v10  }
0x88: {  	[tilespmem:v15+s16+$0x0] =	vst.idx.msk vm2, v16  }
.Ltmp11:
0x89: {  	_ = 	snop;
	(pc) =	sbr.rel .LBB2_11-.Ltmp11, $1  }
0x8a: {  	_ =	sdelay $0x3  }
.LBB2_14:
0x8b: {  	_ =	sfence.sel $0x180000  }
0x8c: {  	[bflag:$0x0] =	sbarrier.arrive $0xFFFF  }
0x8d: {  	p0 =	sne.s32 s1, $0x0;
	_ =	strace $0x9000004D  }
0x8e: {  	s0 =	sadd.s32 @!p0 $0x100000, s0;
	[bflag:$0x2] =	sbarrier.arrive $0xFFFF  }
0x8f: {  	[sflag:s0] =	ssyncadd.tile.s32 @!p0 $0x1;
	_ =	shalt  }
.Lfunc_end2:
_tile_overlayer_lowered:
.L_overlay_start_2:
0x90: {  	(tag) =	ssettag $0x2  }
0x91: {  	s0 =	rddreg [dreg:$0x0];
	s2 =	stileid.u32  }
0x92: {  	s1 =	rddreg [dreg:$0x1];
	p0 =	sne.s32 s2, $0x0  }
0x93: {  	s3 =	rddreg [dreg:$0x2];
	[bflag:$0x3] =	sbarrier.arrive $0xFFFF;
	s2 =	simm.s32 @!p0 $0x1C01  }
0x94: {  	[timem:s3], [sflag:s2] =	dma.local @!p0 [hbm:s0], s1  }
0x95: {  	s0 =	simm.s32 @!p0 $0x1  }
0x96: {  	_ =	swait.ge @!p0 [sflag:s0], s1  }
0x97: {  	s1 =	ssub.s32 @!p0 $0x0, s1;
	[sflag:s0] =	ssyncset.done @!p0 $0x0  }
0x98: {  	[sflag:s0] =	ssyncadd.s32 @!p0 s1  }
0x99: {  	[bflag:$0x3] =	sbarrier.arrive $0xFFFF  }
0x9a: {  	_ =	shalt  }

// kernel: kernel.6.cloned.1.call-start
scs
__scs_entry_jumppad:
0x0: {  	(pc) =	sbr.rel $0x88, $3  }
0x1: {  	(tag) =	ssettag $0x0;
	lr =	simm.s32 $0x1  }
0x2: {  	[smem:$0x3F95] =	sst lr;
	_ =	strace $0xD0000000  }
0x3: {  	_ = 	snop  }
0x4: {  	_ = 	snop  }
0x5: {  	_ = 	snop  }
0x6: {  	_ = 	snop  }
0x7: {  	_ = 	snop  }
__scs_overlays_trampoline_lowered:
0x8: {  	[smem:$0x3FA4] =	sst s0  }
0x9: {  	[smem:$0x3FA5] =	sst s1  }
0xa: {  	[smem:$0x3FA6] =	sst s2  }
0xb: {  	[smem:$0x3FA7] =	sst s3  }
0xc: {  	[smem:$0x3FA8] =	sst s4  }
0xd: {  	[smem:$0x3FA9] =	sst s5  }
0xe: {  	[smem:$0x3FAA] =	sst s6  }
0xf: {  	[smem:$0x3FAB] =	sst s7  }
0x10: {  	[smem:$0x3FAC] =	sst s8  }
0x11: {  	[smem:$0x3FAD] =	sst s9;
	s0 =	simm.s32 @!p0 $0x0  }
0x12: {  	s1 =	sld [smem:$0x3F93];
	s0 =	simm.s32 @p0 $0x1  }
0x13: {  	[smem:$0x3FAE] =	sst s0;
	s0 =	simm.s32 @!p1 $0x0  }
0x14: {  	s2 =	sld [smem:$0x3F92];
	s0 =	simm.s32 @p1 $0x1  }
0x15: {  	[smem:$0x3FAF] =	sst s0;
	s0 =	simm.s32 @!p2 $0x0  }
0x16: {  	s3 =	sld [smem:$0x3FDB];
	s0 =	simm.s32 @p2 $0x1  }
0x17: {  	s4 =	simm.s32 $0x1BF5;
	[smem:$0x3FB1] =	sst s0  }
0x18: {  	s0 =	sld [smem:$0x3F94];
	_ =	swait.ge [sflag:s4], $0x0  }
0x19: {  	s7 =	sld [smem:$0x3F95]  }
0x1a: {  	s8 =	sadd.s32 $0xFFFFE003, lr  }
0x1b: {  	s9 =	sadd.s32 $0xFFFFFEF7, lr;
	s5 =	simm.s32 $0xFFFFFFFF;
	p2 =	slt.u32 s8, $0xFFFFF086  }
0x1c: {  	p1 =	slt.u32 s9, $0xF7A;
	s5 =	simm.s32 @!p2 $0x0  }
0x1d: {  	s5 =	simm.s32 @p1 $0x1;
	p0 =	seq.s32 s7, s2  }
0x1e: {  	s7 =	smul.u32 @!p0 $0xF7A, s2;
	p2 =	seq.s32 @!p0 s5, $0x0  }
0x1f: {  	s9 =	smul.u32 $0xF7A, s1;
	s8 =	simm.s32 @!p0 $0x1BF5;
	p2 =	por !p2, p0  }
0x20: {  	[sflag:s8] =	ssyncset.s32 @!p0 $0xFFFFF086;
	s6 =	sadd.s32 @!p0 s3, s7;
	s7 =	simm.s32 @!p0 $0x108  }
0x21: {  	s3 =	sadd.s32 s3, s9;
	s6 =	sadd.s32 @!p0 $0x88, s6;
	s7 =	simm.s32 @p2 $0x1082  }
0x22: {  	[simem:s7], [sflag:s8] =	dma.local @!p0 [hbm:s6], $0xF7A  }
0x23: {  	s9 =	sor.u32 $0xD0000000, s2;
	s6 =	simm.s32 $0x108;
	_ =	swait.ge @!p0 [sflag:s8], $0x0  }
0x24: {  	s3 =	sadd.s32 $0x88, s3;
	s6 =	simm.s32 @!p1 $0x1082;
	[sflag:s4] =	ssyncset.s32 $0xFFFFF086  }
0x25: {  	[simem:s6], [sflag:s4] =	dma.local [hbm:s3], $0xF7A  }
0x26: {  	[smem:$0x3F95] =	sst s1;
	(tag) =	ssettag s2;
	_ =	strace s9  }
0x27: {  	s1 =	sld [smem:$0x3FA5]  }
0x28: {  	s2 =	sld [smem:$0x3FA6]  }
0x29: {  	s4 =	sld [smem:$0x3FA8]  }
0x2a: {  	p0 =	seq.s32 s5, $0x0;
	s5 =	sld [smem:$0x3FA9]  }
0x2b: {  	s6 =	sld [smem:$0x3FAA]  }
0x2c: {  	s7 =	sld [smem:$0x3FAB]  }
0x2d: {  	s3 =	simm.s32 $0x108;
	s8 =	sld [smem:$0x3FAC]  }
0x2e: {  	s3 =	simm.s32 @!p0 $0x1082;
	s9 =	sld [smem:$0x3FAD]  }
0x2f: {  	lr =	sadd.s32 s0, s3;
	s0 =	sld [smem:$0x3FA4]  }
0x30: {  	s3 =	sld [smem:$0x3FA7]  }
0x31: {  	[smem:$0x3FB0] =	sst s10  }
0x32: {  	s10 =	sld [smem:$0x3FAE];
	_ =	sdelay $0x3  }
0x33: {  	p0 =	seq.s32 s10, $0x1;
	s10 =	sld [smem:$0x3FB0];
	_ =	sdelay $0x3  }
0x34: {  	[smem:$0x3FB0] =	sst s10  }
0x35: {  	s10 =	sld [smem:$0x3FAF];
	_ =	sdelay $0x3  }
0x36: {  	p1 =	seq.s32 s10, $0x1;
	s10 =	sld [smem:$0x3FB0];
	_ =	sdelay $0x3  }
0x37: {  	[smem:$0x3FB0] =	sst s10  }
0x38: {  	s10 =	sld [smem:$0x3FB1]  }
0x39: {  	_ = 	snop;
	(pc) =	sbr.ind lr, $3  }
0x3a: {  	_ = 	snop  }
0x3b: {  	_ = 	snop  }
0x3c: {  	p2 =	seq.s32 s10, $0x1;
	s10 =	sld [smem:$0x3FB0]  }
0x3d: {  	_ =	shalt  }
0x3e: {  	_ =	shalt  }
0x3f: {  	_ =	shalt  }
0x40: {  	_ =	shalt  }
0x41: {  	_ =	shalt  }
0x42: {  	_ =	shalt  }
0x43: {  	_ =	shalt  }
0x44: {  	_ =	shalt  }
0x45: {  	_ =	shalt  }
0x46: {  	_ =	shalt  }
0x47: {  	_ =	shalt  }
0x48: {  	_ =	shalt  }
0x49: {  	_ =	shalt  }
0x4a: {  	_ =	shalt  }
0x4b: {  	_ =	shalt  }
0x4c: {  	_ =	shalt  }
0x4d: {  	_ =	shalt  }
0x4e: {  	_ =	shalt  }
0x4f: {  	_ =	shalt  }
0x50: {  	_ =	shalt  }
0x51: {  	_ =	shalt  }
0x52: {  	_ =	shalt  }
0x53: {  	_ =	shalt  }
0x54: {  	_ =	shalt  }
0x55: {  	_ =	shalt  }
0x56: {  	_ =	shalt  }
0x57: {  	_ =	shalt  }
0x58: {  	_ =	shalt  }
0x59: {  	_ =	shalt  }
0x5a: {  	_ =	shalt  }
0x5b: {  	_ =	shalt  }
0x5c: {  	_ =	shalt  }
0x5d: {  	_ =	shalt  }
0x5e: {  	_ =	shalt  }
0x5f: {  	_ =	shalt  }
0x60: {  	_ =	shalt  }
0x61: {  	_ =	shalt  }
0x62: {  	_ =	shalt  }
0x63: {  	_ =	shalt  }
0x64: {  	_ =	shalt  }
0x65: {  	_ =	shalt  }
0x66: {  	_ =	shalt  }
0x67: {  	_ =	shalt  }
0x68: {  	_ =	shalt  }
0x69: {  	_ =	shalt  }
0x6a: {  	_ =	shalt  }
0x6b: {  	_ =	shalt  }
0x6c: {  	_ =	shalt  }
0x6d: {  	_ =	shalt  }
0x6e: {  	_ =	shalt  }
0x6f: {  	_ =	shalt  }
0x70: {  	_ =	shalt  }
0x71: {  	_ =	shalt  }
0x72: {  	_ =	shalt  }
0x73: {  	_ =	shalt  }
0x74: {  	_ =	shalt  }
0x75: {  	_ =	shalt  }
0x76: {  	_ =	shalt  }
0x77: {  	_ =	shalt  }
0x78: {  	_ =	shalt  }
0x79: {  	_ =	shalt  }
0x7a: {  	_ =	shalt  }
0x7b: {  	_ =	shalt  }
0x7c: {  	_ =	shalt  }
0x7d: {  	_ =	shalt  }
0x7e: {  	_ =	shalt  }
0x7f: {  	_ =	shalt  }
0x80: {  	_ =	shalt  }
0x81: {  	_ =	shalt  }
0x82: {  	_ =	shalt  }
0x83: {  	_ =	shalt  }
0x84: {  	_ =	shalt  }
0x85: {  	_ =	shalt  }
0x86: {  	_ =	shalt  }
0x87: {  	_ =	shalt  }
.Lfunc_end0:
.L_simem_size_0:
called_computation_lowered:
.L_overlay_start_0:
0x88: {  	s2 =	sld [smem:$0x3FD9]  }
0x89: {  	s3 =	sld [smem:$0x3FFE];
	_ =	sdelay $0x1  }
0x8a: {  	s1 =	srdreg.scid  }
0x8b: {  	s0 =	sand.u32 $0x1, s1  }
0x8c: {  	s17 =	sshll.u32 s0, $0xA;
	s2 =	sadd.s32 s3, s2  }
0x8d: {  	s2 =	sadd.s32 s2, s17  }
0x8e: {  	[smem:$0x3FBC] =	sst s2  }
0x8f: {  	_ = 	snop  }
0x90: {  	s2 =	sld [smem:$0x3FD0];
	(tm) =	ssettm $0x1  }
0x91: {  	s18 =	sld [smem:$0x3FFB];
	_ =	sdelay $0x3  }
0x92: {  	_ =	strace s18  }
0x93: {  	s3 =	sld [smem:$0x3FFC];
	_ =	sdelay $0x3  }
0x94: {  	_ =	strace s3  }
0x95: {  	s3 =	sld [smem:$0x3FFD];
	_ =	sdelay $0x3  }
0x96: {  	_ =	strace s3  }
0x97: {  	_ =	strace $0x8FFFFFFF  }
0x98: {  	s19 =	sld [smem:$0x3FDB];
	_ =	sdelay $0x1  }
0x99: {  	s4 =	simm.s32 $_scs_section_size  }
0x9a: {  	s5 =	simm.s32 $_size__tile_overlayer_lowered;
	s6 =	simm.s32 $_tile_overlayer_lowered  }
0x9b: {  	s22 =	simm.s32 $0x1BFF;
	s21 =	sshll.u32 s6, $0x1;
	s3 =	sadd.s32 s4, s19  }
0x9c: {  	s7 =	simm.s32 $0x0;
	s20 =	sshll.u32 s5, $0x1;
	s5 =	sadd.s32 s21, s3  }
0x9d: {  	[timem:s7], [sflag:s22] =	dma.local [hbm:s5], s20  }
0x9e: {  	_ =	swait.ge [sflag:s22], s20  }
0x9f: {  	s4 =	ssub.s32 $0x0, s20;
	[sflag:s22] =	ssyncset.done $0x0  }
0xa0: {  	[sflag:s22] =	ssyncadd.s32 s4;
	_ =	sdelay $0x1  }
0xa1: {  	s23 =	simm.s32 $0x1B8B  }
0xa2: {  	_ =	swait.ge [sflag:s23], $0x1  }
0xa3: {  	[sflag:s23] =	ssyncset.done $0x0  }
0xa4: {  	s25 =	simm.s32 $0x1B8E;
	s24 =	sld [smem:$0x3FFE];
	[sflag:s23] =	ssyncadd.s32 $0xFFFFFFFF  }
0xa5: {  	s26 =	simm.s32 $execute0_lowered;
	[smem:$0x3FD2] =	sst s25  }
0xa6: {  	s5 =	sshll.u32 s26, $0x1;
	_ =	strace $0x80000046;
	[dreg:$0x1] =	wrdreg $0xFFFFFFFF  }
0xa7: {  	s28 =	simm.s32 $_size_execute0_lowered;
	s3 =	sadd.s32 s3, s5;
	[dreg:$0x0] =	wrdreg $0x0  }
0xa8: {  	s5 =	sshll.u32 s28, $0x1;
	[dreg:$0x2] =	wrdreg s3  }
0xa9: {  	[dreg:$0x3] =	wrdreg s5  }
0xaa: {  	[dreg:$0x4] =	wrdreg $0xC0  }
0xab: {  	_ =	task [dreg:s7], $0x5FFFF  }
0xac: {  	[dreg:$0x1] =	wrdreg $0xFFFFFFFF  }
0xad: {  	[dreg:$0x0] =	wrdreg $0x60  }
0xae: {  	[dreg:$0x2] =	wrdreg s24  }
0xaf: {  	[dreg:$0x3] =	wrdreg s2  }
0xb0: {  	[dreg:$0x4] =	wrdreg $0x4A000  }
0xb1: {  	[dreg:$0x5] =	wrdreg $0x9  }
0xb2: {  	_ =	task.clear_ibuf [dreg:s7], $0x6FFFF;
	_ =	strace $0x90000046  }
0xb3: {  	s29 =	simm.s32 $0x9;
	_ =	strace $0x80000048  }
0xb4: {  	_ =	swait.ge [sflag:s29], $0x1  }
0xb5: {  	[sflag:s29] =	ssyncadd.s32 $0xFFFFFFFF  }
0xb6: {  	_ =	strace $0x90000048  }
0xb7: {  	_ =	sfence  }
0xb8: {  	s30 =	sld [smem:$0x0];
	_ =	sdelay $0x2  }
0xb9: {  	s31 =	sshll.u32 s1, $0xD;
	s1 =	sshrl.u32 s1, $0x2  }
0xba: {  	s3 =	sand.u32 $0x4000, s31;
	s1 =	sadd.s32 s1, s30  }
0xbb: {  	s0 =	sor.u32 s3, s0;
	s1 =	sshll.u32 s1, $0x11  }
0xbc: {  	s0 =	sor.u32 s1, s0  }
0xbd: {  	s0 =	sadd.s32 $0x8F2B, s0  }
0xbe: {  	[sflag:s0] =	ssyncadd.remote.s32 $0x1  }
0xbf: {  	_ =	sfence.sel $0xFFFF  }
0xc0: {  	[dreg:$0x0] =	wrdreg $0xFFFFFFFF;
	(pc) =	sbr.abs _section_cstart, $3  }
0xc1: {  	[dreg:$0x1] =	wrdreg $0xFFFFFFFF  }
0xc2: {  	_ =	task.clear_ibuf [dreg:s7], $0x2FFFF;
	_ =	strace $0x9FFFFFFF  }
0xc3: {  	(tm) =	ssettm $0x7FFFFFFF  }
tec
execute0_lowered:
.L_overlay_start_1:
0x0: {  	(tag) =	ssettag $0x1  }
0x1: {  	s0 =	rddreg [dreg:$0x0]  }
0x2: {  	s3 =	rddreg [dreg:$0x2];
	s4 =	simm.s32 $0x0  }
0x3: {  	s13 =	stileid.u32;
	s1 =	srdreg.scid;
	s16 =	simm.s32 $0x1  }
0x4: {  	s19 =	simm.s32 $0x80;
	s31 =	simm.s32 $0x2000;
	s14 =	simm.s32 $0x3000  }
0x5: {  	s17 =	simm.s32 $0x580;
	s18 =	simm.s32 $0x3400;
	s20 =	simm.s32 $0x600  }
0x6: {  	s21 =	simm.s32 $0x3800;
	s22 =	simm.s32 $0x680;
	s23 =	simm.s32 $0x3C00  }
0x7: {  	s15 =	simm.s32 $0x780;
	[smem:$0x7FF] =	sst s4;
	s2 =	smul.u32 $0xC800, s13  }
0x8: {  	s1 =	sand.u32 $0x1, s1;
	s5 =	sadd.s32 $0x30E200, s0;
	s6 =	sadd.s32 $0xE00, s0  }
0x9: {  	s24 =	sadd.s32 $0x36FC00, s0;
	s30 =	sshll.u32 s13, $0x6;
	_ =	strace $0x80000047  }
0xa: {  	s7 =	smul.u32 $0xC8000, s1;
	s9 =	sshll.u32 s1, $0x4;
	s1 =	ssub.s32 $0x2, s1  }
0xb: {  	[dreg:$0x5] =	wrdreg s24;
	s24 =	simm.s32 $0x700;
	s8 =	sshrl.u32 s2, $0x3  }
0xc: {  	s10 =	sor.u32 s13, s9;
	s11 =	sshrl.u32 s1, $0x1;
	s13 =	simm.s32 $0x500  }
0xd: {  	s8 =	sadd.s32 s8, s0;
	s7 =	sadd.s32 s2, s7;
	s9 =	sshll.u32 s10, $0x6  }
0xe: {  	s1 =	ssub.s32 s1, s11;
	p0 =	seq.s32 s10, $0x1F;
	s2 =	sadd.s32 s2, s3  }
0xf: {  	s11 =	sadd.s32 $0x30DE00, s0;
	s7 =	sshrl.u32 s7, $0x3;
	s12 =	sadd.s32 s9, s0  }
0x10: {  	s8 =	sadd.s32 $0x36FE00, s8;
	s9 =	smul.u32 $0x18800, s10;
	s29 =	smax.u32 s1, $0x1  }
0x11: {  	s28 =	sshrl.u32 s2, $0x3;
	s1 =	simm.s32 $0x2400;
	s2 =	simm.s32 $0x4800  }
0x12: {  	s7 =	sadd.s32 s7, s0;
	[dreg:$0x4] =	wrdreg s8;
	s8 =	simm.s32 $0x2B  }
.Ltmp0:
0x13: {  	s25 =	sadd.s32 $0x388E00, s12;
	[dreg:$0x8] =	wrdreg s29;
	(pc) =	sbr.rel .LBB2_1-.Ltmp0, $4  }
0x14: {  	s12 =	sor.u32 $0x1C01, s30;
	s0 =	simm.s32 $0x380;
	[dreg:$0xa] =	wrdreg s28  }
0x15: {  	s8 =	simm.s32 @!p0 $0x31;
	[dreg:$0x6] =	wrdreg s25;
	s26 =	sadd.s32 $0x389600, s7  }
0x16: {  	p0 =	sne.s32 s10, $0x1F;
	s25 =	simm.s32 $0x4000;
	[dreg:$0x9] =	wrdreg s12  }
0x17: {  	v0 =	vimm.s32 $0x0;
	v1 =	vlaneseq.u32;
	v2 =	vimm.s32 $0x1;
	s10 =	simm.s32 $0x0;
	[dreg:$0x7] =	wrdreg s26;
	s26 =	simm.s32 $0x4400  }
.LBB2_13:
0x18: {  	[bflag:$0x0] =	sbarrier.arrive $0xFFFF  }
0x19: {  	s7 =	rddreg [dreg:$0x6]  }
0x1a: {  	[hbm4b:s7+s4] =	stream.linear.scatter [tilespmem:s2], [sflag:$0x1], $0x200, $0x38;
	[tilespmem:$0x11200] =	vst v63  }
0x1b: {  	_ =	swait.ge [sflag:s16], $0x200  }
0x1c: {  	s29 =	rddreg [dreg:$0x7]  }
0x1d: {  	[sflag:s16] =	ssyncset.done $0x0;
	s12 =	rddreg [dreg:$0x9]  }
0x1e: {  	s28 =	rddreg [dreg:$0xa];
	[sflag:s16] =	ssyncadd.s32 $0xFFFFFE00  }
0x1f: {  	[hbm:s29], [sflag:s12] =	dma.local [spmem:s28], $0x1900  }
0x20: {  	_ =	swait.ge [sflag:s16], $0x1900  }
0x21: {  	s10 =	sadd.s32 $0x1, s10;
	s30 =	rddreg [dreg:$0x8]  }
0x22: {  	p1 =	sne.s32 s10, s30  }
.Ltmp1:
0x23: {  	_ = 	snop;
	(pc) =	sbr.rel @!p1 .LBB2_14-.Ltmp1, $3  }
0x24: {  	_ =	sdelay $0x1  }
0x25: {  	[sflag:s16] =	ssyncset.done $0x0  }
0x26: {  	[sflag:s16] =	ssyncadd.s32 $0xFFFFE700  }
.LBB2_1:
0x27: {  	[tilespmem:$0x4800] =	vst v0  }
0x28: {  	[tilespmem:$0x4810] =	vst v0  }
0x29: {  	[tilespmem:$0x4820] =	vst v0  }
0x2a: {  	[tilespmem:$0x4830] =	vst v0  }
0x2b: {  	[tilespmem:$0x4840] =	vst v0  }
0x2c: {  	[tilespmem:$0x4850] =	vst v0  }
0x2d: {  	[tilespmem:$0x4860] =	vst v0  }
0x2e: {  	[tilespmem:$0x4870] =	vst v0  }
0x2f: {  	[tilespmem:$0x4880] =	vst v0  }
0x30: {  	[tilespmem:$0x4890] =	vst v0  }
0x31: {  	[tilespmem:$0x48A0] =	vst v0  }
0x32: {  	[tilespmem:$0x48B0] =	vst v0  }
0x33: {  	[tilespmem:$0x48C0] =	vst v0  }
0x34: {  	[tilespmem:$0x48D0] =	vst v0  }
0x35: {  	[tilespmem:$0x48E0] =	vst v0  }
0x36: {  	[tilespmem:$0x48F0] =	vst v0  }
0x37: {  	[tilespmem:$0x4900] =	vst v0  }
0x38: {  	[tilespmem:$0x4910] =	vst v0  }
0x39: {  	[tilespmem:$0x4920] =	vst v0  }
0x3a: {  	[tilespmem:$0x4930] =	vst v0  }
0x3b: {  	[tilespmem:$0x4940] =	vst v0  }
0x3c: {  	[tilespmem:$0x4950] =	vst v0  }
0x3d: {  	[tilespmem:$0x4960] =	vst v0  }
0x3e: {  	[tilespmem:$0x4970] =	vst v0  }
0x3f: {  	[tilespmem:$0x4980] =	vst v0  }
0x40: {  	[tilespmem:$0x4990] =	vst v0  }
0x41: {  	[tilespmem:$0x49A0] =	vst v0  }
0x42: {  	[tilespmem:$0x49B0] =	vst v0  }
0x43: {  	[tilespmem:$0x49C0] =	vst v0  }
0x44: {  	[tilespmem:$0x49D0] =	vst v0  }
0x45: {  	[dreg:$0xb] =	wrdreg s10;
	[tilespmem:$0x49E0] =	vst v0  }
0x46: {  	[tilespmem:$0x49F0] =	vst v0;
	s7 =	rddreg [dreg:$0x1];
	s29 =	simm.s32 $0x800  }
0x47: {  	[tilespmem:s29], [sflag:$0x1] =	stream.linear.gather [hbm4b:s7+s4], $0x4000, $0x38;
	[tilespmem:$0x11200] =	vst v63  }
0x48: {  	_ =	swait.ge [sflag:s16], $0x4000  }
0x49: {  	[sflag:s16] =	ssyncset.done $0x0  }
0x4a: {  	s30 =	rddreg [dreg:$0x4];
	[sflag:s16] =	ssyncadd.s32 $0xFFFFC000  }
0x4b: {  	[spmem:s28], [sflag:s12] =	dma.local [hbm:s30], $0x1900  }
0x4c: {  	_ =	swait.ge [sflag:s16], $0x1900  }
0x4d: {  	[sflag:s16] =	ssyncset.done $0x0  }
0x4e: {  	[sflag:s16] =	ssyncadd.s32 $0xFFFFE700  }
0x4f: {  	s28 =	simm.s32 $0x0;
	[bflag:$0x0] =	sbarrier.arrive $0xFFFF  }
.LBB2_2:
0x50: {  	s7 =	sshll.u32 s28, $0xB  }
0x51: {  	s7 =	sadd.s32 s9, s7  }
0x52: {  	s10 =	sshrl.u32 s7, $0x3  }
0x53: {  	s12 =	simm.s32 $0x0;
	s10 =	sadd.s32 s5, s10  }
0x54: {  	[tilespmem:s12], [sflag:$0x1] =	stream.linear.gather [hbm4b:s10+s12], $0x800, $0x38;
	[tilespmem:$0x11200] =	vst v63  }
0x55: {  	s29 =	simm.s32 $0x800;
	_ =	swait.ge [sflag:s16], $0x800  }
0x56: {  	s30 =	simm.s32 $0x808;
	s10 =	sadd.s32 s6, s7;
	[sflag:s16] =	ssyncset.done $0x0  }
0x57: {  	s7 =	simm.s32 $0x1;
	s12 =	sadd.s32 $0x0, s10;
	[sflag:s16] =	ssyncadd.s32 $0xFFFFF800  }
.LBB2_3:
0x58: {  	[tilespmem:s29], [sflag:$0x1] =	stream.linear.gather [hbm4b:s12+s4], $0x7, $0x38;
	[tilespmem:$0x11200] =	vst v63  }
0x59: {  	s12 =	smov.u32 s7;
	s29 =	smov.u32 s30;
	p1 =	sne.s32 s7, $0x7FF  }
.Ltmp2:
0x5a: {  	s7 =	sadd.s32 $0x1, s7;
	(pc) =	sbr.rel @p1 .LBB2_3-.Ltmp2, $2  }
0x5b: {  	_ =	sdelay $0x2  }
0x5c: {  	s30 =	sadd.s32 $0x8, s30;
	s12 =	sadd.s32 s12, s10  }
0x5d: {  	[tilespmem:s29], [sflag:$0x1] =	stream.linear.gather [hbm4b:s12+s4], $0x7, $0x38;
	[tilespmem:$0x11200] =	vst v63  }
0x5e: {  	_ =	swait.ge [sflag:s16], $0x3800  }
0x5f: {  	[sflag:s16] =	ssyncset.done $0x0  }
0x60: {  	s10 =	simm.s32 $0x0;
	s7 =	simm.s32 $0x800;
	[sflag:s16] =	ssyncadd.s32 $0xFFFFC800  }
0x61: {  	[spmem:s3] =	stream.indirect.scatter.add.f32 [tilespmem:s7], [sflag:$0x1], $0x8, s10, s19, $0xb8;
	[tilespmem:$0x11200] =	vst v63  }
0x62: {  	_ =	swait.ge [sflag:s16], $0x400  }
0x63: {  	[sflag:s16] =	ssyncset.done $0x0  }
0x64: {  	s30 =	simm.s32 $0xC00;
	[sflag:s16] =	ssyncadd.s32 $0xFFFFFC00  }
0x65: {  	[spmem:s3] =	stream.indirect.scatter.add.f32 [tilespmem:s30], [sflag:$0x1], $0x8, s19, s19, $0xb8;
	[tilespmem:$0x11200] =	vst v63  }
0x66: {  	_ =	swait.ge [sflag:s16], $0x400  }
0x67: {  	[sflag:s16] =	ssyncset.done $0x0  }
0x68: {  	s12 =	simm.s32 $0x100;
	s30 =	simm.s32 $0x1000;
	[sflag:s16] =	ssyncadd.s32 $0xFFFFFC00  }
0x69: {  	[spmem:s3] =	stream.indirect.scatter.add.f32 [tilespmem:s30], [sflag:$0x1], $0x8, s12, s19, $0xb8;
	[tilespmem:$0x11200] =	vst v63  }
0x6a: {  	_ =	swait.ge [sflag:s16], $0x400  }
0x6b: {  	[sflag:s16] =	ssyncset.done $0x0  }
0x6c: {  	s12 =	simm.s32 $0x180;
	s30 =	simm.s32 $0x1400;
	[sflag:s16] =	ssyncadd.s32 $0xFFFFFC00  }
0x6d: {  	[spmem:s3] =	stream.indirect.scatter.add.f32 [tilespmem:s30], [sflag:$0x1], $0x8, s12, s19, $0xb8;
	[tilespmem:$0x11200] =	vst v63  }
0x6e: {  	_ =	swait.ge [sflag:s16], $0x400  }
0x6f: {  	[sflag:s16] =	ssyncset.done $0x0  }
0x70: {  	s12 =	simm.s32 $0x200;
	s30 =	simm.s32 $0x1800;
	[sflag:s16] =	ssyncadd.s32 $0xFFFFFC00  }
0x71: {  	[spmem:s3] =	stream.indirect.scatter.add.f32 [tilespmem:s30], [sflag:$0x1], $0x8, s12, s19, $0xb8;
	[tilespmem:$0x11200] =	vst v63  }
0x72: {  	_ =	swait.ge [sflag:s16], $0x400  }
0x73: {  	[sflag:s16] =	ssyncset.done $0x0  }
0x74: {  	s12 =	simm.s32 $0x280;
	s30 =	simm.s32 $0x1C00;
	[sflag:s16] =	ssyncadd.s32 $0xFFFFFC00  }
0x75: {  	[spmem:s3] =	stream.indirect.scatter.add.f32 [tilespmem:s30], [sflag:$0x1], $0x8, s12, s19, $0xb8;
	[tilespmem:$0x11200] =	vst v63  }
0x76: {  	_ =	swait.ge [sflag:s16], $0x400  }
0x77: {  	[sflag:s16] =	ssyncset.done $0x0  }
0x78: {  	s30 =	simm.s32 $0x300;
	[sflag:s16] =	ssyncadd.s32 $0xFFFFFC00  }
0x79: {  	[spmem:s3] =	stream.indirect.scatter.add.f32 [tilespmem:s31], [sflag:$0x1], $0x8, s30, s19, $0xb8;
	[tilespmem:$0x11200] =	vst v63  }
0x7a: {  	_ =	swait.ge [sflag:s16], $0x400  }
0x7b: {  	[sflag:s16] =	ssyncset.done $0x0  }
0x7c: {  	[sflag:s16] =	ssyncadd.s32 $0xFFFFFC00  }
0x7d: {  	[spmem:s3] =	stream.indirect.scatter.add.f32 [tilespmem:s1], [sflag:$0x1], $0x8, s0, s19, $0xb8;
	[tilespmem:$0x11200] =	vst v63  }
0x7e: {  	_ =	swait.ge [sflag:s16], $0x400  }
0x7f: {  	[sflag:s16] =	ssyncset.done $0x0  }
0x80: {  	s12 =	simm.s32 $0x400;
	s30 =	simm.s32 $0x2800;
	[sflag:s16] =	ssyncadd.s32 $0xFFFFFC00  }
0x81: {  	[spmem:s3] =	stream.indirect.scatter.add.f32 [tilespmem:s30], [sflag:$0x1], $0x8, s12, s19, $0xb8;
	[tilespmem:$0x11200] =	vst v63  }
0x82: {  	_ =	swait.ge [sflag:s16], $0x400  }
0x83: {  	[sflag:s16] =	ssyncset.done $0x0  }
0x84: {  	s12 =	simm.s32 $0x480;
	s30 =	simm.s32 $0x2C00;
	[sflag:s16] =	ssyncadd.s32 $0xFFFFFC00  }
0x85: {  	[spmem:s3] =	stream.indirect.scatter.add.f32 [tilespmem:s30], [sflag:$0x1], $0x8, s12, s19, $0xb8;
	[tilespmem:$0x11200] =	vst v63  }
0x86: {  	_ =	swait.ge [sflag:s16], $0x400  }
0x87: {  	[sflag:s16] =	ssyncset.done $0x0  }
0x88: {  	[sflag:s16] =	ssyncadd.s32 $0xFFFFFC00  }
0x89: {  	[spmem:s3] =	stream.indirect.scatter.add.f32 [tilespmem:s14], [sflag:$0x1], $0x8, s13, s19, $0xb8;
	[tilespmem:$0x11200] =	vst v63  }
0x8a: {  	_ =	swait.ge [sflag:s16], $0x400  }
0x8b: {  	[sflag:s16] =	ssyncset.done $0x0  }
0x8c: {  	[sflag:s16] =	ssyncadd.s32 $0xFFFFFC00  }
0x8d: {  	[spmem:s3] =	stream.indirect.scatter.add.f32 [tilespmem:s18], [sflag:$0x1], $0x8, s17, s19, $0xb8;
	[tilespmem:$0x11200] =	vst v63  }
0x8e: {  	_ =	swait.ge [sflag:s16], $0x400  }
0x8f: {  	[sflag:s16] =	ssyncset.done $0x0  }
0x90: {  	[sflag:s16] =	ssyncadd.s32 $0xFFFFFC00  }
0x91: {  	[spmem:s3] =	stream.indirect.scatter.add.f32 [tilespmem:s21], [sflag:$0x1], $0x8, s20, s19, $0xb8;
	[tilespmem:$0x11200] =	vst v63  }
0x92: {  	_ =	swait.ge [sflag:s16], $0x400  }
0x93: {  	[sflag:s16] =	ssyncset.done $0x0  }
0x94: {  	[sflag:s16] =	ssyncadd.s32 $0xFFFFFC00  }
0x95: {  	[spmem:s3] =	stream.indirect.scatter.add.f32 [tilespmem:s23], [sflag:$0x1], $0x8, s22, s19, $0xb8;
	[tilespmem:$0x11200] =	vst v63  }
0x96: {  	_ =	swait.ge [sflag:s16], $0x400  }
0x97: {  	[sflag:s16] =	ssyncset.done $0x0  }
0x98: {  	[sflag:s16] =	ssyncadd.s32 $0xFFFFFC00  }
0x99: {  	[spmem:s3] =	stream.indirect.scatter.add.f32 [tilespmem:s25], [sflag:$0x1], $0x8, s24, s19, $0xb8;
	[tilespmem:$0x11200] =	vst v63  }
0x9a: {  	_ =	swait.ge [sflag:s16], $0x400  }
0x9b: {  	[sflag:s16] =	ssyncset.done $0x0  }
0x9c: {  	[sflag:s16] =	ssyncadd.s32 $0xFFFFFC00  }
0x9d: {  	[spmem:s3] =	stream.indirect.scatter.add.f32 [tilespmem:s26], [sflag:$0x1], $0x8, s15, s19, $0xb8;
	[tilespmem:$0x11200] =	vst v63  }
0x9e: {  	s12 =	sand.u32 $0x1E00, s10;
	_ =	swait.ge [sflag:s16], $0x400  }
0x9f: {  	s10 =	sand.u32 $0x70, s10;
	s7 =	sshrl.u32 s12, $0x2;
	[sflag:s16] =	ssyncset.done $0x0  }
0xa0: {  	s7 =	sor.u32 s10, s7;
	[sflag:s16] =	ssyncadd.s32 $0xFFFFFC00  }
0xa1: {  	v3 =	vld [tilespmem:s7+$0x0];
	_ =	sdelay $0x4  }
0xa2: {  	v3 =	vshrl.u32 v3, $0x7  }
0xa3: {  	v3 =	vmul.u32 $0xA4, v3;
	_ =	sdelay $0x1  }
0xa4: {  	v3 =	vshrl.u32 v3, $0x8  }
0xa5: {  	v3 =	vand.u32 $0xFFFFF0, v3  }
0xa6: {  	v3 =	vor.u32 v1, v3;
	_ =	sdelay $0x1  }
0xa7: {  	s30 =	simm.s32 $0x40  }
0xa8: {  	s29 =	simm.s32 $0x80;
	s10 =	simm.s32 $0x10;
	s7 =	sand.u32 $0x1E00, s30  }
.LBB2_5:
0xa9: {  	p1 =	sne.s32 s29, $0x1FC0;
	s12 =	sand.u32 $0x70, s10;
	s7 =	sshrl.u32 s7, $0x2  }
0xaa: {  	s7 =	sor.u32 s12, s7;
	[tilespmem:v3+s2+$0x0] =	vst.idx.add.s32.msk $0xffff, v2  }
0xab: {  	v3 =	vld [tilespmem:s7+$0x0];
	_ =	sdelay $0x4  }
0xac: {  	v3 =	vshrl.u32 v3, $0x7  }
0xad: {  	v3 =	vmul.u32 $0xA4, v3;
	_ =	sdelay $0x1  }
0xae: {  	v3 =	vshrl.u32 v3, $0x8  }
.Ltmp3:
0xaf: {  	v3 =	vand.u32 $0xFFFFF0, v3;
	(pc) =	sbr.rel @p1 .LBB2_5-.Ltmp3, $2  }
0xb0: {  	v3 =	vor.u32 v1, v3;
	_ =	sdelay $0x2  }
0xb1: {  	s10 =	sadd.s32 $0x10, s10;
	s7 =	sand.u32 $0x1E00, s29;
	s29 =	sadd.s32 $0x40, s29  }
0xb2: {  	_ =	sdelay $0x2  }
0xb3: {  	s10 =	sand.u32 $0x70, s10;
	s7 =	sshrl.u32 s7, $0x2  }
0xb4: {  	[tilespmem:v3+s2+$0x0] =	vst.idx.add.s32.msk $0xffff, v2;
	s7 =	sor.u32 s10, s7  }
0xb5: {  	v3 =	vld [tilespmem:s7+$0x0];
	_ =	sdelay $0x4  }
0xb6: {  	v3 =	vshrl.u32 v3, $0x7  }
0xb7: {  	v3 =	vmul.u32 $0xA4, v3;
	_ =	sdelay $0x1  }
0xb8: {  	v3 =	vshrl.u32 v3, $0x8  }
0xb9: {  	s28 =	sadd.s32 $0x1, s28;
	v3 =	vand.u32 $0xFFFFF0, v3  }
0xba: {  	p1 =	sne.s32 s28, s8;
	v3 =	vor.u32 v1, v3  }
.Ltmp4:
0xbb: {  	_ = 	snop;
	(pc) =	sbr.rel @p1 .LBB2_2-.Ltmp4, $2  }
0xbc: {  	_ =	sdelay $0x2  }
0xbd: {  	[tilespmem:v3+s2+$0x0] =	vst.idx.add.s32.msk $0xffff, v2  }
.Ltmp5:
0xbe: {  	(pc) =	sbr.rel @p0 .LBB2_13-.Ltmp5, $2  }
0xbf: {  	_ =	sdelay $0x2  }
0xc0: {  	s10 =	rddreg [dreg:$0xb]  }
0xc1: {  	s7 =	simm.s32 $0x0;
	s10 =	rddreg [dreg:$0x5]  }
0xc2: {  	[tilespmem:s7], [sflag:$0x1] =	stream.linear.gather [hbm4b:s10+s7], $0x400, $0x38;
	[tilespmem:$0x11200] =	vst v63  }
0xc3: {  	_ =	swait.ge [sflag:s16], $0x400  }
0xc4: {  	s12 =	sadd.s32 $0x0, s11;
	s28 =	simm.s32 $0x808;
	[sflag:s16] =	ssyncset.done $0x0  }
0xc5: {  	s10 =	simm.s32 $0x800;
	s7 =	simm.s32 $0x1;
	[sflag:s16] =	ssyncadd.s32 $0xFFFFFC00  }
.LBB2_9:
0xc6: {  	[tilespmem:s10], [sflag:$0x1] =	stream.linear.gather [hbm4b:s12+s4], $0x7, $0x38;
	[tilespmem:$0x11200] =	vst v63  }
0xc7: {  	s12 =	smov.u32 s7;
	s10 =	smov.u32 s28;
	p1 =	sne.s32 s7, $0x3FF  }
.Ltmp6:
0xc8: {  	s7 =	sadd.s32 $0x1, s7;
	(pc) =	sbr.rel @p1 .LBB2_9-.Ltmp6, $2  }
0xc9: {  	_ =	sdelay $0x2  }
0xca: {  	s28 =	sadd.s32 $0x8, s28;
	s12 =	sadd.s32 s12, s11  }
0xcb: {  	[tilespmem:s10], [sflag:$0x1] =	stream.linear.gather [hbm4b:s12+s4], $0x7, $0x38;
	[tilespmem:$0x11200] =	vst v63  }
0xcc: {  	_ =	swait.ge [sflag:s16], $0x1C00  }
0xcd: {  	[sflag:s16] =	ssyncset.done $0x0  }
0xce: {  	s7 =	simm.s32 $0x0;
	s30 =	simm.s32 $0x800;
	[sflag:s16] =	ssyncadd.s32 $0xFFFFE400  }
0xcf: {  	[spmem:s3] =	stream.indirect.scatter.add.f32 [tilespmem:s30], [sflag:$0x1], $0x8, s7, s19, $0xb8;
	[tilespmem:$0x11200] =	vst v63  }
0xd0: {  	_ =	swait.ge [sflag:s16], $0x400  }
0xd1: {  	[sflag:s16] =	ssyncset.done $0x0  }
0xd2: {  	s12 =	simm.s32 $0xC00;
	[sflag:s16] =	ssyncadd.s32 $0xFFFFFC00  }
0xd3: {  	[spmem:s3] =	stream.indirect.scatter.add.f32 [tilespmem:s12], [sflag:$0x1], $0x8, s19, s19, $0xb8;
	[tilespmem:$0x11200] =	vst v63  }
0xd4: {  	_ =	swait.ge [sflag:s16], $0x400  }
0xd5: {  	[sflag:s16] =	ssyncset.done $0x0  }
0xd6: {  	s29 =	simm.s32 $0x100;
	s30 =	simm.s32 $0x1000;
	[sflag:s16] =	ssyncadd.s32 $0xFFFFFC00  }
0xd7: {  	[spmem:s3] =	stream.indirect.scatter.add.f32 [tilespmem:s30], [sflag:$0x1], $0x8, s29, s19, $0xb8;
	[tilespmem:$0x11200] =	vst v63  }
0xd8: {  	_ =	swait.ge [sflag:s16], $0x400  }
0xd9: {  	[sflag:s16] =	ssyncset.done $0x0  }
0xda: {  	s29 =	simm.s32 $0x180;
	s30 =	simm.s32 $0x1400;
	[sflag:s16] =	ssyncadd.s32 $0xFFFFFC00  }
0xdb: {  	[spmem:s3] =	stream.indirect.scatter.add.f32 [tilespmem:s30], [sflag:$0x1], $0x8, s29, s19, $0xb8;
	[tilespmem:$0x11200] =	vst v63  }
0xdc: {  	_ =	swait.ge [sflag:s16], $0x400  }
0xdd: {  	[sflag:s16] =	ssyncset.done $0x0  }
0xde: {  	s29 =	simm.s32 $0x200;
	s30 =	simm.s32 $0x1800;
	[sflag:s16] =	ssyncadd.s32 $0xFFFFFC00  }
0xdf: {  	[spmem:s3] =	stream.indirect.scatter.add.f32 [tilespmem:s30], [sflag:$0x1], $0x8, s29, s19, $0xb8;
	[tilespmem:$0x11200] =	vst v63  }
0xe0: {  	_ =	swait.ge [sflag:s16], $0x400  }
0xe1: {  	[sflag:s16] =	ssyncset.done $0x0  }
0xe2: {  	s29 =	simm.s32 $0x280;
	s30 =	simm.s32 $0x1C00;
	[sflag:s16] =	ssyncadd.s32 $0xFFFFFC00  }
0xe3: {  	[spmem:s3] =	stream.indirect.scatter.add.f32 [tilespmem:s30], [sflag:$0x1], $0x8, s29, s19, $0xb8;
	[tilespmem:$0x11200] =	vst v63  }
0xe4: {  	_ =	swait.ge [sflag:s16], $0x400  }
0xe5: {  	[sflag:s16] =	ssyncset.done $0x0  }
0xe6: {  	s12 =	simm.s32 $0x300;
	[sflag:s16] =	ssyncadd.s32 $0xFFFFFC00  }
0xe7: {  	[spmem:s3] =	stream.indirect.scatter.add.f32 [tilespmem:s31], [sflag:$0x1], $0x8, s12, s19, $0xb8;
	[tilespmem:$0x11200] =	vst v63  }
0xe8: {  	_ =	swait.ge [sflag:s16], $0x400  }
0xe9: {  	[sflag:s16] =	ssyncset.done $0x0  }
0xea: {  	[sflag:s16] =	ssyncadd.s32 $0xFFFFFC00  }
0xeb: {  	[spmem:s3] =	stream.indirect.scatter.add.f32 [tilespmem:s1], [sflag:$0x1], $0x8, s0, s19, $0xb8;
	[tilespmem:$0x11200] =	vst v63  }
0xec: {  	s29 =	sand.u32 $0xE00, s7;
	_ =	swait.ge [sflag:s16], $0x400  }
0xed: {  	s7 =	sand.u32 $0x70, s7;
	s10 =	sshrl.u32 s29, $0x2;
	[sflag:s16] =	ssyncset.done $0x0  }
0xee: {  	s7 =	sor.u32 s7, s10;
	[sflag:s16] =	ssyncadd.s32 $0xFFFFFC00  }
0xef: {  	v3 =	vld [tilespmem:s7+$0x0];
	_ =	sdelay $0x4  }
0xf0: {  	v3 =	vshrl.u32 v3, $0x7  }
0xf1: {  	v3 =	vmul.u32 $0xA4, v3;
	_ =	sdelay $0x1  }
0xf2: {  	v3 =	vshrl.u32 v3, $0x8  }
0xf3: {  	v3 =	vand.u32 $0xFFFFF0, v3  }
0xf4: {  	v3 =	vor.u32 v1, v3;
	_ =	sdelay $0x1  }
0xf5: {  	s30 =	simm.s32 $0x40  }
0xf6: {  	s28 =	simm.s32 $0x80;
	s10 =	simm.s32 $0x10;
	s7 =	sand.u32 $0xE00, s30  }
.LBB2_11:
0xf7: {  	p1 =	sne.s32 s28, $0xFC0;
	s12 =	sand.u32 $0x70, s10;
	s7 =	sshrl.u32 s7, $0x2  }
0xf8: {  	s7 =	sor.u32 s12, s7;
	[tilespmem:v3+s2+$0x0] =	vst.idx.add.s32.msk $0xffff, v2  }
0xf9: {  	v3 =	vld [tilespmem:s7+$0x0];
	_ =	sdelay $0x4  }
0xfa: {  	v3 =	vshrl.u32 v3, $0x7  }
0xfb: {  	v3 =	vmul.u32 $0xA4, v3;
	_ =	sdelay $0x1  }
0xfc: {  	v3 =	vshrl.u32 v3, $0x8  }
.Ltmp7:
0xfd: {  	v3 =	vand.u32 $0xFFFFF0, v3;
	(pc) =	sbr.rel @p1 .LBB2_11-.Ltmp7, $2  }
0xfe: {  	v3 =	vor.u32 v1, v3;
	_ =	sdelay $0x2  }
0xff: {  	s10 =	sadd.s32 $0x10, s10;
	s7 =	sand.u32 $0xE00, s28;
	s28 =	sadd.s32 $0x40, s28  }
0x100: {  	_ =	sdelay $0x2  }
0x101: {  	s10 =	sand.u32 $0x70, s10;
	s7 =	sshrl.u32 s7, $0x2  }
0x102: {  	[tilespmem:v3+s2+$0x0] =	vst.idx.add.s32.msk $0xffff, v2;
	s7 =	sor.u32 s10, s7  }
0x103: {  	v3 =	vld [tilespmem:s7+$0x0];
	_ =	sdelay $0x4  }
0x104: {  	v3 =	vshrl.u32 v3, $0x7  }
0x105: {  	v3 =	vmul.u32 $0xA4, v3;
	_ =	sdelay $0x1  }
0x106: {  	v3 =	vshrl.u32 v3, $0x8  }
0x107: {  	v3 =	vand.u32 $0xFFFFF0, v3  }
0x108: {  	v3 =	vor.u32 v1, v3  }
.Ltmp8:
0x109: {  	_ = 	snop;
	(pc) =	sbr.rel .LBB2_13-.Ltmp8, $2  }
0x10a: {  	_ =	sdelay $0x2  }
0x10b: {  	s10 =	rddreg [dreg:$0xb];
	[tilespmem:v3+s2+$0x0] =	vst.idx.add.s32.msk $0xffff, v2  }
.LBB2_14:
0x10c: {  	_ =	sfence.sel $0x180000  }
0x10d: {  	[bflag:$0x0] =	sbarrier.arrive $0xFFFF  }
0x10e: {  	_ =	strace $0x90000047  }
0x10f: {  	s0 =	stileid.u32;
	[bflag:$0x2] =	sbarrier.arrive $0xFFFF  }
0x110: {  	p0 =	sne.s32 s0, $0x0;
	s0 =	rddreg [dreg:$0x3]  }
0x111: {  	s0 =	sadd.s32 @!p0 $0x100000, s0  }
0x112: {  	[sflag:s0] =	ssyncadd.tile.s32 @!p0 $0x1;
	_ =	shalt  }
.Lfunc_end2:
_tile_overlayer_lowered:
.L_overlay_start_2:
0x113: {  	(tag) =	ssettag $0x2  }
0x114: {  	s0 =	rddreg [dreg:$0x0];
	s2 =	stileid.u32  }
0x115: {  	s1 =	rddreg [dreg:$0x1];
	p0 =	sne.s32 s2, $0x0  }
0x116: {  	s3 =	rddreg [dreg:$0x2];
	[bflag:$0x3] =	sbarrier.arrive $0xFFFF;
	s2 =	simm.s32 @!p0 $0x1C01  }
0x117: {  	[timem:s3], [sflag:s2] =	dma.local @!p0 [hbm:s0], s1  }
0x118: {  	s0 =	simm.s32 @!p0 $0x1  }
0x119: {  	_ =	swait.ge @!p0 [sflag:s0], s1  }
0x11a: {  	s1 =	ssub.s32 @!p0 $0x0, s1;
	[sflag:s0] =	ssyncset.done @!p0 $0x0  }
0x11b: {  	[sflag:s0] =	ssyncadd.s32 @!p0 s1  }
0x11c: {  	[bflag:$0x3] =	sbarrier.arrive $0xFFFF  }
0x11d: {  	_ =	shalt  }

// kernel: kernel.9.cloned.1.call-start
scs
__scs_entry_jumppad:
0x0: {  	(pc) =	sbr.rel $0x88, $3  }
0x1: {  	(tag) =	ssettag $0x0;
	lr =	simm.s32 $0x1  }
0x2: {  	[smem:$0x3F95] =	sst lr;
	_ =	strace $0xD0000000  }
0x3: {  	_ = 	snop  }
0x4: {  	_ = 	snop  }
0x5: {  	_ = 	snop  }
0x6: {  	_ = 	snop  }
0x7: {  	_ = 	snop  }
__scs_overlays_trampoline_lowered:
0x8: {  	[smem:$0x3FA4] =	sst s0  }
0x9: {  	[smem:$0x3FA5] =	sst s1  }
0xa: {  	[smem:$0x3FA6] =	sst s2  }
0xb: {  	[smem:$0x3FA7] =	sst s3  }
0xc: {  	[smem:$0x3FA8] =	sst s4  }
0xd: {  	[smem:$0x3FA9] =	sst s5  }
0xe: {  	[smem:$0x3FAA] =	sst s6  }
0xf: {  	[smem:$0x3FAB] =	sst s7  }
0x10: {  	[smem:$0x3FAC] =	sst s8  }
0x11: {  	[smem:$0x3FAD] =	sst s9;
	s0 =	simm.s32 @!p0 $0x0  }
0x12: {  	s1 =	sld [smem:$0x3F93];
	s0 =	simm.s32 @p0 $0x1  }
0x13: {  	[smem:$0x3FAE] =	sst s0;
	s0 =	simm.s32 @!p1 $0x0  }
0x14: {  	s2 =	sld [smem:$0x3F92];
	s0 =	simm.s32 @p1 $0x1  }
0x15: {  	[smem:$0x3FAF] =	sst s0;
	s0 =	simm.s32 @!p2 $0x0  }
0x16: {  	s3 =	sld [smem:$0x3FDB];
	s0 =	simm.s32 @p2 $0x1  }
0x17: {  	s4 =	simm.s32 $0x1BF5;
	[smem:$0x3FB1] =	sst s0  }
0x18: {  	s0 =	sld [smem:$0x3F94];
	_ =	swait.ge [sflag:s4], $0x0  }
0x19: {  	s7 =	sld [smem:$0x3F95]  }
0x1a: {  	s8 =	sadd.s32 $0xFFFFE003, lr  }
0x1b: {  	s9 =	sadd.s32 $0xFFFFFEF7, lr;
	s5 =	simm.s32 $0xFFFFFFFF;
	p2 =	slt.u32 s8, $0xFFFFF086  }
0x1c: {  	p1 =	slt.u32 s9, $0xF7A;
	s5 =	simm.s32 @!p2 $0x0  }
0x1d: {  	s5 =	simm.s32 @p1 $0x1;
	p0 =	seq.s32 s7, s2  }
0x1e: {  	s7 =	smul.u32 @!p0 $0xF7A, s2;
	p2 =	seq.s32 @!p0 s5, $0x0  }
0x1f: {  	s9 =	smul.u32 $0xF7A, s1;
	s8 =	simm.s32 @!p0 $0x1BF5;
	p2 =	por !p2, p0  }
0x20: {  	[sflag:s8] =	ssyncset.s32 @!p0 $0xFFFFF086;
	s6 =	sadd.s32 @!p0 s3, s7;
	s7 =	simm.s32 @!p0 $0x108  }
0x21: {  	s3 =	sadd.s32 s3, s9;
	s6 =	sadd.s32 @!p0 $0x88, s6;
	s7 =	simm.s32 @p2 $0x1082  }
0x22: {  	[simem:s7], [sflag:s8] =	dma.local @!p0 [hbm:s6], $0xF7A  }
0x23: {  	s9 =	sor.u32 $0xD0000000, s2;
	s6 =	simm.s32 $0x108;
	_ =	swait.ge @!p0 [sflag:s8], $0x0  }
0x24: {  	s3 =	sadd.s32 $0x88, s3;
	s6 =	simm.s32 @!p1 $0x1082;
	[sflag:s4] =	ssyncset.s32 $0xFFFFF086  }
0x25: {  	[simem:s6], [sflag:s4] =	dma.local [hbm:s3], $0xF7A  }
0x26: {  	[smem:$0x3F95] =	sst s1;
	(tag) =	ssettag s2;
	_ =	strace s9  }
0x27: {  	s1 =	sld [smem:$0x3FA5]  }
0x28: {  	s2 =	sld [smem:$0x3FA6]  }
0x29: {  	s4 =	sld [smem:$0x3FA8]  }
0x2a: {  	p0 =	seq.s32 s5, $0x0;
	s5 =	sld [smem:$0x3FA9]  }
0x2b: {  	s6 =	sld [smem:$0x3FAA]  }
0x2c: {  	s7 =	sld [smem:$0x3FAB]  }
0x2d: {  	s3 =	simm.s32 $0x108;
	s8 =	sld [smem:$0x3FAC]  }
0x2e: {  	s3 =	simm.s32 @!p0 $0x1082;
	s9 =	sld [smem:$0x3FAD]  }
0x2f: {  	lr =	sadd.s32 s0, s3;
	s0 =	sld [smem:$0x3FA4]  }
0x30: {  	s3 =	sld [smem:$0x3FA7]  }
0x31: {  	[smem:$0x3FB0] =	sst s10  }
0x32: {  	s10 =	sld [smem:$0x3FAE];
	_ =	sdelay $0x3  }
0x33: {  	p0 =	seq.s32 s10, $0x1;
	s10 =	sld [smem:$0x3FB0];
	_ =	sdelay $0x3  }
0x34: {  	[smem:$0x3FB0] =	sst s10  }
0x35: {  	s10 =	sld [smem:$0x3FAF];
	_ =	sdelay $0x3  }
0x36: {  	p1 =	seq.s32 s10, $0x1;
	s10 =	sld [smem:$0x3FB0];
	_ =	sdelay $0x3  }
0x37: {  	[smem:$0x3FB0] =	sst s10  }
0x38: {  	s10 =	sld [smem:$0x3FB1]  }
0x39: {  	_ = 	snop;
	(pc) =	sbr.ind lr, $3  }
0x3a: {  	_ = 	snop  }
0x3b: {  	_ = 	snop  }
0x3c: {  	p2 =	seq.s32 s10, $0x1;
	s10 =	sld [smem:$0x3FB0]  }
0x3d: {  	_ =	shalt  }
0x3e: {  	_ =	shalt  }
0x3f: {  	_ =	shalt  }
0x40: {  	_ =	shalt  }
0x41: {  	_ =	shalt  }
0x42: {  	_ =	shalt  }
0x43: {  	_ =	shalt  }
0x44: {  	_ =	shalt  }
0x45: {  	_ =	shalt  }
0x46: {  	_ =	shalt  }
0x47: {  	_ =	shalt  }
0x48: {  	_ =	shalt  }
0x49: {  	_ =	shalt  }
0x4a: {  	_ =	shalt  }
0x4b: {  	_ =	shalt  }
0x4c: {  	_ =	shalt  }
0x4d: {  	_ =	shalt  }
0x4e: {  	_ =	shalt  }
0x4f: {  	_ =	shalt  }
0x50: {  	_ =	shalt  }
0x51: {  	_ =	shalt  }
0x52: {  	_ =	shalt  }
0x53: {  	_ =	shalt  }
0x54: {  	_ =	shalt  }
0x55: {  	_ =	shalt  }
0x56: {  	_ =	shalt  }
0x57: {  	_ =	shalt  }
0x58: {  	_ =	shalt  }
0x59: {  	_ =	shalt  }
0x5a: {  	_ =	shalt  }
0x5b: {  	_ =	shalt  }
0x5c: {  	_ =	shalt  }
0x5d: {  	_ =	shalt  }
0x5e: {  	_ =	shalt  }
0x5f: {  	_ =	shalt  }
0x60: {  	_ =	shalt  }
0x61: {  	_ =	shalt  }
0x62: {  	_ =	shalt  }
0x63: {  	_ =	shalt  }
0x64: {  	_ =	shalt  }
0x65: {  	_ =	shalt  }
0x66: {  	_ =	shalt  }
0x67: {  	_ =	shalt  }
0x68: {  	_ =	shalt  }
0x69: {  	_ =	shalt  }
0x6a: {  	_ =	shalt  }
0x6b: {  	_ =	shalt  }
0x6c: {  	_ =	shalt  }
0x6d: {  	_ =	shalt  }
0x6e: {  	_ =	shalt  }
0x6f: {  	_ =	shalt  }
0x70: {  	_ =	shalt  }
0x71: {  	_ =	shalt  }
0x72: {  	_ =	shalt  }
0x73: {  	_ =	shalt  }
0x74: {  	_ =	shalt  }
0x75: {  	_ =	shalt  }
0x76: {  	_ =	shalt  }
0x77: {  	_ =	shalt  }
0x78: {  	_ =	shalt  }
0x79: {  	_ =	shalt  }
0x7a: {  	_ =	shalt  }
0x7b: {  	_ =	shalt  }
0x7c: {  	_ =	shalt  }
0x7d: {  	_ =	shalt  }
0x7e: {  	_ =	shalt  }
0x7f: {  	_ =	shalt  }
0x80: {  	_ =	shalt  }
0x81: {  	_ =	shalt  }
0x82: {  	_ =	shalt  }
0x83: {  	_ =	shalt  }
0x84: {  	_ =	shalt  }
0x85: {  	_ =	shalt  }
0x86: {  	_ =	shalt  }
0x87: {  	_ =	shalt  }
.Lfunc_end0:
.L_simem_size_0:
called_computation.1_lowered:
.L_overlay_start_0:
0x88: {  	s2 =	sld [smem:$0x3FD9]  }
0x89: {  	s3 =	sld [smem:$0x3FFE];
	_ =	sdelay $0x1  }
0x8a: {  	s1 =	srdreg.scid  }
0x8b: {  	s0 =	sand.u32 $0x1, s1  }
0x8c: {  	s17 =	sshll.u32 s0, $0xA;
	s2 =	sadd.s32 s3, s2  }
0x8d: {  	s2 =	sadd.s32 s2, s17  }
0x8e: {  	[smem:$0x3FBC] =	sst s2  }
0x8f: {  	_ = 	snop  }
0x90: {  	s2 =	sld [smem:$0x3FD0];
	(tm) =	ssettm $0x1  }
0x91: {  	s18 =	sld [smem:$0x3FFB];
	_ =	sdelay $0x3  }
0x92: {  	_ =	strace s18  }
0x93: {  	s3 =	sld [smem:$0x3FFC];
	_ =	sdelay $0x3  }
0x94: {  	_ =	strace s3  }
0x95: {  	s3 =	sld [smem:$0x3FFD];
	_ =	sdelay $0x3  }
0x96: {  	_ =	strace s3  }
0x97: {  	_ =	strace $0x8FFFFFFF  }
0x98: {  	s19 =	sld [smem:$0x3FDB];
	_ =	sdelay $0x1  }
0x99: {  	s4 =	simm.s32 $_scs_section_size  }
0x9a: {  	s5 =	simm.s32 $_size__tile_overlayer_lowered;
	s6 =	simm.s32 $_tile_overlayer_lowered  }
0x9b: {  	s22 =	simm.s32 $0x1BFF;
	s21 =	sshll.u32 s6, $0x1;
	s3 =	sadd.s32 s4, s19  }
0x9c: {  	s7 =	simm.s32 $0x0;
	s20 =	sshll.u32 s5, $0x1;
	s5 =	sadd.s32 s21, s3  }
0x9d: {  	[timem:s7], [sflag:s22] =	dma.local [hbm:s5], s20  }
0x9e: {  	_ =	swait.ge [sflag:s22], s20  }
0x9f: {  	s4 =	ssub.s32 $0x0, s20;
	[sflag:s22] =	ssyncset.done $0x0  }
0xa0: {  	[sflag:s22] =	ssyncadd.s32 s4;
	_ =	sdelay $0x1  }
0xa1: {  	s23 =	simm.s32 $0x1B8B  }
0xa2: {  	_ =	swait.ge [sflag:s23], $0x1  }
0xa3: {  	[sflag:s23] =	ssyncset.done $0x0  }
0xa4: {  	s25 =	simm.s32 $0x1B8E;
	s24 =	sld [smem:$0x3FFE];
	[sflag:s23] =	ssyncadd.s32 $0xFFFFFFFF  }
0xa5: {  	s26 =	simm.s32 $execute0_lowered;
	[smem:$0x3FD2] =	sst s25  }
0xa6: {  	s5 =	sshll.u32 s26, $0x1;
	_ =	strace $0x80000049;
	[dreg:$0x1] =	wrdreg $0xFFFFFFFF  }
0xa7: {  	s28 =	simm.s32 $_size_execute0_lowered;
	s3 =	sadd.s32 s3, s5;
	[dreg:$0x0] =	wrdreg $0x0  }
0xa8: {  	s5 =	sshll.u32 s28, $0x1;
	[dreg:$0x2] =	wrdreg s3  }
0xa9: {  	[dreg:$0x3] =	wrdreg s5  }
0xaa: {  	[dreg:$0x4] =	wrdreg $0xC0  }
0xab: {  	_ =	task [dreg:s7], $0x5FFFF  }
0xac: {  	[dreg:$0x1] =	wrdreg $0xFFFFFFFF  }
0xad: {  	[dreg:$0x0] =	wrdreg $0x60  }
0xae: {  	[dreg:$0x2] =	wrdreg s24  }
0xaf: {  	[dreg:$0x3] =	wrdreg s2  }
0xb0: {  	[dreg:$0x4] =	wrdreg $0x9  }
0xb1: {  	_ =	task.clear_ibuf [dreg:s7], $0x5FFFF;
	_ =	strace $0x90000049  }
0xb2: {  	s29 =	simm.s32 $0x9;
	_ =	strace $0x8000004B  }
0xb3: {  	_ =	swait.ge [sflag:s29], $0x1  }
0xb4: {  	[sflag:s29] =	ssyncadd.s32 $0xFFFFFFFF  }
0xb5: {  	_ =	strace $0x9000004B  }
0xb6: {  	_ =	sfence  }
0xb7: {  	s30 =	sld [smem:$0x0];
	_ =	sdelay $0x2  }
0xb8: {  	s31 =	sshll.u32 s1, $0xD;
	s1 =	sshrl.u32 s1, $0x2  }
0xb9: {  	s3 =	sand.u32 $0x4000, s31;
	s1 =	sadd.s32 s1, s30  }
0xba: {  	s0 =	sor.u32 s3, s0;
	s1 =	sshll.u32 s1, $0x11  }
0xbb: {  	s0 =	sor.u32 s1, s0  }
0xbc: {  	s0 =	sadd.s32 $0x8F2B, s0  }
0xbd: {  	[sflag:s0] =	ssyncadd.remote.s32 $0x1  }
0xbe: {  	_ =	sfence.sel $0xFFFF  }
0xbf: {  	[dreg:$0x0] =	wrdreg $0xFFFFFFFF;
	(pc) =	sbr.abs _section_cstart, $3  }
0xc0: {  	[dreg:$0x1] =	wrdreg $0xFFFFFFFF  }
0xc1: {  	_ =	task.clear_ibuf [dreg:s7], $0x2FFFF;
	_ =	strace $0x9FFFFFFF  }
0xc2: {  	(tm) =	ssettm $0x7FFFFFFF  }
0xc3: {  	_ =	shalt  }
tec
execute0_lowered:
.L_overlay_start_1:
0x0: {  	(tag) =	ssettag $0x1  }
0x1: {  	s0 =	rddreg [dreg:$0x0]  }
0x2: {  	s2 =	rddreg [dreg:$0x1];
	s1 =	simm.s32 $0x0  }
0x3: {  	s5 =	srdreg.scid;
	s9 =	stileid.u32;
	s13 =	simm.s32 $0x5800  }
0x4: {  	s14 =	simm.s32 $0x3;
	s15 =	simm.s32 $0x80;
	s16 =	simm.s32 $0x1  }
0x5: {  	s17 =	simm.s32 $0x2;
	s21 =	simm.s32 $0x4880;
	s24 =	simm.s32 $0x4900  }
0x6: {  	s28 =	simm.s32 $0x4980;
	s31 =	simm.s32 $0x4A00;
	s19 =	simm.s32 $0x4A80  }
0x7: {  	s23 =	simm.s32 $0x4B00;
	s29 =	simm.s32 $0x4B80;
	s3 =	sadd.s32 $0x30E200, s0  }
0x8: {  	[smem:$0x7FF] =	sst s1;
	s4 =	sadd.s32 $0xE00, s0;
	s10 =	sadd.s32 $0x36FC00, s0  }
0x9: {  	s5 =	sand.u32 $0x1, s5;
	s11 =	sadd.s32 $0x30DE00, s0;
	_ =	strace $0x8000004A  }
0xa: {  	s7 =	ssub.s32 $0x2, s5;
	s6 =	sshll.u32 s5, $0x4;
	s5 =	sadd.s32 $0x3BB600, s0  }
.Ltmp0:
0xb: {  	s8 =	sshrl.u32 s7, $0x1;
	s18 =	sor.u32 s9, s6;
	(pc) =	sbr.rel .LBB2_1-.Ltmp0, $4  }
0xc: {  	s6 =	sadd.s32 $0x41D200, s0;
	s12 =	ssub.s32 s7, s8;
	s30 =	sshll.u32 s18, $0x6  }
0xd: {  	p0 =	seq.s32 s18, $0x1F;
	s8 =	simm.s32 $0x2B;
	s9 =	smul.u32 $0x18800, s18  }
0xe: {  	s7 =	sadd.s32 s2, s30;
	s8 =	simm.s32 @!p0 $0x31;
	s12 =	smax.u32 s12, $0x1  }
0xf: {  	v0 =	vlaneseq.u32;
	p0 =	sne.s32 s18, $0x1F;
	s18 =	simm.s32 $0x4800;
	s2 =	simm.s32 $0x0  }
.LBB2_15:
0x10: {  	s2 =	sadd.s32 $0x1, s2  }
0x11: {  	p1 =	sne.s32 s2, s12  }
.Ltmp1:
0x12: {  	_ = 	snop;
	(pc) =	sbr.rel @!p1 .LBB2_16-.Ltmp1, $1  }
0x13: {  	_ =	sdelay $0x3  }
.LBB2_1:
0x14: {  	[tilespmem:s13], [sflag:$0x3] =	stream.linear.gather [hbm4b:s7+s1], $0x200, $0x38;
	[tilespmem:$0x5A00] =	vst v63  }
0x15: {  	_ =	swait.ge [sflag:s14], $0x200  }
0x16: {  	[sflag:s14] =	ssyncset.done $0x0  }
0x17: {  	s20 =	simm.s32 $0x0;
	[sflag:s14] =	ssyncadd.s32 $0xFFFFFE00  }
.LBB2_2:
0x18: {  	s0 =	sshll.u32 s20, $0xB  }
0x19: {  	s0 =	sadd.s32 s9, s0  }
0x1a: {  	s22 =	sshrl.u32 s0, $0x3  }
0x1b: {  	s25 =	simm.s32 $0x0;
	s22 =	sadd.s32 s3, s22  }
0x1c: {  	[tilespmem:s25], [sflag:$0x3] =	stream.linear.gather [hbm4b:s22+s25], $0x800, $0x38;
	[tilespmem:$0x5A00] =	vst v63  }
0x1d: {  	s26 =	simm.s32 $0x1;
	_ =	swait.ge [sflag:s14], $0x800  }
0x1e: {  	s30 =	simm.s32 $0x808;
	s22 =	sadd.s32 s4, s0;
	[sflag:s14] =	ssyncset.done $0x0  }
0x1f: {  	s25 =	simm.s32 $0x800;
	s0 =	sadd.s32 $0x0, s22;
	[sflag:s14] =	ssyncadd.s32 $0xFFFFF800  }
.LBB2_3:
0x20: {  	[tilespmem:s25], [sflag:$0x3] =	stream.linear.gather [hbm4b:s0+s1], $0x7, $0x38;
	[tilespmem:$0x5A00] =	vst v63  }
0x21: {  	s0 =	smov.u32 s26;
	s25 =	smov.u32 s30;
	p1 =	sne.s32 s26, $0x7FF  }
.Ltmp2:
0x22: {  	s26 =	sadd.s32 $0x1, s26;
	(pc) =	sbr.rel @p1 .LBB2_3-.Ltmp2, $2  }
0x23: {  	_ =	sdelay $0x2  }
0x24: {  	s30 =	sadd.s32 $0x8, s30;
	s0 =	sadd.s32 s0, s22  }
0x25: {  	[tilespmem:s25], [sflag:$0x3] =	stream.linear.gather [hbm4b:s0+s1], $0x7, $0x38;
	[tilespmem:$0x5A00] =	vst v63  }
0x26: {  	_ =	swait.ge [sflag:s14], $0x3800  }
0x27: {  	[sflag:s14] =	ssyncset.done $0x0  }
0x28: {  	s22 =	simm.s32 $0x0;
	[sflag:s14] =	ssyncadd.s32 $0xFFFFC800  }
.LBB2_5:
0x29: {  	s0 =	sshra.s32 s22, $0x2  }
0x2a: {  	v1 =	vld [tilespmem:s0+$0x0];
	_ =	sdelay $0x4  }
0x2b: {  	v2 =	vshrl.u32 v1, $0x7  }
0x2c: {  	v2 =	vmul.u32 $0xA4, v2;
	_ =	sdelay $0x1  }
0x2d: {  	v2 =	vshrl.u32 v2, $0xC  }
0x2e: {  	v3 =	vshll.u32 v2, $0x4  }
0x2f: {  	v3 =	vor.u32 v0, v3;
	_ =	sdelay $0x4  }
0x30: {  	v4 =	vld.idx.msk [tilespmem:v3+s13+$0x0], $0xffff;
	_ =	sdelay $0x2  }
0x31: {  	p1 =	sne.s32 s22, $0x1FC0  }
.Ltmp3:
0x32: {  	_ = 	snop;
	(pc) =	sbr.rel @p1 .LBB2_5-.Ltmp3, $4  }
0x33: {  	v2 =	vmul.u32 $0xFFFFF380, v2;
	v5 =	vadd.s32 $0x1, v4  }
0x34: {  	[tilespmem:v3+s13+$0x0] =	vst.idx.msk $0xffff, v5  }
0x35: {  	v1 =	vadd.s32 v1, v2;
	[tilespmem:s0+$0x4800] =	vst v4  }
0x36: {  	s22 =	sadd.s32 $0x40, s22;
	[tilespmem:s0+$0x5000] =	vst v1  }
0x37: {  	s0 =	simm.s32 $0x5000;
	s22 =	simm.s32 $0x4800  }
0x38: {  	[hbm4b:s5+s15] =	stream.indirect.scatter [tilespmem:s0], [sflag:$0x1], $0x1, s22, s15, $0xb8;
	[tilespmem:$0x5A00] =	vst v63  }
0x39: {  	s30 =	simm.s32 $0x800  }
0x3a: {  	[hbm4b:s6+s15] =	stream.indirect.scatter [tilespmem:s30], [sflag:$0x2], $0x8, s22, s15, $0xb8;
	[tilespmem:$0x5A00] =	vst v63  }
0x3b: {  	_ =	swait.ge [sflag:s16], $0x80  }
0x3c: {  	[sflag:s16] =	ssyncset.done $0x0  }
0x3d: {  	[sflag:s16] =	ssyncadd.s32 $0xFFFFFF80  }
0x3e: {  	s25 =	simm.s32 $0x400;
	_ =	swait.ge [sflag:s17], $0x400  }
0x3f: {  	s26 =	simm.s32 $0x80;
	s22 =	simm.s32 $0xC00;
	[sflag:s17] =	ssyncset.done $0x0  }
.LBB2_7:
0x40: {  	s0 =	sadd.s32 $0x5000, s26;
	s26 =	sadd.s32 $0x4800, s26;
	[sflag:s17] =	ssyncadd.s32 $0xFFFFFC00  }
0x41: {  	[hbm4b:s5+s15] =	stream.indirect.scatter [tilespmem:s0], [sflag:$0x1], $0x1, s26, s15, $0xb8;
	[tilespmem:$0x5A00] =	vst v63  }
0x42: {  	p1 =	sne.s32 s25, $0x1E00;
	s0 =	smov.u32 s25;
	s25 =	sadd.s32 $0x200, s25  }
0x43: {  	[hbm4b:s6+s15] =	stream.indirect.scatter [tilespmem:s22], [sflag:$0x2], $0x8, s26, s15, $0xb8;
	[tilespmem:$0x5A00] =	vst v63  }
.Ltmp4:
0x44: {  	_ =	swait.ge [sflag:s16], $0x80;
	(pc) =	sbr.rel @p1 .LBB2_7-.Ltmp4, $4  }
0x45: {  	[sflag:s16] =	ssyncset.done $0x0  }
0x46: {  	[sflag:s16] =	ssyncadd.s32 $0xFFFFFF80  }
0x47: {  	_ =	swait.ge [sflag:s17], $0x400  }
0x48: {  	s26 =	sshra.s32 s0, $0x2;
	s22 =	sadd.s32 $0x400, s22;
	[sflag:s17] =	ssyncset.done $0x0  }
0x49: {  	s0 =	sadd.s32 $0x5000, s26;
	s25 =	sadd.s32 $0x4800, s26;
	[sflag:s17] =	ssyncadd.s32 $0xFFFFFC00  }
0x4a: {  	[hbm4b:s5+s15] =	stream.indirect.scatter [tilespmem:s0], [sflag:$0x1], $0x1, s25, s15, $0xb8;
	[tilespmem:$0x5A00] =	vst v63  }
0x4b: {  	s20 =	sadd.s32 $0x1, s20  }
0x4c: {  	[hbm4b:s6+s15] =	stream.indirect.scatter [tilespmem:s22], [sflag:$0x2], $0x8, s25, s15, $0xb8;
	[tilespmem:$0x5A00] =	vst v63  }
0x4d: {  	p1 =	sne.s32 s20, s8;
	_ =	swait.ge [sflag:s16], $0x80  }
.Ltmp5:
0x4e: {  	[sflag:s16] =	ssyncset.done $0x0;
	(pc) =	sbr.rel @p1 .LBB2_2-.Ltmp5, $4  }
0x4f: {  	[sflag:s16] =	ssyncadd.s32 $0xFFFFFF80  }
0x50: {  	_ =	swait.ge [sflag:s17], $0x400  }
0x51: {  	[sflag:s17] =	ssyncset.done $0x0  }
0x52: {  	[sflag:s17] =	ssyncadd.s32 $0xFFFFFC00  }
.Ltmp6:
0x53: {  	(pc) =	sbr.rel @p0 .LBB2_15-.Ltmp6, $1  }
0x54: {  	_ =	sdelay $0x3  }
0x55: {  	s0 =	simm.s32 $0x0  }
0x56: {  	[tilespmem:s0], [sflag:$0x3] =	stream.linear.gather [hbm4b:s10+s0], $0x400, $0x38;
	[tilespmem:$0x5A00] =	vst v63  }
0x57: {  	_ =	swait.ge [sflag:s14], $0x400  }
0x58: {  	s20 =	simm.s32 $0x800;
	s22 =	simm.s32 $0x1;
	[sflag:s14] =	ssyncset.done $0x0  }
0x59: {  	s25 =	simm.s32 $0x808;
	s0 =	sadd.s32 $0x0, s11;
	[sflag:s14] =	ssyncadd.s32 $0xFFFFFC00  }
.LBB2_11:
0x5a: {  	[tilespmem:s20], [sflag:$0x3] =	stream.linear.gather [hbm4b:s0+s1], $0x7, $0x38;
	[tilespmem:$0x5A00] =	vst v63  }
0x5b: {  	s0 =	smov.u32 s22;
	s20 =	smov.u32 s25;
	p1 =	sne.s32 s22, $0x3FF  }
.Ltmp7:
0x5c: {  	s22 =	sadd.s32 $0x1, s22;
	(pc) =	sbr.rel @p1 .LBB2_11-.Ltmp7, $2  }
0x5d: {  	_ =	sdelay $0x2  }
0x5e: {  	s25 =	sadd.s32 $0x8, s25;
	s0 =	sadd.s32 s0, s11  }
0x5f: {  	[tilespmem:s20], [sflag:$0x3] =	stream.linear.gather [hbm4b:s0+s1], $0x7, $0x38;
	[tilespmem:$0x5A00] =	vst v63  }
0x60: {  	_ =	swait.ge [sflag:s14], $0x1C00  }
0x61: {  	[sflag:s14] =	ssyncset.done $0x0  }
0x62: {  	s20 =	simm.s32 $0x0;
	[sflag:s14] =	ssyncadd.s32 $0xFFFFE400  }
0x63: {  	v1 =	vld [tilespmem:s20+$0x0];
	_ =	sdelay $0x4  }
0x64: {  	v2 =	vshrl.u32 v1, $0x7  }
0x65: {  	v2 =	vmul.u32 $0xA4, v2;
	_ =	sdelay $0x1  }
0x66: {  	v3 =	vshrl.u32 v2, $0xC  }
0x67: {  	v2 =	vshll.u32 v3, $0x4  }
0x68: {  	v4 =	vor.u32 v0, v2;
	_ =	sdelay $0x4  }
0x69: {  	v2 =	vld.idx.msk [tilespmem:v4+s13+$0x0], $0xffff;
	_ =	sdelay $0x3  }
0x6a: {  	v3 =	vmul.u32 $0xFFFFF380, v3  }
0x6b: {  	v5 =	vadd.s32 $0x1, v2  }
0x6c: {  	s22 =	simm.s32 $0x80;
	s25 =	simm.s32 $0x10;
	v1 =	vadd.s32 v1, v3;
	[tilespmem:v4+s13+$0x0] =	vst.idx.msk $0xffff, v5  }
.LBB2_13:
0x6d: {  	p1 =	sne.s32 s22, $0xFC0;
	v3 =	vld [tilespmem:s25+$0x0];
	[tilespmem:s20+$0x4800] =	vst v2;
	s0 =	smov.u32 s22;
	s22 =	sadd.s32 $0x40, s22  }
0x6e: {  	[tilespmem:s20+$0x5000] =	vst v1;
	s20 =	smov.u32 s25;
	_ =	sdelay $0x3  }
0x6f: {  	v1 =	vshrl.u32 v3, $0x7  }
0x70: {  	v1 =	vmul.u32 $0xA4, v1;
	_ =	sdelay $0x1  }
0x71: {  	v1 =	vshrl.u32 v1, $0xC  }
0x72: {  	v2 =	vmul.u32 $0xFFFFF380, v1;
	v1 =	vshll.u32 v1, $0x4  }
0x73: {  	v4 =	vor.u32 v0, v1  }
0x74: {  	v1 =	vadd.s32 v3, v2;
	_ =	sdelay $0x3  }
0x75: {  	v2 =	vld.idx.msk [tilespmem:v4+s13+$0x0], $0xffff;
	_ =	sdelay $0x2  }
.Ltmp8:
0x76: {  	(pc) =	sbr.rel @p1 .LBB2_13-.Ltmp8, $3  }
0x77: {  	_ =	sdelay $0x1  }
0x78: {  	v3 =	vadd.s32 $0x1, v2  }
0x79: {  	s25 =	sshra.s32 s0, $0x2;
	[tilespmem:v4+s13+$0x0] =	vst.idx.msk $0xffff, v3  }
0x7a: {  	v3 =	vld [tilespmem:s25+$0x0];
	_ =	sdelay $0x4  }
0x7b: {  	v4 =	vshrl.u32 v3, $0x7  }
0x7c: {  	v4 =	vmul.u32 $0xA4, v4;
	_ =	sdelay $0x1  }
0x7d: {  	v4 =	vshrl.u32 v4, $0xC  }
0x7e: {  	v5 =	vshll.u32 v4, $0x4  }
0x7f: {  	v5 =	vor.u32 v0, v5;
	_ =	sdelay $0x2  }
0x80: {  	[tilespmem:s20+$0x4800] =	vst v2  }
0x81: {  	[tilespmem:s20+$0x5000] =	vst v1  }
0x82: {  	v1 =	vld.idx.msk [tilespmem:v5+s13+$0x0], $0xffff;
	_ =	sdelay $0x4  }
0x83: {  	v2 =	vmul.u32 $0xFFFFF380, v4;
	v63 =	vadd.s32 $0x1, v1  }
0x84: {  	[tilespmem:v5+s13+$0x0] =	vst.idx.msk $0xffff, v63  }
0x85: {  	v2 =	vadd.s32 v3, v2;
	[tilespmem:s25+$0x4800] =	vst v1  }
0x86: {  	s0 =	simm.s32 $0x5000;
	[tilespmem:s25+$0x5000] =	vst v2  }
0x87: {  	[hbm4b:s5+s15] =	stream.indirect.scatter [tilespmem:s0], [sflag:$0x1], $0x1, s18, s15, $0xb8;
	[tilespmem:$0x5A00] =	vst v63  }
0x88: {  	s20 =	simm.s32 $0x800  }
0x89: {  	[hbm4b:s6+s15] =	stream.indirect.scatter [tilespmem:s20], [sflag:$0x2], $0x8, s18, s15, $0xb8;
	[tilespmem:$0x5A00] =	vst v63  }
0x8a: {  	_ =	swait.ge [sflag:s16], $0x80  }
0x8b: {  	[sflag:s16] =	ssyncset.done $0x0  }
0x8c: {  	[sflag:s16] =	ssyncadd.s32 $0xFFFFFF80  }
0x8d: {  	_ =	swait.ge [sflag:s17], $0x400  }
0x8e: {  	[sflag:s17] =	ssyncset.done $0x0  }
0x8f: {  	s22 =	simm.s32 $0x5080;
	[sflag:s17] =	ssyncadd.s32 $0xFFFFFC00  }
0x90: {  	[hbm4b:s5+s15] =	stream.indirect.scatter [tilespmem:s22], [sflag:$0x1], $0x1, s21, s15, $0xb8;
	[tilespmem:$0x5A00] =	vst v63  }
0x91: {  	s25 =	simm.s32 $0xC00  }
0x92: {  	[hbm4b:s6+s15] =	stream.indirect.scatter [tilespmem:s25], [sflag:$0x2], $0x8, s21, s15, $0xb8;
	[tilespmem:$0x5A00] =	vst v63  }
0x93: {  	_ =	swait.ge [sflag:s16], $0x80  }
0x94: {  	[sflag:s16] =	ssyncset.done $0x0  }
0x95: {  	[sflag:s16] =	ssyncadd.s32 $0xFFFFFF80  }
0x96: {  	_ =	swait.ge [sflag:s17], $0x400  }
0x97: {  	[sflag:s17] =	ssyncset.done $0x0  }
0x98: {  	s26 =	simm.s32 $0x5100;
	[sflag:s17] =	ssyncadd.s32 $0xFFFFFC00  }
0x99: {  	[hbm4b:s5+s15] =	stream.indirect.scatter [tilespmem:s26], [sflag:$0x1], $0x1, s24, s15, $0xb8;
	[tilespmem:$0x5A00] =	vst v63  }
0x9a: {  	s30 =	simm.s32 $0x1000  }
0x9b: {  	[hbm4b:s6+s15] =	stream.indirect.scatter [tilespmem:s30], [sflag:$0x2], $0x8, s24, s15, $0xb8;
	[tilespmem:$0x5A00] =	vst v63  }
0x9c: {  	_ =	swait.ge [sflag:s16], $0x80  }
0x9d: {  	[sflag:s16] =	ssyncset.done $0x0  }
0x9e: {  	[sflag:s16] =	ssyncadd.s32 $0xFFFFFF80  }
0x9f: {  	_ =	swait.ge [sflag:s17], $0x400  }
0xa0: {  	[sflag:s17] =	ssyncset.done $0x0  }
0xa1: {  	s20 =	simm.s32 $0x5180;
	[sflag:s17] =	ssyncadd.s32 $0xFFFFFC00  }
0xa2: {  	[hbm4b:s5+s15] =	stream.indirect.scatter [tilespmem:s20], [sflag:$0x1], $0x1, s28, s15, $0xb8;
	[tilespmem:$0x5A00] =	vst v63  }
0xa3: {  	s22 =	simm.s32 $0x1400  }
0xa4: {  	[hbm4b:s6+s15] =	stream.indirect.scatter [tilespmem:s22], [sflag:$0x2], $0x8, s28, s15, $0xb8;
	[tilespmem:$0x5A00] =	vst v63  }
0xa5: {  	_ =	swait.ge [sflag:s16], $0x80  }
0xa6: {  	[sflag:s16] =	ssyncset.done $0x0  }
0xa7: {  	[sflag:s16] =	ssyncadd.s32 $0xFFFFFF80  }
0xa8: {  	_ =	swait.ge [sflag:s17], $0x400  }
0xa9: {  	[sflag:s17] =	ssyncset.done $0x0  }
0xaa: {  	s25 =	simm.s32 $0x5200;
	[sflag:s17] =	ssyncadd.s32 $0xFFFFFC00  }
0xab: {  	[hbm4b:s5+s15] =	stream.indirect.scatter [tilespmem:s25], [sflag:$0x1], $0x1, s31, s15, $0xb8;
	[tilespmem:$0x5A00] =	vst v63  }
0xac: {  	s26 =	simm.s32 $0x1800  }
0xad: {  	[hbm4b:s6+s15] =	stream.indirect.scatter [tilespmem:s26], [sflag:$0x2], $0x8, s31, s15, $0xb8;
	[tilespmem:$0x5A00] =	vst v63  }
0xae: {  	_ =	swait.ge [sflag:s16], $0x80  }
0xaf: {  	[sflag:s16] =	ssyncset.done $0x0  }
0xb0: {  	[sflag:s16] =	ssyncadd.s32 $0xFFFFFF80  }
0xb1: {  	_ =	swait.ge [sflag:s17], $0x400  }
0xb2: {  	[sflag:s17] =	ssyncset.done $0x0  }
0xb3: {  	s30 =	simm.s32 $0x5280;
	[sflag:s17] =	ssyncadd.s32 $0xFFFFFC00  }
0xb4: {  	[hbm4b:s5+s15] =	stream.indirect.scatter [tilespmem:s30], [sflag:$0x1], $0x1, s19, s15, $0xb8;
	[tilespmem:$0x5A00] =	vst v63  }
0xb5: {  	s20 =	simm.s32 $0x1C00  }
0xb6: {  	[hbm4b:s6+s15] =	stream.indirect.scatter [tilespmem:s20], [sflag:$0x2], $0x8, s19, s15, $0xb8;
	[tilespmem:$0x5A00] =	vst v63  }
0xb7: {  	_ =	swait.ge [sflag:s16], $0x80  }
0xb8: {  	[sflag:s16] =	ssyncset.done $0x0  }
0xb9: {  	[sflag:s16] =	ssyncadd.s32 $0xFFFFFF80  }
0xba: {  	_ =	swait.ge [sflag:s17], $0x400  }
0xbb: {  	[sflag:s17] =	ssyncset.done $0x0  }
0xbc: {  	s22 =	simm.s32 $0x5300;
	[sflag:s17] =	ssyncadd.s32 $0xFFFFFC00  }
0xbd: {  	[hbm4b:s5+s15] =	stream.indirect.scatter [tilespmem:s22], [sflag:$0x1], $0x1, s23, s15, $0xb8;
	[tilespmem:$0x5A00] =	vst v63  }
0xbe: {  	s25 =	simm.s32 $0x2000  }
0xbf: {  	[hbm4b:s6+s15] =	stream.indirect.scatter [tilespmem:s25], [sflag:$0x2], $0x8, s23, s15, $0xb8;
	[tilespmem:$0x5A00] =	vst v63  }
0xc0: {  	_ =	swait.ge [sflag:s16], $0x80  }
0xc1: {  	[sflag:s16] =	ssyncset.done $0x0  }
0xc2: {  	[sflag:s16] =	ssyncadd.s32 $0xFFFFFF80  }
0xc3: {  	_ =	swait.ge [sflag:s17], $0x400  }
0xc4: {  	[sflag:s17] =	ssyncset.done $0x0  }
0xc5: {  	s26 =	simm.s32 $0x5380;
	[sflag:s17] =	ssyncadd.s32 $0xFFFFFC00  }
0xc6: {  	[hbm4b:s5+s15] =	stream.indirect.scatter [tilespmem:s26], [sflag:$0x1], $0x1, s29, s15, $0xb8;
	[tilespmem:$0x5A00] =	vst v63  }
0xc7: {  	s30 =	simm.s32 $0x2400  }
0xc8: {  	[hbm4b:s6+s15] =	stream.indirect.scatter [tilespmem:s30], [sflag:$0x2], $0x8, s29, s15, $0xb8;
	[tilespmem:$0x5A00] =	vst v63  }
0xc9: {  	_ =	swait.ge [sflag:s16], $0x80  }
.Ltmp9:
0xca: {  	[sflag:s16] =	ssyncset.done $0x0;
	(pc) =	sbr.rel .LBB2_15-.Ltmp9, $4  }
0xcb: {  	[sflag:s16] =	ssyncadd.s32 $0xFFFFFF80  }
0xcc: {  	_ =	swait.ge [sflag:s17], $0x400  }
0xcd: {  	[sflag:s17] =	ssyncset.done $0x0  }
0xce: {  	[sflag:s17] =	ssyncadd.s32 $0xFFFFFC00  }
.LBB2_16:
0xcf: {  	_ =	sfence.sel $0x180000  }
0xd0: {  	[bflag:$0x0] =	sbarrier.arrive $0xFFFF  }
0xd1: {  	_ =	strace $0x9000004A  }
0xd2: {  	s0 =	stileid.u32;
	[bflag:$0x2] =	sbarrier.arrive $0xFFFF  }
0xd3: {  	p0 =	sne.s32 s0, $0x0;
	s0 =	rddreg [dreg:$0x2]  }
0xd4: {  	s0 =	sadd.s32 @!p0 $0x100000, s0  }
0xd5: {  	[sflag:s0] =	ssyncadd.tile.s32 @!p0 $0x1;
	_ =	shalt  }
.Lfunc_end2:
_tile_overlayer_lowered:
.L_overlay_start_2:
0xd6: {  	(tag) =	ssettag $0x2  }
0xd7: {  	s0 =	rddreg [dreg:$0x0];
	s2 =	stileid.u32  }
0xd8: {  	s1 =	rddreg [dreg:$0x1];
	p0 =	sne.s32 s2, $0x0  }
0xd9: {  	s3 =	rddreg [dreg:$0x2];
	[bflag:$0x3] =	sbarrier.arrive $0xFFFF;
	s2 =	simm.s32 @!p0 $0x1C03  }
0xda: {  	[timem:s3], [sflag:s2] =	dma.local @!p0 [hbm:s0], s1  }
0xdb: {  	s0 =	simm.s32 @!p0 $0x3  }
0xdc: {  	_ =	swait.ge @!p0 [sflag:s0], s1  }
0xdd: {  	s1 =	ssub.s32 @!p0 $0x0, s1;
	[sflag:s0] =	ssyncset.done @!p0 $0x0  }
0xde: {  	[sflag:s0] =	ssyncadd.s32 @!p0 s1  }
0xdf: {  	[bflag:$0x3] =	sbarrier.arrive $0xFFFF  }
0xe0: {  	_ =	shalt  }

</sc_bundles>
